<compile_context>
chip_gen: v7x
topology: tpu7x:2x2x1
jax: 0.10.2.dev20260603
libtpu: 0.0.44.dev20260713+nightly
codegen_flags: <defaults>
</compile_context>

<pallas_src>
import functools

import jax
import jax.numpy as jnp
from jax import lax
from jax.experimental import pallas as pl
from jax.experimental.pallas import tpu as pltpu
from jax.experimental.pallas import tpu_sc as plsc

D = 512
NC = 2
NS = 16
NW = NC * NS
L = 16


@functools.cache
def _make_sc_lookup(B, T):
    N = B * T
    TW = T // NW
    NPW = B * TW
    C = TW
    NCH = B
    NB = 2

    mesh = plsc.VectorSubcoreMesh(core_axis_name="c", subcore_axis_name="s",
                                  num_cores=NC, num_subcores=NS)

    @functools.partial(
        pl.kernel,
        out_type=jax.ShapeDtypeStruct((N, D), jnp.float32),
        mesh=mesh,
        scratch_types=[
            pltpu.VMEM((NPW,), jnp.int32),
            pltpu.VMEM((TW, D), jnp.float32),
            [pltpu.VMEM((C, D), jnp.float32) for _ in range(NB)],
            pltpu.SemaphoreType.DMA,
            pltpu.SemaphoreType.DMA,
            [pltpu.SemaphoreType.DMA for _ in range(NB)],
            [pltpu.SemaphoreType.DMA for _ in range(NB)],
        ],
    )
    def lookup(ids_hbm, tok_hbm, pos_hbm, out_hbm, idx_v, pos_v, rows_v,
               psem, isem, gsem, wsem):
        wid = lax.axis_index("s") * NC + lax.axis_index("c")
        t0 = wid * TW
        pltpu.async_copy(pos_hbm.at[pl.ds(t0, TW)], pos_v, psem)
        for b in range(B):
            pltpu.async_copy(ids_hbm.at[b, pl.ds(t0, TW)],
                             idx_v.at[pl.ds(b * TW, TW)], isem)
        for b in range(B):
            pltpu.make_async_copy(ids_hbm.at[0, pl.ds(0, TW)],
                                  idx_v.at[pl.ds(0, TW)], isem).wait()

        def prefetch(ch, buf):
            pltpu.async_copy(tok_hbm.at[idx_v.at[pl.ds(ch * C, C)]],
                             rows_v[buf], gsem[buf])

        for g in range(min(NB - 1, NCH)):
            prefetch(g, g % NB)
        pltpu.make_async_copy(pos_hbm.at[pl.ds(0, TW)], pos_v, psem).wait()
        for ch in range(NCH):
            buf = ch % NB
            g = ch + NB - 1
            if g < NCH:
                gb = g % NB
                if g >= NB:
                    pltpu.make_async_copy(rows_v[gb],
                                          out_hbm.at[pl.ds(0, C)],
                                          wsem[gb]).wait()
                prefetch(g, gb)
            pltpu.make_async_copy(tok_hbm.at[pl.ds(0, C)], rows_v[buf],
                                  gsem[buf]).wait()

            def row_add(r, carry, buf=buf):
                for j in range(D // L):
                    plsc.addupdate(rows_v[buf].at[r, pl.ds(j * L, L)],
                                   pos_v[r, pl.ds(j * L, L)])
                return carry

            lax.fori_loop(0, C, row_add, 0)
            pltpu.async_copy(rows_v[buf], out_hbm.at[pl.ds(ch * T + t0, C)],
                             wsem[buf])
        for ch in range(max(0, NCH - NB), NCH):
            buf = ch % NB
            pltpu.make_async_copy(rows_v[buf], out_hbm.at[pl.ds(0, C)],
                                  wsem[buf]).wait()

    return lookup


def kernel(input_ids, token_table, pos_table):
    B, T = input_ids.shape
    ids = input_ids.astype(jnp.int32)
    out = _make_sc_lookup(B, T)(ids, token_table, pos_table)
    return out.reshape(B, T, D)

# --- scband reference (transcript-rebuilt; emitter-appended) ---
"""Pipeline reference for scband-token-positional-embedding-57329223467463 (READ-ONLY COPY).

The authoritative reference and input builder live on the scoring server;
editing this copy changes nothing except your own understanding.
"""

import jax, jax.numpy as jnp
import numpy as np

VOCAB = 100000
D_MODEL = 512
BLOCK_SIZE = 2048
B = 4
T = 2048

def setup_inputs(seed: int = 0) -> dict:
    key = jax.random.key(seed)
    k1, k2, k3 = jax.random.split(key, 3)
    input_ids = jax.random.randint(k1, (B, T), 0, VOCAB, dtype=jnp.int64)
    token_table = jax.random.normal(k2, (VOCAB, D_MODEL), dtype=jnp.float32) * 0.02
    pos_table = jax.random.normal(k3, (BLOCK_SIZE, D_MODEL), dtype=jnp.float32) * 0.02
    return {"input_ids": input_ids, "token_table": token_table, "pos_table": pos_table}

def reference(input_ids, token_table, pos_table):
    bsz, seqlen = input_ids.shape
    # token embedding: gather rows of token_table
    tok = jnp.take(token_table, input_ids, axis=0)  # [B, T, d_model]
    # positional embedding: gather rows 0..T-1 of pos_table, broadcast over batch
    pos_ids = jnp.arange(seqlen)[None, :]  # [1, T]
    pos = jnp.take(pos_table, pos_ids, axis=0)  # [1, T, d_model]
    return tok + pos

if __name__ == "__main__":
    import jax
    _d = setup_inputs()
    print(jax.jit(kernel)(*tuple(_d.values())))

</pallas_src>

<mosaic_0001>
#map = affine_map<(d0, d1) -> (0, 0)>
module attributes {stable_mosaic.version = 14 : i64} {
  func.func @lookup(%arg0: i32, %arg1: i32, %arg2: memref<4x2048xi32, #tpu.memory_space<hbm>>, %arg3: memref<100000x512xf32, #tpu.memory_space<hbm>>, %arg4: memref<2048x512xf32, #tpu.memory_space<hbm>>, %arg5: memref<8192x512xf32, #tpu.memory_space<hbm>>, %arg6: memref<256xi32, #tpu.memory_space<vmem>>, %arg7: memref<64x512xf32, #tpu.memory_space<vmem>>, %arg8: memref<64x512xf32, #tpu.memory_space<vmem>>, %arg9: memref<64x512xf32, #tpu.memory_space<vmem>>, %arg10: memref<!tpu.dma_semaphore, #tpu.memory_space<semaphore_mem>>, %arg11: memref<!tpu.dma_semaphore, #tpu.memory_space<semaphore_mem>>, %arg12: memref<!tpu.dma_semaphore, #tpu.memory_space<semaphore_mem>>, %arg13: memref<!tpu.dma_semaphore, #tpu.memory_space<semaphore_mem>>, %arg14: memref<!tpu.dma_semaphore, #tpu.memory_space<semaphore_mem>>, %arg15: memref<!tpu.dma_semaphore, #tpu.memory_space<semaphore_mem>>) attributes {dimension_semantics = [#tpu.dimension_semantics<core_parallel>, #tpu.dimension_semantics<subcore_parallel>], iteration_bounds = array<i64: 2, 16>, scalar_prefetch = 0 : i64, scratch_operands = 10 : i64, tpu.core_type = #tpu.core_type<sc_vector_subcore>, window_params = [{transform_indices = #map}, {transform_indices = #map}, {transform_indices = #map}, {transform_indices = #map}]} {
    %mul3A = arith.constant 2 : i32
    %mul3A_0 = arith.muli %arg1, %mul3A : i32
    %add3A = arith.addi %mul3A_0, %arg0 : i32
    %mul3A_1 = arith.constant 64 : i32
    %mul3A_2 = arith.muli %add3A, %mul3A_1 : i32
    %dma_start3A = arith.constant 0 : i32
    %dma_start3A_3 = tpu.memref_slice %arg4[%mul3A_2, %dma_start3A] : memref<2048x512xf32, #tpu.memory_space<hbm>> -> memref<64x512xf32, #tpu.memory_space<hbm>>
    %dma_start3A_4 = arith.constant 0 : i32
    %dma_start3A_5 = tpu.memref_slice %arg4[%mul3A_2, %dma_start3A_4] : memref<2048x512xf32, #tpu.memory_space<hbm>> -> memref<64x512xf32, #tpu.memory_space<hbm>>
    tpu.enqueue_dma source(%dma_start3A_5 : memref<64x512xf32, #tpu.memory_space<hbm>>) target(%arg7 : memref<64x512xf32, #tpu.memory_space<vmem>>) target_semaphore(%arg10 : memref<!tpu.dma_semaphore, #tpu.memory_space<semaphore_mem>>)
    %dma_start3A_6 = arith.constant 0 : i32
    %dma_start3A_7 = arith.constant 0 : i32
    %dma_start3A_8 = tpu.memref_slice %arg6[%dma_start3A_7] : memref<256xi32, #tpu.memory_space<vmem>> -> memref<64xi32, #tpu.memory_space<vmem>>
    %dma_start3A_9 = tpu.memref_slice %arg2[%dma_start3A_6, %mul3A_2] : memref<4x2048xi32, #tpu.memory_space<hbm>> -> memref<1x64xi32, #tpu.memory_space<hbm>>
    %dma_start3A_10 = tpu.memref_squeeze %dma_start3A_9 : memref<1x64xi32, #tpu.memory_space<hbm>> -> memref<64xi32, #tpu.memory_space<hbm>>
    %dma_start3A_11 = arith.constant 0 : i32
    %dma_start3A_12 = tpu.memref_slice %arg6[%dma_start3A_11] : memref<256xi32, #tpu.memory_space<vmem>> -> memref<64xi32, #tpu.memory_space<vmem>>
    %dma_start3A_13 = tpu.memref_slice %arg2[%dma_start3A_6, %mul3A_2] : memref<4x2048xi32, #tpu.memory_space<hbm>> -> memref<1x64xi32, #tpu.memory_space<hbm>>
    %dma_start3A_14 = tpu.memref_squeeze %dma_start3A_13 : memref<1x64xi32, #tpu.memory_space<hbm>> -> memref<64xi32, #tpu.memory_space<hbm>>
    tpu.enqueue_dma source(%dma_start3A_14 : memref<64xi32, #tpu.memory_space<hbm>>) target(%dma_start3A_12 : memref<64xi32, #tpu.memory_space<vmem>>) target_semaphore(%arg11 : memref<!tpu.dma_semaphore, #tpu.memory_space<semaphore_mem>>)
    %dma_start3A_15 = arith.constant 1 : i32
    %dma_start3A_16 = arith.constant 64 : i32
    %dma_start3A_17 = tpu.memref_slice %arg6[%dma_start3A_16] : memref<256xi32, #tpu.memory_space<vmem>> -> memref<64xi32, #tpu.memory_space<vmem>>
    %dma_start3A_18 = tpu.memref_slice %arg2[%dma_start3A_15, %mul3A_2] : memref<4x2048xi32, #tpu.memory_space<hbm>> -> memref<1x64xi32, #tpu.memory_space<hbm>>
    %dma_start3A_19 = tpu.memref_squeeze %dma_start3A_18 : memref<1x64xi32, #tpu.memory_space<hbm>> -> memref<64xi32, #tpu.memory_space<hbm>>
    %dma_start3A_20 = arith.constant 64 : i32
    %dma_start3A_21 = tpu.memref_slice %arg6[%dma_start3A_20] : memref<256xi32, #tpu.memory_space<vmem>> -> memref<64xi32, #tpu.memory_space<vmem>>
    %dma_start3A_22 = tpu.memref_slice %arg2[%dma_start3A_15, %mul3A_2] : memref<4x2048xi32, #tpu.memory_space<hbm>> -> memref<1x64xi32, #tpu.memory_space<hbm>>
    %dma_start3A_23 = tpu.memref_squeeze %dma_start3A_22 : memref<1x64xi32, #tpu.memory_space<hbm>> -> memref<64xi32, #tpu.memory_space<hbm>>
    tpu.enqueue_dma source(%dma_start3A_23 : memref<64xi32, #tpu.memory_space<hbm>>) target(%dma_start3A_21 : memref<64xi32, #tpu.memory_space<vmem>>) target_semaphore(%arg11 : memref<!tpu.dma_semaphore, #tpu.memory_space<semaphore_mem>>)
    %dma_start3A_24 = arith.constant 2 : i32
    %dma_start3A_25 = arith.constant 128 : i32
    %dma_start3A_26 = tpu.memref_slice %arg6[%dma_start3A_25] : memref<256xi32, #tpu.memory_space<vmem>> -> memref<64xi32, #tpu.memory_space<vmem>>
    %dma_start3A_27 = tpu.memref_slice %arg2[%dma_start3A_24, %mul3A_2] : memref<4x2048xi32, #tpu.memory_space<hbm>> -> memref<1x64xi32, #tpu.memory_space<hbm>>
    %dma_start3A_28 = tpu.memref_squeeze %dma_start3A_27 : memref<1x64xi32, #tpu.memory_space<hbm>> -> memref<64xi32, #tpu.memory_space<hbm>>
    %dma_start3A_29 = arith.constant 128 : i32
    %dma_start3A_30 = tpu.memref_slice %arg6[%dma_start3A_29] : memref<256xi32, #tpu.memory_space<vmem>> -> memref<64xi32, #tpu.memory_space<vmem>>
    %dma_start3A_31 = tpu.memref_slice %arg2[%dma_start3A_24, %mul3A_2] : memref<4x2048xi32, #tpu.memory_space<hbm>> -> memref<1x64xi32, #tpu.memory_space<hbm>>
    %dma_start3A_32 = tpu.memref_squeeze %dma_start3A_31 : memref<1x64xi32, #tpu.memory_space<hbm>> -> memref<64xi32, #tpu.memory_space<hbm>>
    tpu.enqueue_dma source(%dma_start3A_32 : memref<64xi32, #tpu.memory_space<hbm>>) target(%dma_start3A_30 : memref<64xi32, #tpu.memory_space<vmem>>) target_semaphore(%arg11 : memref<!tpu.dma_semaphore, #tpu.memory_space<semaphore_mem>>)
    %dma_start3A_33 = arith.constant 3 : i32
    %dma_start3A_34 = arith.constant 192 : i32
    %dma_start3A_35 = tpu.memref_slice %arg6[%dma_start3A_34] : memref<256xi32, #tpu.memory_space<vmem>> -> memref<64xi32, #tpu.memory_space<vmem>>
    %dma_start3A_36 = tpu.memref_slice %arg2[%dma_start3A_33, %mul3A_2] : memref<4x2048xi32, #tpu.memory_space<hbm>> -> memref<1x64xi32, #tpu.memory_space<hbm>>
    %dma_start3A_37 = tpu.memref_squeeze %dma_start3A_36 : memref<1x64xi32, #tpu.memory_space<hbm>> -> memref<64xi32, #tpu.memory_space<hbm>>
    %dma_start3A_38 = arith.constant 192 : i32
    %dma_start3A_39 = tpu.memref_slice %arg6[%dma_start3A_38] : memref<256xi32, #tpu.memory_space<vmem>> -> memref<64xi32, #tpu.memory_space<vmem>>
    %dma_start3A_40 = tpu.memref_slice %arg2[%dma_start3A_33, %mul3A_2] : memref<4x2048xi32, #tpu.memory_space<hbm>> -> memref<1x64xi32, #tpu.memory_space<hbm>>
    %dma_start3A_41 = tpu.memref_squeeze %dma_start3A_40 : memref<1x64xi32, #tpu.memory_space<hbm>> -> memref<64xi32, #tpu.memory_space<hbm>>
    tpu.enqueue_dma source(%dma_start3A_41 : memref<64xi32, #tpu.memory_space<hbm>>) target(%dma_start3A_39 : memref<64xi32, #tpu.memory_space<vmem>>) target_semaphore(%arg11 : memref<!tpu.dma_semaphore, #tpu.memory_space<semaphore_mem>>)
    %dma_wait3A = arith.constant 0 : i32
    %dma_wait3A_42 = arith.constant 0 : i32
    %dma_wait3A_43 = tpu.memref_slice %arg6[%dma_wait3A_42] : memref<256xi32, #tpu.memory_space<vmem>> -> memref<64xi32, #tpu.memory_space<vmem>>
    %dma_wait3A_44 = arith.constant 0 : i32
    %dma_wait3A_45 = tpu.memref_slice %arg2[%dma_wait3A, %dma_wait3A_44] : memref<4x2048xi32, #tpu.memory_space<hbm>> -> memref<1x64xi32, #tpu.memory_space<hbm>>
    %dma_wait3A_46 = tpu.memref_squeeze %dma_wait3A_45 : memref<1x64xi32, #tpu.memory_space<hbm>> -> memref<64xi32, #tpu.memory_space<hbm>>
    %dma_wait3A_47 = arith.constant 0 : i32
    %dma_wait3A_48 = tpu.memref_slice %arg6[%dma_wait3A_47] : memref<256xi32, #tpu.memory_space<vmem>> -> memref<64xi32, #tpu.memory_space<vmem>>
    %dma_wait3A_49 = arith.constant 0 : i32
    %dma_wait3A_50 = tpu.memref_slice %arg2[%dma_wait3A, %dma_wait3A_49] : memref<4x2048xi32, #tpu.memory_space<hbm>> -> memref<1x64xi32, #tpu.memory_space<hbm>>
    %dma_wait3A_51 = tpu.memref_squeeze %dma_wait3A_50 : memref<1x64xi32, #tpu.memory_space<hbm>> -> memref<64xi32, #tpu.memory_space<hbm>>
    tpu.wait_dma2 semaphore(%arg11 : memref<!tpu.dma_semaphore, #tpu.memory_space<semaphore_mem>>) src(%dma_wait3A_51 : memref<64xi32, #tpu.memory_space<hbm>>) dst(%dma_wait3A_48 : memref<64xi32, #tpu.memory_space<vmem>>)
    %dma_wait3A_52 = arith.constant 0 : i32
    %dma_wait3A_53 = arith.constant 0 : i32
    %dma_wait3A_54 = tpu.memref_slice %arg6[%dma_wait3A_53] : memref<256xi32, #tpu.memory_space<vmem>> -> memref<64xi32, #tpu.memory_space<vmem>>
    %dma_wait3A_55 = arith.constant 0 : i32
    %dma_wait3A_56 = tpu.memref_slice %arg2[%dma_wait3A_52, %dma_wait3A_55] : memref<4x2048xi32, #tpu.memory_space<hbm>> -> memref<1x64xi32, #tpu.memory_space<hbm>>
    %dma_wait3A_57 = tpu.memref_squeeze %dma_wait3A_56 : memref<1x64xi32, #tpu.memory_space<hbm>> -> memref<64xi32, #tpu.memory_space<hbm>>
    %dma_wait3A_58 = arith.constant 0 : i32
    %dma_wait3A_59 = tpu.memref_slice %arg6[%dma_wait3A_58] : memref<256xi32, #tpu.memory_space<vmem>> -> memref<64xi32, #tpu.memory_space<vmem>>
    %dma_wait3A_60 = arith.constant 0 : i32
    %dma_wait3A_61 = tpu.memref_slice %arg2[%dma_wait3A_52, %dma_wait3A_60] : memref<4x2048xi32, #tpu.memory_space<hbm>> -> memref<1x64xi32, #tpu.memory_space<hbm>>
    %dma_wait3A_62 = tpu.memref_squeeze %dma_wait3A_61 : memref<1x64xi32, #tpu.memory_space<hbm>> -> memref<64xi32, #tpu.memory_space<hbm>>
    tpu.wait_dma2 semaphore(%arg11 : memref<!tpu.dma_semaphore, #tpu.memory_space<semaphore_mem>>) src(%dma_wait3A_62 : memref<64xi32, #tpu.memory_space<hbm>>) dst(%dma_wait3A_59 : memref<64xi32, #tpu.memory_space<vmem>>)
    %dma_wait3A_63 = arith.constant 0 : i32
    %dma_wait3A_64 = arith.constant 0 : i32
    %dma_wait3A_65 = tpu.memref_slice %arg6[%dma_wait3A_64] : memref<256xi32, #tpu.memory_space<vmem>> -> memref<64xi32, #tpu.memory_space<vmem>>
    %dma_wait3A_66 = arith.constant 0 : i32
    %dma_wait3A_67 = tpu.memref_slice %arg2[%dma_wait3A_63, %dma_wait3A_66] : memref<4x2048xi32, #tpu.memory_space<hbm>> -> memref<1x64xi32, #tpu.memory_space<hbm>>
    %dma_wait3A_68 = tpu.memref_squeeze %dma_wait3A_67 : memref<1x64xi32, #tpu.memory_space<hbm>> -> memref<64xi32, #tpu.memory_space<hbm>>
    %dma_wait3A_69 = arith.constant 0 : i32
    %dma_wait3A_70 = tpu.memref_slice %arg6[%dma_wait3A_69] : memref<256xi32, #tpu.memory_space<vmem>> -> memref<64xi32, #tpu.memory_space<vmem>>
    %dma_wait3A_71 = arith.constant 0 : i32
    %dma_wait3A_72 = tpu.memref_slice %arg2[%dma_wait3A_63, %dma_wait3A_71] : memref<4x2048xi32, #tpu.memory_space<hbm>> -> memref<1x64xi32, #tpu.memory_space<hbm>>
    %dma_wait3A_73 = tpu.memref_squeeze %dma_wait3A_72 : memref<1x64xi32, #tpu.memory_space<hbm>> -> memref<64xi32, #tpu.memory_space<hbm>>
    tpu.wait_dma2 semaphore(%arg11 : memref<!tpu.dma_semaphore, #tpu.memory_space<semaphore_mem>>) src(%dma_wait3A_73 : memref<64xi32, #tpu.memory_space<hbm>>) dst(%dma_wait3A_70 : memref<64xi32, #tpu.memory_space<vmem>>)
    %dma_wait3A_74 = arith.constant 0 : i32
    %dma_wait3A_75 = arith.constant 0 : i32
    %dma_wait3A_76 = tpu.memref_slice %arg6[%dma_wait3A_75] : memref<256xi32, #tpu.memory_space<vmem>> -> memref<64xi32, #tpu.memory_space<vmem>>
    %dma_wait3A_77 = arith.constant 0 : i32
    %dma_wait3A_78 = tpu.memref_slice %arg2[%dma_wait3A_74, %dma_wait3A_77] : memref<4x2048xi32, #tpu.memory_space<hbm>> -> memref<1x64xi32, #tpu.memory_space<hbm>>
    %dma_wait3A_79 = tpu.memref_squeeze %dma_wait3A_78 : memref<1x64xi32, #tpu.memory_space<hbm>> -> memref<64xi32, #tpu.memory_space<hbm>>
    %dma_wait3A_80 = arith.constant 0 : i32
    %dma_wait3A_81 = tpu.memref_slice %arg6[%dma_wait3A_80] : memref<256xi32, #tpu.memory_space<vmem>> -> memref<64xi32, #tpu.memory_space<vmem>>
    %dma_wait3A_82 = arith.constant 0 : i32
    %dma_wait3A_83 = tpu.memref_slice %arg2[%dma_wait3A_74, %dma_wait3A_82] : memref<4x2048xi32, #tpu.memory_space<hbm>> -> memref<1x64xi32, #tpu.memory_space<hbm>>
    %dma_wait3A_84 = tpu.memref_squeeze %dma_wait3A_83 : memref<1x64xi32, #tpu.memory_space<hbm>> -> memref<64xi32, #tpu.memory_space<hbm>>
    tpu.wait_dma2 semaphore(%arg11 : memref<!tpu.dma_semaphore, #tpu.memory_space<semaphore_mem>>) src(%dma_wait3A_84 : memref<64xi32, #tpu.memory_space<hbm>>) dst(%dma_wait3A_81 : memref<64xi32, #tpu.memory_space<vmem>>)
    %dma_start3A_85 = arith.constant 0 : i32
    %dma_start3A_86 = tpu.memref_slice %arg6[%dma_start3A_85] : memref<256xi32, #tpu.memory_space<vmem>> -> memref<64xi32, #tpu.memory_space<vmem>>
    %dma_start3A_87 = arith.constant 0 : i32
    %dma_start3A_88 = arith.constant 0 : i32
    %dma_start3A_89 = tpu.memref_slice %arg3[%dma_start3A_87, %dma_start3A_88] : memref<100000x512xf32, #tpu.memory_space<hbm>> -> memref<100000x512xf32, #tpu.memory_space<hbm>>
    tpu.enqueue_indirect_dma source(%dma_start3A_89 : memref<100000x512xf32, #tpu.memory_space<hbm>>) target(%arg8 : memref<64x512xf32, #tpu.memory_space<vmem>>) offsets(%dma_start3A_86 : memref<64xi32, #tpu.memory_space<vmem>>) semaphore(%arg12 : memref<!tpu.dma_semaphore, #tpu.memory_space<semaphore_mem>>)
    %dma_wait3A_90 = arith.constant 0 : i32
    %dma_wait3A_91 = arith.constant 0 : i32
    %dma_wait3A_92 = tpu.memref_slice %arg4[%dma_wait3A_90, %dma_wait3A_91] : memref<2048x512xf32, #tpu.memory_space<hbm>> -> memref<64x512xf32, #tpu.memory_space<hbm>>
    %dma_wait3A_93 = arith.constant 0 : i32
    %dma_wait3A_94 = arith.constant 0 : i32
    %dma_wait3A_95 = tpu.memref_slice %arg4[%dma_wait3A_93, %dma_wait3A_94] : memref<2048x512xf32, #tpu.memory_space<hbm>> -> memref<64x512xf32, #tpu.memory_space<hbm>>
    tpu.wait_dma2 semaphore(%arg10 : memref<!tpu.dma_semaphore, #tpu.memory_space<semaphore_mem>>) src(%dma_wait3A_95 : memref<64x512xf32, #tpu.memory_space<hbm>>) dst(%arg7 : memref<64x512xf32, #tpu.memory_space<vmem>>)
    %dma_start3A_96 = arith.constant 64 : i32
    %dma_start3A_97 = tpu.memref_slice %arg6[%dma_start3A_96] : memref<256xi32, #tpu.memory_space<vmem>> -> memref<64xi32, #tpu.memory_space<vmem>>
    %dma_start3A_98 = arith.constant 0 : i32
    %dma_start3A_99 = arith.constant 0 : i32
    %dma_start3A_100 = tpu.memref_slice %arg3[%dma_start3A_98, %dma_start3A_99] : memref<100000x512xf32, #tpu.memory_space<hbm>> -> memref<100000x512xf32, #tpu.memory_space<hbm>>
    tpu.enqueue_indirect_dma source(%dma_start3A_100 : memref<100000x512xf32, #tpu.memory_space<hbm>>) target(%arg9 : memref<64x512xf32, #tpu.memory_space<vmem>>) offsets(%dma_start3A_97 : memref<64xi32, #tpu.memory_space<vmem>>) semaphore(%arg13 : memref<!tpu.dma_semaphore, #tpu.memory_space<semaphore_mem>>)
    %dma_wait3A_101 = arith.constant 0 : i32
    %dma_wait3A_102 = arith.constant 0 : i32
    %dma_wait3A_103 = tpu.memref_slice %arg3[%dma_wait3A_101, %dma_wait3A_102] : memref<100000x512xf32, #tpu.memory_space<hbm>> -> memref<64x512xf32, #tpu.memory_space<hbm>>
    %dma_wait3A_104 = arith.constant 0 : i32
    %dma_wait3A_105 = arith.constant 0 : i32
    %dma_wait3A_106 = tpu.memref_slice %arg3[%dma_wait3A_104, %dma_wait3A_105] : memref<100000x512xf32, #tpu.memory_space<hbm>> -> memref<64x512xf32, #tpu.memory_space<hbm>>
    tpu.wait_dma2 semaphore(%arg12 : memref<!tpu.dma_semaphore, #tpu.memory_space<semaphore_mem>>) src(%dma_wait3A_106 : memref<64x512xf32, #tpu.memory_space<hbm>>) dst(%arg8 : memref<64x512xf32, #tpu.memory_space<vmem>>)
    %scan3A = arith.constant 0 : i32
    %scan3A_107 = arith.constant 0 : i32
    %scan3A_108 = arith.constant 64 : i32
    %scan3A_109 = arith.addi %scan3A_107, %scan3A_108 : i32
    %scan3A_110 = arith.constant 1 : i32
    scf.for %scan3A_206 = %scan3A_107 to %scan3A_109 step %scan3A_110  : i32 {
      %get3A = arith.index_cast %scan3A_206 : i32 to index
      %get3A_207 = arith.constant 0 : index
      %get3A_208 = tpu.vector_load %arg7[%get3A, %get3A_207] {strides = array<i32>} : memref<64x512xf32, #tpu.memory_space<vmem>>, vector<1x16xf32>,
      %get3A_209 = vector.shape_cast %get3A_208 : vector<1x16xf32> to vector<16xf32>
      %swap3A = arith.index_cast %scan3A_206 : i32 to index
      %swap3A_210 = arith.constant 0 : index
      %swap3A_211 = tpu.vector_load %arg8[%swap3A, %swap3A_210] {strides = array<i32>} : memref<64x512xf32, #tpu.memory_space<vmem>>, vector<1x16xf32>,
      %swap3A_212 = vector.shape_cast %swap3A_211 : vector<1x16xf32> to vector<16xf32>
      %swap3A_213 = vector.shape_cast %get3A_209 : vector<16xf32> to vector<1x16xf32>
      tpu.vector_store %arg8[%swap3A, %swap3A_210], %swap3A_213 {add = true, strides = array<i32>} : memref<64x512xf32, #tpu.memory_space<vmem>>, vector<1x16xf32>,
      %get3A_214 = arith.index_cast %scan3A_206 : i32 to index
      %get3A_215 = arith.constant 16 : index
      %get3A_216 = tpu.vector_load %arg7[%get3A_214, %get3A_215] {strides = array<i32>} : memref<64x512xf32, #tpu.memory_space<vmem>>, vector<1x16xf32>,
      %get3A_217 = vector.shape_cast %get3A_216 : vector<1x16xf32> to vector<16xf32>
      %swap3A_218 = arith.index_cast %scan3A_206 : i32 to index
      %swap3A_219 = arith.constant 16 : index
      %swap3A_220 = tpu.vector_load %arg8[%swap3A_218, %swap3A_219] {strides = array<i32>} : memref<64x512xf32, #tpu.memory_space<vmem>>, vector<1x16xf32>,
      %swap3A_221 = vector.shape_cast %swap3A_220 : vector<1x16xf32> to vector<16xf32>
      %swap3A_222 = vector.shape_cast %get3A_217 : vector<16xf32> to vector<1x16xf32>
      tpu.vector_store %arg8[%swap3A_218, %swap3A_219], %swap3A_222 {add = true, strides = array<i32>} : memref<64x512xf32, #tpu.memory_space<vmem>>, vector<1x16xf32>,
      %get3A_223 = arith.index_cast %scan3A_206 : i32 to index
      %get3A_224 = arith.constant 32 : index
      %get3A_225 = tpu.vector_load %arg7[%get3A_223, %get3A_224] {strides = array<i32>} : memref<64x512xf32, #tpu.memory_space<vmem>>, vector<1x16xf32>,
      %get3A_226 = vector.shape_cast %get3A_225 : vector<1x16xf32> to vector<16xf32>
      %swap3A_227 = arith.index_cast %scan3A_206 : i32 to index
      %swap3A_228 = arith.constant 32 : index
      %swap3A_229 = tpu.vector_load %arg8[%swap3A_227, %swap3A_228] {strides = array<i32>} : memref<64x512xf32, #tpu.memory_space<vmem>>, vector<1x16xf32>,
      %swap3A_230 = vector.shape_cast %swap3A_229 : vector<1x16xf32> to vector<16xf32>
      %swap3A_231 = vector.shape_cast %get3A_226 : vector<16xf32> to vector<1x16xf32>
      tpu.vector_store %arg8[%swap3A_227, %swap3A_228], %swap3A_231 {add = true, strides = array<i32>} : memref<64x512xf32, #tpu.memory_space<vmem>>, vector<1x16xf32>,
      %get3A_232 = arith.index_cast %scan3A_206 : i32 to index
      %get3A_233 = arith.constant 48 : index
      %get3A_234 = tpu.vector_load %arg7[%get3A_232, %get3A_233] {strides = array<i32>} : memref<64x512xf32, #tpu.memory_space<vmem>>, vector<1x16xf32>,
      %get3A_235 = vector.shape_cast %get3A_234 : vector<1x16xf32> to vector<16xf32>
      %swap3A_236 = arith.index_cast %scan3A_206 : i32 to index
      %swap3A_237 = arith.constant 48 : index
      %swap3A_238 = tpu.vector_load %arg8[%swap3A_236, %swap3A_237] {strides = array<i32>} : memref<64x512xf32, #tpu.memory_space<vmem>>, vector<1x16xf32>,
      %swap3A_239 = vector.shape_cast %swap3A_238 : vector<1x16xf32> to vector<16xf32>
      %swap3A_240 = vector.shape_cast %get3A_235 : vector<16xf32> to vector<1x16xf32>
      tpu.vector_store %arg8[%swap3A_236, %swap3A_237], %swap3A_240 {add = true, strides = array<i32>} : memref<64x512xf32, #tpu.memory_space<vmem>>, vector<1x16xf32>,
      %get3A_241 = arith.index_cast %scan3A_206 : i32 to index
      %get3A_242 = arith.constant 64 : index
      %get3A_243 = tpu.vector_load %arg7[%get3A_241, %get3A_242] {strides = array<i32>} : memref<64x512xf32, #tpu.memory_space<vmem>>, vector<1x16xf32>,
      %get3A_244 = vector.shape_cast %get3A_243 : vector<1x16xf32> to vector<16xf32>
      %swap3A_245 = arith.index_cast %scan3A_206 : i32 to index
      %swap3A_246 = arith.constant 64 : index
      %swap3A_247 = tpu.vector_load %arg8[%swap3A_245, %swap3A_246] {strides = array<i32>} : memref<64x512xf32, #tpu.memory_space<vmem>>, vector<1x16xf32>,
      %swap3A_248 = vector.shape_cast %swap3A_247 : vector<1x16xf32> to vector<16xf32>
      %swap3A_249 = vector.shape_cast %get3A_244 : vector<16xf32> to vector<1x16xf32>
      tpu.vector_store %arg8[%swap3A_245, %swap3A_246], %swap3A_249 {add = true, strides = array<i32>} : memref<64x512xf32, #tpu.memory_space<vmem>>, vector<1x16xf32>,
      %get3A_250 = arith.index_cast %scan3A_206 : i32 to index
      %get3A_251 = arith.constant 80 : index
      %get3A_252 = tpu.vector_load %arg7[%get3A_250, %get3A_251] {strides = array<i32>} : memref<64x512xf32, #tpu.memory_space<vmem>>, vector<1x16xf32>,
      %get3A_253 = vector.shape_cast %get3A_252 : vector<1x16xf32> to vector<16xf32>
      %swap3A_254 = arith.index_cast %scan3A_206 : i32 to index
      %swap3A_255 = arith.constant 80 : index
      %swap3A_256 = tpu.vector_load %arg8[%swap3A_254, %swap3A_255] {strides = array<i32>} : memref<64x512xf32, #tpu.memory_space<vmem>>, vector<1x16xf32>,
      %swap3A_257 = vector.shape_cast %swap3A_256 : vector<1x16xf32> to vector<16xf32>
      %swap3A_258 = vector.shape_cast %get3A_253 : vector<16xf32> to vector<1x16xf32>
      tpu.vector_store %arg8[%swap3A_254, %swap3A_255], %swap3A_258 {add = true, strides = array<i32>} : memref<64x512xf32, #tpu.memory_space<vmem>>, vector<1x16xf32>,
      %get3A_259 = arith.index_cast %scan3A_206 : i32 to index
      %get3A_260 = arith.constant 96 : index
      %get3A_261 = tpu.vector_load %arg7[%get3A_259, %get3A_260] {strides = array<i32>} : memref<64x512xf32, #tpu.memory_space<vmem>>, vector<1x16xf32>,
      %get3A_262 = vector.shape_cast %get3A_261 : vector<1x16xf32> to vector<16xf32>
      %swap3A_263 = arith.index_cast %scan3A_206 : i32 to index
      %swap3A_264 = arith.constant 96 : index
      %swap3A_265 = tpu.vector_load %arg8[%swap3A_263, %swap3A_264] {strides = array<i32>} : memref<64x512xf32, #tpu.memory_space<vmem>>, vector<1x16xf32>,
      %swap3A_266 = vector.shape_cast %swap3A_265 : vector<1x16xf32> to vector<16xf32>
      %swap3A_267 = vector.shape_cast %get3A_262 : vector<16xf32> to vector<1x16xf32>
      tpu.vector_store %arg8[%swap3A_263, %swap3A_264], %swap3A_267 {add = true, strides = array<i32>} : memref<64x512xf32, #tpu.memory_space<vmem>>, vector<1x16xf32>,
      %get3A_268 = arith.index_cast %scan3A_206 : i32 to index
      %get3A_269 = arith.constant 112 : index
      %get3A_270 = tpu.vector_load %arg7[%get3A_268, %get3A_269] {strides = array<i32>} : memref<64x512xf32, #tpu.memory_space<vmem>>, vector<1x16xf32>,
      %get3A_271 = vector.shape_cast %get3A_270 : vector<1x16xf32> to vector<16xf32>
      %swap3A_272 = arith.index_cast %scan3A_206 : i32 to index
      %swap3A_273 = arith.constant 112 : index
      %swap3A_274 = tpu.vector_load %arg8[%swap3A_272, %swap3A_273] {strides = array<i32>} : memref<64x512xf32, #tpu.memory_space<vmem>>, vector<1x16xf32>,
      %swap3A_275 = vector.shape_cast %swap3A_274 : vector<1x16xf32> to vector<16xf32>
      %swap3A_276 = vector.shape_cast %get3A_271 : vector<16xf32> to vector<1x16xf32>
      tpu.vector_store %arg8[%swap3A_272, %swap3A_273], %swap3A_276 {add = true, strides = array<i32>} : memref<64x512xf32, #tpu.memory_space<vmem>>, vector<1x16xf32>,
      %get3A_277 = arith.index_cast %scan3A_206 : i32 to index
      %get3A_278 = arith.constant 128 : index
      %get3A_279 = tpu.vector_load %arg7[%get3A_277, %get3A_278] {strides = array<i32>} : memref<64x512xf32, #tpu.memory_space<vmem>>, vector<1x16xf32>,
      %get3A_280 = vector.shape_cast %get3A_279 : vector<1x16xf32> to vector<16xf32>
      %swap3A_281 = arith.index_cast %scan3A_206 : i32 to index
      %swap3A_282 = arith.constant 128 : index
      %swap3A_283 = tpu.vector_load %arg8[%swap3A_281, %swap3A_282] {strides = array<i32>} : memref<64x512xf32, #tpu.memory_space<vmem>>, vector<1x16xf32>,
      %swap3A_284 = vector.shape_cast %swap3A_283 : vector<1x16xf32> to vector<16xf32>
      %swap3A_285 = vector.shape_cast %get3A_280 : vector<16xf32> to vector<1x16xf32>
      tpu.vector_store %arg8[%swap3A_281, %swap3A_282], %swap3A_285 {add = true, strides = array<i32>} : memref<64x512xf32, #tpu.memory_space<vmem>>, vector<1x16xf32>,
      %get3A_286 = arith.index_cast %scan3A_206 : i32 to index
      %get3A_287 = arith.constant 144 : index
      %get3A_288 = tpu.vector_load %arg7[%get3A_286, %get3A_287] {strides = array<i32>} : memref<64x512xf32, #tpu.memory_space<vmem>>, vector<1x16xf32>,
      %get3A_289 = vector.shape_cast %get3A_288 : vector<1x16xf32> to vector<16xf32>
      %swap3A_290 = arith.index_cast %scan3A_206 : i32 to index
      %swap3A_291 = arith.constant 144 : index
      %swap3A_292 = tpu.vector_load %arg8[%swap3A_290, %swap3A_291] {strides = array<i32>} : memref<64x512xf32, #tpu.memory_space<vmem>>, vector<1x16xf32>,
      %swap3A_293 = vector.shape_cast %swap3A_292 : vector<1x16xf32> to vector<16xf32>
      %swap3A_294 = vector.shape_cast %get3A_289 : vector<16xf32> to vector<1x16xf32>
      tpu.vector_store %arg8[%swap3A_290, %swap3A_291], %swap3A_294 {add = true, strides = array<i32>} : memref<64x512xf32, #tpu.memory_space<vmem>>, vector<1x16xf32>,
      %get3A_295 = arith.index_cast %scan3A_206 : i32 to index
      %get3A_296 = arith.constant 160 : index
      %get3A_297 = tpu.vector_load %arg7[%get3A_295, %get3A_296] {strides = array<i32>} : memref<64x512xf32, #tpu.memory_space<vmem>>, vector<1x16xf32>,
      %get3A_298 = vector.shape_cast %get3A_297 : vector<1x16xf32> to vector<16xf32>
      %swap3A_299 = arith.index_cast %scan3A_206 : i32 to index
      %swap3A_300 = arith.constant 160 : index
      %swap3A_301 = tpu.vector_load %arg8[%swap3A_299, %swap3A_300] {strides = array<i32>} : memref<64x512xf32, #tpu.memory_space<vmem>>, vector<1x16xf32>,
      %swap3A_302 = vector.shape_cast %swap3A_301 : vector<1x16xf32> to vector<16xf32>
      %swap3A_303 = vector.shape_cast %get3A_298 : vector<16xf32> to vector<1x16xf32>
      tpu.vector_store %arg8[%swap3A_299, %swap3A_300], %swap3A_303 {add = true, strides = array<i32>} : memref<64x512xf32, #tpu.memory_space<vmem>>, vector<1x16xf32>,
      %get3A_304 = arith.index_cast %scan3A_206 : i32 to index
      %get3A_305 = arith.constant 176 : index
      %get3A_306 = tpu.vector_load %arg7[%get3A_304, %get3A_305] {strides = array<i32>} : memref<64x512xf32, #tpu.memory_space<vmem>>, vector<1x16xf32>,
      %get3A_307 = vector.shape_cast %get3A_306 : vector<1x16xf32> to vector<16xf32>
      %swap3A_308 = arith.index_cast %scan3A_206 : i32 to index
      %swap3A_309 = arith.constant 176 : index
      %swap3A_310 = tpu.vector_load %arg8[%swap3A_308, %swap3A_309] {strides = array<i32>} : memref<64x512xf32, #tpu.memory_space<vmem>>, vector<1x16xf32>,
      %swap3A_311 = vector.shape_cast %swap3A_310 : vector<1x16xf32> to vector<16xf32>
      %swap3A_312 = vector.shape_cast %get3A_307 : vector<16xf32> to vector<1x16xf32>
      tpu.vector_store %arg8[%swap3A_308, %swap3A_309], %swap3A_312 {add = true, strides = array<i32>} : memref<64x512xf32, #tpu.memory_space<vmem>>, vector<1x16xf32>,
      %get3A_313 = arith.index_cast %scan3A_206 : i32 to index
      %get3A_314 = arith.constant 192 : index
      %get3A_315 = tpu.vector_load %arg7[%get3A_313, %get3A_314] {strides = array<i32>} : memref<64x512xf32, #tpu.memory_space<vmem>>, vector<1x16xf32>,
      %get3A_316 = vector.shape_cast %get3A_315 : vector<1x16xf32> to vector<16xf32>
      %swap3A_317 = arith.index_cast %scan3A_206 : i32 to index
      %swap3A_318 = arith.constant 192 : index
      %swap3A_319 = tpu.vector_load %arg8[%swap3A_317, %swap3A_318] {strides = array<i32>} : memref<64x512xf32, #tpu.memory_space<vmem>>, vector<1x16xf32>,
      %swap3A_320 = vector.shape_cast %swap3A_319 : vector<1x16xf32> to vector<16xf32>
      %swap3A_321 = vector.shape_cast %get3A_316 : vector<16xf32> to vector<1x16xf32>
      tpu.vector_store %arg8[%swap3A_317, %swap3A_318], %swap3A_321 {add = true, strides = array<i32>} : memref<64x512xf32, #tpu.memory_space<vmem>>, vector<1x16xf32>,
      %get3A_322 = arith.index_cast %scan3A_206 : i32 to index
      %get3A_323 = arith.constant 208 : index
      %get3A_324 = tpu.vector_load %arg7[%get3A_322, %get3A_323] {strides = array<i32>} : memref<64x512xf32, #tpu.memory_space<vmem>>, vector<1x16xf32>,
      %get3A_325 = vector.shape_cast %get3A_324 : vector<1x16xf32> to vector<16xf32>
      %swap3A_326 = arith.index_cast %scan3A_206 : i32 to index
      %swap3A_327 = arith.constant 208 : index
      %swap3A_328 = tpu.vector_load %arg8[%swap3A_326, %swap3A_327] {strides = array<i32>} : memref<64x512xf32, #tpu.memory_space<vmem>>, vector<1x16xf32>,
      %swap3A_329 = vector.shape_cast %swap3A_328 : vector<1x16xf32> to vector<16xf32>
      %swap3A_330 = vector.shape_cast %get3A_325 : vector<16xf32> to vector<1x16xf32>
      tpu.vector_store %arg8[%swap3A_326, %swap3A_327], %swap3A_330 {add = true, strides = array<i32>} : memref<64x512xf32, #tpu.memory_space<vmem>>, vector<1x16xf32>,
      %get3A_331 = arith.index_cast %scan3A_206 : i32 to index
      %get3A_332 = arith.constant 224 : index
      %get3A_333 = tpu.vector_load %arg7[%get3A_331, %get3A_332] {strides = array<i32>} : memref<64x512xf32, #tpu.memory_space<vmem>>, vector<1x16xf32>,
      %get3A_334 = vector.shape_cast %get3A_333 : vector<1x16xf32> to vector<16xf32>
      %swap3A_335 = arith.index_cast %scan3A_206 : i32 to index
      %swap3A_336 = arith.constant 224 : index
      %swap3A_337 = tpu.vector_load %arg8[%swap3A_335, %swap3A_336] {strides = array<i32>} : memref<64x512xf32, #tpu.memory_space<vmem>>, vector<1x16xf32>,
      %swap3A_338 = vector.shape_cast %swap3A_337 : vector<1x16xf32> to vector<16xf32>
      %swap3A_339 = vector.shape_cast %get3A_334 : vector<16xf32> to vector<1x16xf32>
      tpu.vector_store %arg8[%swap3A_335, %swap3A_336], %swap3A_339 {add = true, strides = array<i32>} : memref<64x512xf32, #tpu.memory_space<vmem>>, vector<1x16xf32>,
      %get3A_340 = arith.index_cast %scan3A_206 : i32 to index
      %get3A_341 = arith.constant 240 : index
      %get3A_342 = tpu.vector_load %arg7[%get3A_340, %get3A_341] {strides = array<i32>} : memref<64x512xf32, #tpu.memory_space<vmem>>, vector<1x16xf32>,
      %get3A_343 = vector.shape_cast %get3A_342 : vector<1x16xf32> to vector<16xf32>
      %swap3A_344 = arith.index_cast %scan3A_206 : i32 to index
      %swap3A_345 = arith.constant 240 : index
      %swap3A_346 = tpu.vector_load %arg8[%swap3A_344, %swap3A_345] {strides = array<i32>} : memref<64x512xf32, #tpu.memory_space<vmem>>, vector<1x16xf32>,
      %swap3A_347 = vector.shape_cast %swap3A_346 : vector<1x16xf32> to vector<16xf32>
      %swap3A_348 = vector.shape_cast %get3A_343 : vector<16xf32> to vector<1x16xf32>
      tpu.vector_store %arg8[%swap3A_344, %swap3A_345], %swap3A_348 {add = true, strides = array<i32>} : memref<64x512xf32, #tpu.memory_space<vmem>>, vector<1x16xf32>,
      %get3A_349 = arith.index_cast %scan3A_206 : i32 to index
      %get3A_350 = arith.constant 256 : index
      %get3A_351 = tpu.vector_load %arg7[%get3A_349, %get3A_350] {strides = array<i32>} : memref<64x512xf32, #tpu.memory_space<vmem>>, vector<1x16xf32>,
      %get3A_352 = vector.shape_cast %get3A_351 : vector<1x16xf32> to vector<16xf32>
      %swap3A_353 = arith.index_cast %scan3A_206 : i32 to index
      %swap3A_354 = arith.constant 256 : index
      %swap3A_355 = tpu.vector_load %arg8[%swap3A_353, %swap3A_354] {strides = array<i32>} : memref<64x512xf32, #tpu.memory_space<vmem>>, vector<1x16xf32>,
      %swap3A_356 = vector.shape_cast %swap3A_355 : vector<1x16xf32> to vector<16xf32>
      %swap3A_357 = vector.shape_cast %get3A_352 : vector<16xf32> to vector<1x16xf32>
      tpu.vector_store %arg8[%swap3A_353, %swap3A_354], %swap3A_357 {add = true, strides = array<i32>} : memref<64x512xf32, #tpu.memory_space<vmem>>, vector<1x16xf32>,
      %get3A_358 = arith.index_cast %scan3A_206 : i32 to index
      %get3A_359 = arith.constant 272 : index
      %get3A_360 = tpu.vector_load %arg7[%get3A_358, %get3A_359] {strides = array<i32>} : memref<64x512xf32, #tpu.memory_space<vmem>>, vector<1x16xf32>,
      %get3A_361 = vector.shape_cast %get3A_360 : vector<1x16xf32> to vector<16xf32>
      %swap3A_362 = arith.index_cast %scan3A_206 : i32 to index
      %swap3A_363 = arith.constant 272 : index
      %swap3A_364 = tpu.vector_load %arg8[%swap3A_362, %swap3A_363] {strides = array<i32>} : memref<64x512xf32, #tpu.memory_space<vmem>>, vector<1x16xf32>,
      %swap3A_365 = vector.shape_cast %swap3A_364 : vector<1x16xf32> to vector<16xf32>
      %swap3A_366 = vector.shape_cast %get3A_361 : vector<16xf32> to vector<1x16xf32>
      tpu.vector_store %arg8[%swap3A_362, %swap3A_363], %swap3A_366 {add = true, strides = array<i32>} : memref<64x512xf32, #tpu.memory_space<vmem>>, vector<1x16xf32>,
      %get3A_367 = arith.index_cast %scan3A_206 : i32 to index
      %get3A_368 = arith.constant 288 : index
      %get3A_369 = tpu.vector_load %arg7[%get3A_367, %get3A_368] {strides = array<i32>} : memref<64x512xf32, #tpu.memory_space<vmem>>, vector<1x16xf32>,
      %get3A_370 = vector.shape_cast %get3A_369 : vector<1x16xf32> to vector<16xf32>
      %swap3A_371 = arith.index_cast %scan3A_206 : i32 to index
      %swap3A_372 = arith.constant 288 : index
      %swap3A_373 = tpu.vector_load %arg8[%swap3A_371, %swap3A_372] {strides = array<i32>} : memref<64x512xf32, #tpu.memory_space<vmem>>, vector<1x16xf32>,
      %swap3A_374 = vector.shape_cast %swap3A_373 : vector<1x16xf32> to vector<16xf32>
      %swap3A_375 = vector.shape_cast %get3A_370 : vector<16xf32> to vector<1x16xf32>
      tpu.vector_store %arg8[%swap3A_371, %swap3A_372], %swap3A_375 {add = true, strides = array<i32>} : memref<64x512xf32, #tpu.memory_space<vmem>>, vector<1x16xf32>,
      %get3A_376 = arith.index_cast %scan3A_206 : i32 to index
      %get3A_377 = arith.constant 304 : index
      %get3A_378 = tpu.vector_load %arg7[%get3A_376, %get3A_377] {strides = array<i32>} : memref<64x512xf32, #tpu.memory_space<vmem>>, vector<1x16xf32>,
      %get3A_379 = vector.shape_cast %get3A_378 : vector<1x16xf32> to vector<16xf32>
      %swap3A_380 = arith.index_cast %scan3A_206 : i32 to index
      %swap3A_381 = arith.constant 304 : index
      %swap3A_382 = tpu.vector_load %arg8[%swap3A_380, %swap3A_381] {strides = array<i32>} : memref<64x512xf32, #tpu.memory_space<vmem>>, vector<1x16xf32>,
      %swap3A_383 = vector.shape_cast %swap3A_382 : vector<1x16xf32> to vector<16xf32>
      %swap3A_384 = vector.shape_cast %get3A_379 : vector<16xf32> to vector<1x16xf32>
      tpu.vector_store %arg8[%swap3A_380, %swap3A_381], %swap3A_384 {add = true, strides = array<i32>} : memref<64x512xf32, #tpu.memory_space<vmem>>, vector<1x16xf32>,
      %get3A_385 = arith.index_cast %scan3A_206 : i32 to index
      %get3A_386 = arith.constant 320 : index
      %get3A_387 = tpu.vector_load %arg7[%get3A_385, %get3A_386] {strides = array<i32>} : memref<64x512xf32, #tpu.memory_space<vmem>>, vector<1x16xf32>,
      %get3A_388 = vector.shape_cast %get3A_387 : vector<1x16xf32> to vector<16xf32>
      %swap3A_389 = arith.index_cast %scan3A_206 : i32 to index
      %swap3A_390 = arith.constant 320 : index
      %swap3A_391 = tpu.vector_load %arg8[%swap3A_389, %swap3A_390] {strides = array<i32>} : memref<64x512xf32, #tpu.memory_space<vmem>>, vector<1x16xf32>,
      %swap3A_392 = vector.shape_cast %swap3A_391 : vector<1x16xf32> to vector<16xf32>
      %swap3A_393 = vector.shape_cast %get3A_388 : vector<16xf32> to vector<1x16xf32>
      tpu.vector_store %arg8[%swap3A_389, %swap3A_390], %swap3A_393 {add = true, strides = array<i32>} : memref<64x512xf32, #tpu.memory_space<vmem>>, vector<1x16xf32>,
      %get3A_394 = arith.index_cast %scan3A_206 : i32 to index
      %get3A_395 = arith.constant 336 : index
      %get3A_396 = tpu.vector_load %arg7[%get3A_394, %get3A_395] {strides = array<i32>} : memref<64x512xf32, #tpu.memory_space<vmem>>, vector<1x16xf32>,
      %get3A_397 = vector.shape_cast %get3A_396 : vector<1x16xf32> to vector<16xf32>
      %swap3A_398 = arith.index_cast %scan3A_206 : i32 to index
      %swap3A_399 = arith.constant 336 : index
      %swap3A_400 = tpu.vector_load %arg8[%swap3A_398, %swap3A_399] {strides = array<i32>} : memref<64x512xf32, #tpu.memory_space<vmem>>, vector<1x16xf32>,
      %swap3A_401 = vector.shape_cast %swap3A_400 : vector<1x16xf32> to vector<16xf32>
      %swap3A_402 = vector.shape_cast %get3A_397 : vector<16xf32> to vector<1x16xf32>
      tpu.vector_store %arg8[%swap3A_398, %swap3A_399], %swap3A_402 {add = true, strides = array<i32>} : memref<64x512xf32, #tpu.memory_space<vmem>>, vector<1x16xf32>,
      %get3A_403 = arith.index_cast %scan3A_206 : i32 to index
      %get3A_404 = arith.constant 352 : index
      %get3A_405 = tpu.vector_load %arg7[%get3A_403, %get3A_404] {strides = array<i32>} : memref<64x512xf32, #tpu.memory_space<vmem>>, vector<1x16xf32>,
      %get3A_406 = vector.shape_cast %get3A_405 : vector<1x16xf32> to vector<16xf32>
      %swap3A_407 = arith.index_cast %scan3A_206 : i32 to index
      %swap3A_408 = arith.constant 352 : index
      %swap3A_409 = tpu.vector_load %arg8[%swap3A_407, %swap3A_408] {strides = array<i32>} : memref<64x512xf32, #tpu.memory_space<vmem>>, vector<1x16xf32>,
      %swap3A_410 = vector.shape_cast %swap3A_409 : vector<1x16xf32> to vector<16xf32>
      %swap3A_411 = vector.shape_cast %get3A_406 : vector<16xf32> to vector<1x16xf32>
      tpu.vector_store %arg8[%swap3A_407, %swap3A_408], %swap3A_411 {add = true, strides = array<i32>} : memref<64x512xf32, #tpu.memory_space<vmem>>, vector<1x16xf32>,
      %get3A_412 = arith.index_cast %scan3A_206 : i32 to index
      %get3A_413 = arith.constant 368 : index
      %get3A_414 = tpu.vector_load %arg7[%get3A_412, %get3A_413] {strides = array<i32>} : memref<64x512xf32, #tpu.memory_space<vmem>>, vector<1x16xf32>,
      %get3A_415 = vector.shape_cast %get3A_414 : vector<1x16xf32> to vector<16xf32>
      %swap3A_416 = arith.index_cast %scan3A_206 : i32 to index
      %swap3A_417 = arith.constant 368 : index
      %swap3A_418 = tpu.vector_load %arg8[%swap3A_416, %swap3A_417] {strides = array<i32>} : memref<64x512xf32, #tpu.memory_space<vmem>>, vector<1x16xf32>,
      %swap3A_419 = vector.shape_cast %swap3A_418 : vector<1x16xf32> to vector<16xf32>
      %swap3A_420 = vector.shape_cast %get3A_415 : vector<16xf32> to vector<1x16xf32>
      tpu.vector_store %arg8[%swap3A_416, %swap3A_417], %swap3A_420 {add = true, strides = array<i32>} : memref<64x512xf32, #tpu.memory_space<vmem>>, vector<1x16xf32>,
      %get3A_421 = arith.index_cast %scan3A_206 : i32 to index
      %get3A_422 = arith.constant 384 : index
      %get3A_423 = tpu.vector_load %arg7[%get3A_421, %get3A_422] {strides = array<i32>} : memref<64x512xf32, #tpu.memory_space<vmem>>, vector<1x16xf32>,
      %get3A_424 = vector.shape_cast %get3A_423 : vector<1x16xf32> to vector<16xf32>
      %swap3A_425 = arith.index_cast %scan3A_206 : i32 to index
      %swap3A_426 = arith.constant 384 : index
      %swap3A_427 = tpu.vector_load %arg8[%swap3A_425, %swap3A_426] {strides = array<i32>} : memref<64x512xf32, #tpu.memory_space<vmem>>, vector<1x16xf32>,
      %swap3A_428 = vector.shape_cast %swap3A_427 : vector<1x16xf32> to vector<16xf32>
      %swap3A_429 = vector.shape_cast %get3A_424 : vector<16xf32> to vector<1x16xf32>
      tpu.vector_store %arg8[%swap3A_425, %swap3A_426], %swap3A_429 {add = true, strides = array<i32>} : memref<64x512xf32, #tpu.memory_space<vmem>>, vector<1x16xf32>,
      %get3A_430 = arith.index_cast %scan3A_206 : i32 to index
      %get3A_431 = arith.constant 400 : index
      %get3A_432 = tpu.vector_load %arg7[%get3A_430, %get3A_431] {strides = array<i32>} : memref<64x512xf32, #tpu.memory_space<vmem>>, vector<1x16xf32>,
      %get3A_433 = vector.shape_cast %get3A_432 : vector<1x16xf32> to vector<16xf32>
      %swap3A_434 = arith.index_cast %scan3A_206 : i32 to index
      %swap3A_435 = arith.constant 400 : index
      %swap3A_436 = tpu.vector_load %arg8[%swap3A_434, %swap3A_435] {strides = array<i32>} : memref<64x512xf32, #tpu.memory_space<vmem>>, vector<1x16xf32>,
      %swap3A_437 = vector.shape_cast %swap3A_436 : vector<1x16xf32> to vector<16xf32>
      %swap3A_438 = vector.shape_cast %get3A_433 : vector<16xf32> to vector<1x16xf32>
      tpu.vector_store %arg8[%swap3A_434, %swap3A_435], %swap3A_438 {add = true, strides = array<i32>} : memref<64x512xf32, #tpu.memory_space<vmem>>, vector<1x16xf32>,
      %get3A_439 = arith.index_cast %scan3A_206 : i32 to index
      %get3A_440 = arith.constant 416 : index
      %get3A_441 = tpu.vector_load %arg7[%get3A_439, %get3A_440] {strides = array<i32>} : memref<64x512xf32, #tpu.memory_space<vmem>>, vector<1x16xf32>,
      %get3A_442 = vector.shape_cast %get3A_441 : vector<1x16xf32> to vector<16xf32>
      %swap3A_443 = arith.index_cast %scan3A_206 : i32 to index
      %swap3A_444 = arith.constant 416 : index
      %swap3A_445 = tpu.vector_load %arg8[%swap3A_443, %swap3A_444] {strides = array<i32>} : memref<64x512xf32, #tpu.memory_space<vmem>>, vector<1x16xf32>,
      %swap3A_446 = vector.shape_cast %swap3A_445 : vector<1x16xf32> to vector<16xf32>
      %swap3A_447 = vector.shape_cast %get3A_442 : vector<16xf32> to vector<1x16xf32>
      tpu.vector_store %arg8[%swap3A_443, %swap3A_444], %swap3A_447 {add = true, strides = array<i32>} : memref<64x512xf32, #tpu.memory_space<vmem>>, vector<1x16xf32>,
      %get3A_448 = arith.index_cast %scan3A_206 : i32 to index
      %get3A_449 = arith.constant 432 : index
      %get3A_450 = tpu.vector_load %arg7[%get3A_448, %get3A_449] {strides = array<i32>} : memref<64x512xf32, #tpu.memory_space<vmem>>, vector<1x16xf32>,
      %get3A_451 = vector.shape_cast %get3A_450 : vector<1x16xf32> to vector<16xf32>
      %swap3A_452 = arith.index_cast %scan3A_206 : i32 to index
      %swap3A_453 = arith.constant 432 : index
      %swap3A_454 = tpu.vector_load %arg8[%swap3A_452, %swap3A_453] {strides = array<i32>} : memref<64x512xf32, #tpu.memory_space<vmem>>, vector<1x16xf32>,
      %swap3A_455 = vector.shape_cast %swap3A_454 : vector<1x16xf32> to vector<16xf32>
      %swap3A_456 = vector.shape_cast %get3A_451 : vector<16xf32> to vector<1x16xf32>
      tpu.vector_store %arg8[%swap3A_452, %swap3A_453], %swap3A_456 {add = true, strides = array<i32>} : memref<64x512xf32, #tpu.memory_space<vmem>>, vector<1x16xf32>,
      %get3A_457 = arith.index_cast %scan3A_206 : i32 to index
      %get3A_458 = arith.constant 448 : index
      %get3A_459 = tpu.vector_load %arg7[%get3A_457, %get3A_458] {strides = array<i32>} : memref<64x512xf32, #tpu.memory_space<vmem>>, vector<1x16xf32>,
      %get3A_460 = vector.shape_cast %get3A_459 : vector<1x16xf32> to vector<16xf32>
      %swap3A_461 = arith.index_cast %scan3A_206 : i32 to index
      %swap3A_462 = arith.constant 448 : index
      %swap3A_463 = tpu.vector_load %arg8[%swap3A_461, %swap3A_462] {strides = array<i32>} : memref<64x512xf32, #tpu.memory_space<vmem>>, vector<1x16xf32>,
      %swap3A_464 = vector.shape_cast %swap3A_463 : vector<1x16xf32> to vector<16xf32>
      %swap3A_465 = vector.shape_cast %get3A_460 : vector<16xf32> to vector<1x16xf32>
      tpu.vector_store %arg8[%swap3A_461, %swap3A_462], %swap3A_465 {add = true, strides = array<i32>} : memref<64x512xf32, #tpu.memory_space<vmem>>, vector<1x16xf32>,
      %get3A_466 = arith.index_cast %scan3A_206 : i32 to index
      %get3A_467 = arith.constant 464 : index
      %get3A_468 = tpu.vector_load %arg7[%get3A_466, %get3A_467] {strides = array<i32>} : memref<64x512xf32, #tpu.memory_space<vmem>>, vector<1x16xf32>,
      %get3A_469 = vector.shape_cast %get3A_468 : vector<1x16xf32> to vector<16xf32>
      %swap3A_470 = arith.index_cast %scan3A_206 : i32 to index
      %swap3A_471 = arith.constant 464 : index
      %swap3A_472 = tpu.vector_load %arg8[%swap3A_470, %swap3A_471] {strides = array<i32>} : memref<64x512xf32, #tpu.memory_space<vmem>>, vector<1x16xf32>,
      %swap3A_473 = vector.shape_cast %swap3A_472 : vector<1x16xf32> to vector<16xf32>
      %swap3A_474 = vector.shape_cast %get3A_469 : vector<16xf32> to vector<1x16xf32>
      tpu.vector_store %arg8[%swap3A_470, %swap3A_471], %swap3A_474 {add = true, strides = array<i32>} : memref<64x512xf32, #tpu.memory_space<vmem>>, vector<1x16xf32>,
      %get3A_475 = arith.index_cast %scan3A_206 : i32 to index
      %get3A_476 = arith.constant 480 : index
      %get3A_477 = tpu.vector_load %arg7[%get3A_475, %get3A_476] {strides = array<i32>} : memref<64x512xf32, #tpu.memory_space<vmem>>, vector<1x16xf32>,
      %get3A_478 = vector.shape_cast %get3A_477 : vector<1x16xf32> to vector<16xf32>
      %swap3A_479 = arith.index_cast %scan3A_206 : i32 to index
      %swap3A_480 = arith.constant 480 : index
      %swap3A_481 = tpu.vector_load %arg8[%swap3A_479, %swap3A_480] {strides = array<i32>} : memref<64x512xf32, #tpu.memory_space<vmem>>, vector<1x16xf32>,
      %swap3A_482 = vector.shape_cast %swap3A_481 : vector<1x16xf32> to vector<16xf32>
      %swap3A_483 = vector.shape_cast %get3A_478 : vector<16xf32> to vector<1x16xf32>
      tpu.vector_store %arg8[%swap3A_479, %swap3A_480], %swap3A_483 {add = true, strides = array<i32>} : memref<64x512xf32, #tpu.memory_space<vmem>>, vector<1x16xf32>,
      %get3A_484 = arith.index_cast %scan3A_206 : i32 to index
      %get3A_485 = arith.constant 496 : index
      %get3A_486 = tpu.vector_load %arg7[%get3A_484, %get3A_485] {strides = array<i32>} : memref<64x512xf32, #tpu.memory_space<vmem>>, vector<1x16xf32>,
      %get3A_487 = vector.shape_cast %get3A_486 : vector<1x16xf32> to vector<16xf32>
      %swap3A_488 = arith.index_cast %scan3A_206 : i32 to index
      %swap3A_489 = arith.constant 496 : index
      %swap3A_490 = tpu.vector_load %arg8[%swap3A_488, %swap3A_489] {strides = array<i32>} : memref<64x512xf32, #tpu.memory_space<vmem>>, vector<1x16xf32>,
      %swap3A_491 = vector.shape_cast %swap3A_490 : vector<1x16xf32> to vector<16xf32>
      %swap3A_492 = vector.shape_cast %get3A_487 : vector<16xf32> to vector<1x16xf32>
      tpu.vector_store %arg8[%swap3A_488, %swap3A_489], %swap3A_492 {add = true, strides = array<i32>} : memref<64x512xf32, #tpu.memory_space<vmem>>, vector<1x16xf32>,
    }
    %scan3A_111 = arith.constant 64 : i32
    %add3A_112 = arith.constant 0 : i32
    %add3A_113 = arith.addi %add3A_112, %mul3A_2 : i32
    %dma_start3A_114 = arith.constant 0 : i32
    %dma_start3A_115 = tpu.memref_slice %arg5[%add3A_113, %dma_start3A_114] : memref<8192x512xf32, #tpu.memory_space<hbm>> -> memref<64x512xf32, #tpu.memory_space<hbm>>
    %dma_start3A_116 = arith.constant 0 : i32
    %dma_start3A_117 = tpu.memref_slice %arg5[%add3A_113, %dma_start3A_116] : memref<8192x512xf32, #tpu.memory_space<hbm>> -> memref<64x512xf32, #tpu.memory_space<hbm>>
    tpu.enqueue_dma source(%arg8 : memref<64x512xf32, #tpu.memory_space<vmem>>) target(%dma_start3A_117 : memref<64x512xf32, #tpu.memory_space<hbm>>) target_semaphore(%arg14 : memref<!tpu.dma_semaphore, #tpu.memory_space<semaphore_mem>>)
    %dma_wait3A_118 = arith.constant 0 : i32
    %dma_wait3A_119 = arith.constant 0 : i32
    %dma_wait3A_120 = tpu.memref_slice %arg5[%dma_wait3A_118, %dma_wait3A_119] : memref<8192x512xf32, #tpu.memory_space<hbm>> -> memref<64x512xf32, #tpu.memory_space<hbm>>
    %dma_wait3A_121 = arith.constant 0 : i32
    %dma_wait3A_122 = arith.constant 0 : i32
    %dma_wait3A_123 = tpu.memref_slice %arg5[%dma_wait3A_121, %dma_wait3A_122] : memref<8192x512xf32, #tpu.memory_space<hbm>> -> memref<64x512xf32, #tpu.memory_space<hbm>>
    tpu.wait_dma2 semaphore(%arg14 : memref<!tpu.dma_semaphore, #tpu.memory_space<semaphore_mem>>) src(%arg8 : memref<64x512xf32, #tpu.memory_space<vmem>>) dst(%dma_wait3A_123 : memref<64x512xf32, #tpu.memory_space<hbm>>)
    %dma_start3A_124 = arith.constant 128 : i32
    %dma_start3A_125 = tpu.memref_slice %arg6[%dma_start3A_124] : memref<256xi32, #tpu.memory_space<vmem>> -> memref<64xi32, #tpu.memory_space<vmem>>
    %dma_start3A_126 = arith.constant 0 : i32
    %dma_start3A_127 = arith.constant 0 : i32
    %dma_start3A_128 = tpu.memref_slice %arg3[%dma_start3A_126, %dma_start3A_127] : memref<100000x512xf32, #tpu.memory_space<hbm>> -> memref<100000x512xf32, #tpu.memory_space<hbm>>
    tpu.enqueue_indirect_dma source(%dma_start3A_128 : memref<100000x512xf32, #tpu.memory_space<hbm>>) target(%arg8 : memref<64x512xf32, #tpu.memory_space<vmem>>) offsets(%dma_start3A_125 : memref<64xi32, #tpu.memory_space<vmem>>) semaphore(%arg12 : memref<!tpu.dma_semaphore, #tpu.memory_space<semaphore_mem>>)
    %dma_wait3A_129 = arith.constant 0 : i32
    %dma_wait3A_130 = arith.constant 0 : i32
    %dma_wait3A_131 = tpu.memref_slice %arg3[%dma_wait3A_129, %dma_wait3A_130] : memref<100000x512xf32, #tpu.memory_space<hbm>> -> memref<64x512xf32, #tpu.memory_space<hbm>>
    %dma_wait3A_132 = arith.constant 0 : i32
    %dma_wait3A_133 = arith.constant 0 : i32
    %dma_wait3A_134 = tpu.memref_slice %arg3[%dma_wait3A_132, %dma_wait3A_133] : memref<100000x512xf32, #tpu.memory_space<hbm>> -> memref<64x512xf32, #tpu.memory_space<hbm>>
    tpu.wait_dma2 semaphore(%arg13 : memref<!tpu.dma_semaphore, #tpu.memory_space<semaphore_mem>>) src(%dma_wait3A_134 : memref<64x512xf32, #tpu.memory_space<hbm>>) dst(%arg9 : memref<64x512xf32, #tpu.memory_space<vmem>>)
    %scan3A_135 = arith.constant 0 : i32
    %scan3A_136 = arith.constant 0 : i32
    %scan3A_137 = arith.constant 64 : i32
    %scan3A_138 = arith.addi %scan3A_136, %scan3A_137 : i32
    %scan3A_139 = arith.constant 1 : i32
    scf.for %scan3A_206 = %scan3A_136 to %scan3A_138 step %scan3A_139  : i32 {
      %get3A = arith.index_cast %scan3A_206 : i32 to index
      %get3A_207 = arith.constant 0 : index
      %get3A_208 = tpu.vector_load %arg7[%get3A, %get3A_207] {strides = array<i32>} : memref<64x512xf32, #tpu.memory_space<vmem>>, vector<1x16xf32>,
      %get3A_209 = vector.shape_cast %get3A_208 : vector<1x16xf32> to vector<16xf32>
      %swap3A = arith.index_cast %scan3A_206 : i32 to index
      %swap3A_210 = arith.constant 0 : index
      %swap3A_211 = tpu.vector_load %arg9[%swap3A, %swap3A_210] {strides = array<i32>} : memref<64x512xf32, #tpu.memory_space<vmem>>, vector<1x16xf32>,
      %swap3A_212 = vector.shape_cast %swap3A_211 : vector<1x16xf32> to vector<16xf32>
      %swap3A_213 = vector.shape_cast %get3A_209 : vector<16xf32> to vector<1x16xf32>
      tpu.vector_store %arg9[%swap3A, %swap3A_210], %swap3A_213 {add = true, strides = array<i32>} : memref<64x512xf32, #tpu.memory_space<vmem>>, vector<1x16xf32>,
      %get3A_214 = arith.index_cast %scan3A_206 : i32 to index
      %get3A_215 = arith.constant 16 : index
      %get3A_216 = tpu.vector_load %arg7[%get3A_214, %get3A_215] {strides = array<i32>} : memref<64x512xf32, #tpu.memory_space<vmem>>, vector<1x16xf32>,
      %get3A_217 = vector.shape_cast %get3A_216 : vector<1x16xf32> to vector<16xf32>
      %swap3A_218 = arith.index_cast %scan3A_206 : i32 to index
      %swap3A_219 = arith.constant 16 : index
      %swap3A_220 = tpu.vector_load %arg9[%swap3A_218, %swap3A_219] {strides = array<i32>} : memref<64x512xf32, #tpu.memory_space<vmem>>, vector<1x16xf32>,
      %swap3A_221 = vector.shape_cast %swap3A_220 : vector<1x16xf32> to vector<16xf32>
      %swap3A_222 = vector.shape_cast %get3A_217 : vector<16xf32> to vector<1x16xf32>
      tpu.vector_store %arg9[%swap3A_218, %swap3A_219], %swap3A_222 {add = true, strides = array<i32>} : memref<64x512xf32, #tpu.memory_space<vmem>>, vector<1x16xf32>,
      %get3A_223 = arith.index_cast %scan3A_206 : i32 to index
      %get3A_224 = arith.constant 32 : index
      %get3A_225 = tpu.vector_load %arg7[%get3A_223, %get3A_224] {strides = array<i32>} : memref<64x512xf32, #tpu.memory_space<vmem>>, vector<1x16xf32>,
      %get3A_226 = vector.shape_cast %get3A_225 : vector<1x16xf32> to vector<16xf32>
      %swap3A_227 = arith.index_cast %scan3A_206 : i32 to index
      %swap3A_228 = arith.constant 32 : index
      %swap3A_229 = tpu.vector_load %arg9[%swap3A_227, %swap3A_228] {strides = array<i32>} : memref<64x512xf32, #tpu.memory_space<vmem>>, vector<1x16xf32>,
      %swap3A_230 = vector.shape_cast %swap3A_229 : vector<1x16xf32> to vector<16xf32>
      %swap3A_231 = vector.shape_cast %get3A_226 : vector<16xf32> to vector<1x16xf32>
      tpu.vector_store %arg9[%swap3A_227, %swap3A_228], %swap3A_231 {add = true, strides = array<i32>} : memref<64x512xf32, #tpu.memory_space<vmem>>, vector<1x16xf32>,
      %get3A_232 = arith.index_cast %scan3A_206 : i32 to index
      %get3A_233 = arith.constant 48 : index
      %get3A_234 = tpu.vector_load %arg7[%get3A_232, %get3A_233] {strides = array<i32>} : memref<64x512xf32, #tpu.memory_space<vmem>>, vector<1x16xf32>,
      %get3A_235 = vector.shape_cast %get3A_234 : vector<1x16xf32> to vector<16xf32>
      %swap3A_236 = arith.index_cast %scan3A_206 : i32 to index
      %swap3A_237 = arith.constant 48 : index
      %swap3A_238 = tpu.vector_load %arg9[%swap3A_236, %swap3A_237] {strides = array<i32>} : memref<64x512xf32, #tpu.memory_space<vmem>>, vector<1x16xf32>,
      %swap3A_239 = vector.shape_cast %swap3A_238 : vector<1x16xf32> to vector<16xf32>
      %swap3A_240 = vector.shape_cast %get3A_235 : vector<16xf32> to vector<1x16xf32>
      tpu.vector_store %arg9[%swap3A_236, %swap3A_237], %swap3A_240 {add = true, strides = array<i32>} : memref<64x512xf32, #tpu.memory_space<vmem>>, vector<1x16xf32>,
      %get3A_241 = arith.index_cast %scan3A_206 : i32 to index
      %get3A_242 = arith.constant 64 : index
      %get3A_243 = tpu.vector_load %arg7[%get3A_241, %get3A_242] {strides = array<i32>} : memref<64x512xf32, #tpu.memory_space<vmem>>, vector<1x16xf32>,
      %get3A_244 = vector.shape_cast %get3A_243 : vector<1x16xf32> to vector<16xf32>
      %swap3A_245 = arith.index_cast %scan3A_206 : i32 to index
      %swap3A_246 = arith.constant 64 : index
      %swap3A_247 = tpu.vector_load %arg9[%swap3A_245, %swap3A_246] {strides = array<i32>} : memref<64x512xf32, #tpu.memory_space<vmem>>, vector<1x16xf32>,
      %swap3A_248 = vector.shape_cast %swap3A_247 : vector<1x16xf32> to vector<16xf32>
      %swap3A_249 = vector.shape_cast %get3A_244 : vector<16xf32> to vector<1x16xf32>
      tpu.vector_store %arg9[%swap3A_245, %swap3A_246], %swap3A_249 {add = true, strides = array<i32>} : memref<64x512xf32, #tpu.memory_space<vmem>>, vector<1x16xf32>,
      %get3A_250 = arith.index_cast %scan3A_206 : i32 to index
      %get3A_251 = arith.constant 80 : index
      %get3A_252 = tpu.vector_load %arg7[%get3A_250, %get3A_251] {strides = array<i32>} : memref<64x512xf32, #tpu.memory_space<vmem>>, vector<1x16xf32>,
      %get3A_253 = vector.shape_cast %get3A_252 : vector<1x16xf32> to vector<16xf32>
      %swap3A_254 = arith.index_cast %scan3A_206 : i32 to index
      %swap3A_255 = arith.constant 80 : index
      %swap3A_256 = tpu.vector_load %arg9[%swap3A_254, %swap3A_255] {strides = array<i32>} : memref<64x512xf32, #tpu.memory_space<vmem>>, vector<1x16xf32>,
      %swap3A_257 = vector.shape_cast %swap3A_256 : vector<1x16xf32> to vector<16xf32>
      %swap3A_258 = vector.shape_cast %get3A_253 : vector<16xf32> to vector<1x16xf32>
      tpu.vector_store %arg9[%swap3A_254, %swap3A_255], %swap3A_258 {add = true, strides = array<i32>} : memref<64x512xf32, #tpu.memory_space<vmem>>, vector<1x16xf32>,
      %get3A_259 = arith.index_cast %scan3A_206 : i32 to index
      %get3A_260 = arith.constant 96 : index
      %get3A_261 = tpu.vector_load %arg7[%get3A_259, %get3A_260] {strides = array<i32>} : memref<64x512xf32, #tpu.memory_space<vmem>>, vector<1x16xf32>,
      %get3A_262 = vector.shape_cast %get3A_261 : vector<1x16xf32> to vector<16xf32>
      %swap3A_263 = arith.index_cast %scan3A_206 : i32 to index
      %swap3A_264 = arith.constant 96 : index
      %swap3A_265 = tpu.vector_load %arg9[%swap3A_263, %swap3A_264] {strides = array<i32>} : memref<64x512xf32, #tpu.memory_space<vmem>>, vector<1x16xf32>,
      %swap3A_266 = vector.shape_cast %swap3A_265 : vector<1x16xf32> to vector<16xf32>
      %swap3A_267 = vector.shape_cast %get3A_262 : vector<16xf32> to vector<1x16xf32>
      tpu.vector_store %arg9[%swap3A_263, %swap3A_264], %swap3A_267 {add = true, strides = array<i32>} : memref<64x512xf32, #tpu.memory_space<vmem>>, vector<1x16xf32>,
      %get3A_268 = arith.index_cast %scan3A_206 : i32 to index
      %get3A_269 = arith.constant 112 : index
      %get3A_270 = tpu.vector_load %arg7[%get3A_268, %get3A_269] {strides = array<i32>} : memref<64x512xf32, #tpu.memory_space<vmem>>, vector<1x16xf32>,
      %get3A_271 = vector.shape_cast %get3A_270 : vector<1x16xf32> to vector<16xf32>
      %swap3A_272 = arith.index_cast %scan3A_206 : i32 to index
      %swap3A_273 = arith.constant 112 : index
      %swap3A_274 = tpu.vector_load %arg9[%swap3A_272, %swap3A_273] {strides = array<i32>} : memref<64x512xf32, #tpu.memory_space<vmem>>, vector<1x16xf32>,
      %swap3A_275 = vector.shape_cast %swap3A_274 : vector<1x16xf32> to vector<16xf32>
      %swap3A_276 = vector.shape_cast %get3A_271 : vector<16xf32> to vector<1x16xf32>
      tpu.vector_store %arg9[%swap3A_272, %swap3A_273], %swap3A_276 {add = true, strides = array<i32>} : memref<64x512xf32, #tpu.memory_space<vmem>>, vector<1x16xf32>,
      %get3A_277 = arith.index_cast %scan3A_206 : i32 to index
      %get3A_278 = arith.constant 128 : index
      %get3A_279 = tpu.vector_load %arg7[%get3A_277, %get3A_278] {strides = array<i32>} : memref<64x512xf32, #tpu.memory_space<vmem>>, vector<1x16xf32>,
      %get3A_280 = vector.shape_cast %get3A_279 : vector<1x16xf32> to vector<16xf32>
      %swap3A_281 = arith.index_cast %scan3A_206 : i32 to index
      %swap3A_282 = arith.constant 128 : index
      %swap3A_283 = tpu.vector_load %arg9[%swap3A_281, %swap3A_282] {strides = array<i32>} : memref<64x512xf32, #tpu.memory_space<vmem>>, vector<1x16xf32>,
      %swap3A_284 = vector.shape_cast %swap3A_283 : vector<1x16xf32> to vector<16xf32>
      %swap3A_285 = vector.shape_cast %get3A_280 : vector<16xf32> to vector<1x16xf32>
      tpu.vector_store %arg9[%swap3A_281, %swap3A_282], %swap3A_285 {add = true, strides = array<i32>} : memref<64x512xf32, #tpu.memory_space<vmem>>, vector<1x16xf32>,
      %get3A_286 = arith.index_cast %scan3A_206 : i32 to index
      %get3A_287 = arith.constant 144 : index
      %get3A_288 = tpu.vector_load %arg7[%get3A_286, %get3A_287] {strides = array<i32>} : memref<64x512xf32, #tpu.memory_space<vmem>>, vector<1x16xf32>,
      %get3A_289 = vector.shape_cast %get3A_288 : vector<1x16xf32> to vector<16xf32>
      %swap3A_290 = arith.index_cast %scan3A_206 : i32 to index
      %swap3A_291 = arith.constant 144 : index
      %swap3A_292 = tpu.vector_load %arg9[%swap3A_290, %swap3A_291] {strides = array<i32>} : memref<64x512xf32, #tpu.memory_space<vmem>>, vector<1x16xf32>,
      %swap3A_293 = vector.shape_cast %swap3A_292 : vector<1x16xf32> to vector<16xf32>
      %swap3A_294 = vector.shape_cast %get3A_289 : vector<16xf32> to vector<1x16xf32>
      tpu.vector_store %arg9[%swap3A_290, %swap3A_291], %swap3A_294 {add = true, strides = array<i32>} : memref<64x512xf32, #tpu.memory_space<vmem>>, vector<1x16xf32>,
      %get3A_295 = arith.index_cast %scan3A_206 : i32 to index
      %get3A_296 = arith.constant 160 : index
      %get3A_297 = tpu.vector_load %arg7[%get3A_295, %get3A_296] {strides = array<i32>} : memref<64x512xf32, #tpu.memory_space<vmem>>, vector<1x16xf32>,
      %get3A_298 = vector.shape_cast %get3A_297 : vector<1x16xf32> to vector<16xf32>
      %swap3A_299 = arith.index_cast %scan3A_206 : i32 to index
      %swap3A_300 = arith.constant 160 : index
      %swap3A_301 = tpu.vector_load %arg9[%swap3A_299, %swap3A_300] {strides = array<i32>} : memref<64x512xf32, #tpu.memory_space<vmem>>, vector<1x16xf32>,
      %swap3A_302 = vector.shape_cast %swap3A_301 : vector<1x16xf32> to vector<16xf32>
      %swap3A_303 = vector.shape_cast %get3A_298 : vector<16xf32> to vector<1x16xf32>
      tpu.vector_store %arg9[%swap3A_299, %swap3A_300], %swap3A_303 {add = true, strides = array<i32>} : memref<64x512xf32, #tpu.memory_space<vmem>>, vector<1x16xf32>,
      %get3A_304 = arith.index_cast %scan3A_206 : i32 to index
      %get3A_305 = arith.constant 176 : index
      %get3A_306 = tpu.vector_load %arg7[%get3A_304, %get3A_305] {strides = array<i32>} : memref<64x512xf32, #tpu.memory_space<vmem>>, vector<1x16xf32>,
      %get3A_307 = vector.shape_cast %get3A_306 : vector<1x16xf32> to vector<16xf32>
      %swap3A_308 = arith.index_cast %scan3A_206 : i32 to index
      %swap3A_309 = arith.constant 176 : index
      %swap3A_310 = tpu.vector_load %arg9[%swap3A_308, %swap3A_309] {strides = array<i32>} : memref<64x512xf32, #tpu.memory_space<vmem>>, vector<1x16xf32>,
      %swap3A_311 = vector.shape_cast %swap3A_310 : vector<1x16xf32> to vector<16xf32>
      %swap3A_312 = vector.shape_cast %get3A_307 : vector<16xf32> to vector<1x16xf32>
      tpu.vector_store %arg9[%swap3A_308, %swap3A_309], %swap3A_312 {add = true, strides = array<i32>} : memref<64x512xf32, #tpu.memory_space<vmem>>, vector<1x16xf32>,
      %get3A_313 = arith.index_cast %scan3A_206 : i32 to index
      %get3A_314 = arith.constant 192 : index
      %get3A_315 = tpu.vector_load %arg7[%get3A_313, %get3A_314] {strides = array<i32>} : memref<64x512xf32, #tpu.memory_space<vmem>>, vector<1x16xf32>,
      %get3A_316 = vector.shape_cast %get3A_315 : vector<1x16xf32> to vector<16xf32>
      %swap3A_317 = arith.index_cast %scan3A_206 : i32 to index
      %swap3A_318 = arith.constant 192 : index
      %swap3A_319 = tpu.vector_load %arg9[%swap3A_317, %swap3A_318] {strides = array<i32>} : memref<64x512xf32, #tpu.memory_space<vmem>>, vector<1x16xf32>,
      %swap3A_320 = vector.shape_cast %swap3A_319 : vector<1x16xf32> to vector<16xf32>
      %swap3A_321 = vector.shape_cast %get3A_316 : vector<16xf32> to vector<1x16xf32>
      tpu.vector_store %arg9[%swap3A_317, %swap3A_318], %swap3A_321 {add = true, strides = array<i32>} : memref<64x512xf32, #tpu.memory_space<vmem>>, vector<1x16xf32>,
      %get3A_322 = arith.index_cast %scan3A_206 : i32 to index
      %get3A_323 = arith.constant 208 : index
      %get3A_324 = tpu.vector_load %arg7[%get3A_322, %get3A_323] {strides = array<i32>} : memref<64x512xf32, #tpu.memory_space<vmem>>, vector<1x16xf32>,
      %get3A_325 = vector.shape_cast %get3A_324 : vector<1x16xf32> to vector<16xf32>
      %swap3A_326 = arith.index_cast %scan3A_206 : i32 to index
      %swap3A_327 = arith.constant 208 : index
      %swap3A_328 = tpu.vector_load %arg9[%swap3A_326, %swap3A_327] {strides = array<i32>} : memref<64x512xf32, #tpu.memory_space<vmem>>, vector<1x16xf32>,
      %swap3A_329 = vector.shape_cast %swap3A_328 : vector<1x16xf32> to vector<16xf32>
      %swap3A_330 = vector.shape_cast %get3A_325 : vector<16xf32> to vector<1x16xf32>
      tpu.vector_store %arg9[%swap3A_326, %swap3A_327], %swap3A_330 {add = true, strides = array<i32>} : memref<64x512xf32, #tpu.memory_space<vmem>>, vector<1x16xf32>,
      %get3A_331 = arith.index_cast %scan3A_206 : i32 to index
      %get3A_332 = arith.constant 224 : index
      %get3A_333 = tpu.vector_load %arg7[%get3A_331, %get3A_332] {strides = array<i32>} : memref<64x512xf32, #tpu.memory_space<vmem>>, vector<1x16xf32>,
      %get3A_334 = vector.shape_cast %get3A_333 : vector<1x16xf32> to vector<16xf32>
      %swap3A_335 = arith.index_cast %scan3A_206 : i32 to index
      %swap3A_336 = arith.constant 224 : index
      %swap3A_337 = tpu.vector_load %arg9[%swap3A_335, %swap3A_336] {strides = array<i32>} : memref<64x512xf32, #tpu.memory_space<vmem>>, vector<1x16xf32>,
      %swap3A_338 = vector.shape_cast %swap3A_337 : vector<1x16xf32> to vector<16xf32>
      %swap3A_339 = vector.shape_cast %get3A_334 : vector<16xf32> to vector<1x16xf32>
      tpu.vector_store %arg9[%swap3A_335, %swap3A_336], %swap3A_339 {add = true, strides = array<i32>} : memref<64x512xf32, #tpu.memory_space<vmem>>, vector<1x16xf32>,
      %get3A_340 = arith.index_cast %scan3A_206 : i32 to index
      %get3A_341 = arith.constant 240 : index
      %get3A_342 = tpu.vector_load %arg7[%get3A_340, %get3A_341] {strides = array<i32>} : memref<64x512xf32, #tpu.memory_space<vmem>>, vector<1x16xf32>,
      %get3A_343 = vector.shape_cast %get3A_342 : vector<1x16xf32> to vector<16xf32>
      %swap3A_344 = arith.index_cast %scan3A_206 : i32 to index
      %swap3A_345 = arith.constant 240 : index
      %swap3A_346 = tpu.vector_load %arg9[%swap3A_344, %swap3A_345] {strides = array<i32>} : memref<64x512xf32, #tpu.memory_space<vmem>>, vector<1x16xf32>,
      %swap3A_347 = vector.shape_cast %swap3A_346 : vector<1x16xf32> to vector<16xf32>
      %swap3A_348 = vector.shape_cast %get3A_343 : vector<16xf32> to vector<1x16xf32>
      tpu.vector_store %arg9[%swap3A_344, %swap3A_345], %swap3A_348 {add = true, strides = array<i32>} : memref<64x512xf32, #tpu.memory_space<vmem>>, vector<1x16xf32>,
      %get3A_349 = arith.index_cast %scan3A_206 : i32 to index
      %get3A_350 = arith.constant 256 : index
      %get3A_351 = tpu.vector_load %arg7[%get3A_349, %get3A_350] {strides = array<i32>} : memref<64x512xf32, #tpu.memory_space<vmem>>, vector<1x16xf32>,
      %get3A_352 = vector.shape_cast %get3A_351 : vector<1x16xf32> to vector<16xf32>
      %swap3A_353 = arith.index_cast %scan3A_206 : i32 to index
      %swap3A_354 = arith.constant 256 : index
      %swap3A_355 = tpu.vector_load %arg9[%swap3A_353, %swap3A_354] {strides = array<i32>} : memref<64x512xf32, #tpu.memory_space<vmem>>, vector<1x16xf32>,
      %swap3A_356 = vector.shape_cast %swap3A_355 : vector<1x16xf32> to vector<16xf32>
      %swap3A_357 = vector.shape_cast %get3A_352 : vector<16xf32> to vector<1x16xf32>
      tpu.vector_store %arg9[%swap3A_353, %swap3A_354], %swap3A_357 {add = true, strides = array<i32>} : memref<64x512xf32, #tpu.memory_space<vmem>>, vector<1x16xf32>,
      %get3A_358 = arith.index_cast %scan3A_206 : i32 to index
      %get3A_359 = arith.constant 272 : index
      %get3A_360 = tpu.vector_load %arg7[%get3A_358, %get3A_359] {strides = array<i32>} : memref<64x512xf32, #tpu.memory_space<vmem>>, vector<1x16xf32>,
      %get3A_361 = vector.shape_cast %get3A_360 : vector<1x16xf32> to vector<16xf32>
      %swap3A_362 = arith.index_cast %scan3A_206 : i32 to index
      %swap3A_363 = arith.constant 272 : index
      %swap3A_364 = tpu.vector_load %arg9[%swap3A_362, %swap3A_363] {strides = array<i32>} : memref<64x512xf32, #tpu.memory_space<vmem>>, vector<1x16xf32>,
      %swap3A_365 = vector.shape_cast %swap3A_364 : vector<1x16xf32> to vector<16xf32>
      %swap3A_366 = vector.shape_cast %get3A_361 : vector<16xf32> to vector<1x16xf32>
      tpu.vector_store %arg9[%swap3A_362, %swap3A_363], %swap3A_366 {add = true, strides = array<i32>} : memref<64x512xf32, #tpu.memory_space<vmem>>, vector<1x16xf32>,
      %get3A_367 = arith.index_cast %scan3A_206 : i32 to index
      %get3A_368 = arith.constant 288 : index
      %get3A_369 = tpu.vector_load %arg7[%get3A_367, %get3A_368] {strides = array<i32>} : memref<64x512xf32, #tpu.memory_space<vmem>>, vector<1x16xf32>,
      %get3A_370 = vector.shape_cast %get3A_369 : vector<1x16xf32> to vector<16xf32>
      %swap3A_371 = arith.index_cast %scan3A_206 : i32 to index
      %swap3A_372 = arith.constant 288 : index
      %swap3A_373 = tpu.vector_load %arg9[%swap3A_371, %swap3A_372] {strides = array<i32>} : memref<64x512xf32, #tpu.memory_space<vmem>>, vector<1x16xf32>,
      %swap3A_374 = vector.shape_cast %swap3A_373 : vector<1x16xf32> to vector<16xf32>
      %swap3A_375 = vector.shape_cast %get3A_370 : vector<16xf32> to vector<1x16xf32>
      tpu.vector_store %arg9[%swap3A_371, %swap3A_372], %swap3A_375 {add = true, strides = array<i32>} : memref<64x512xf32, #tpu.memory_space<vmem>>, vector<1x16xf32>,
      %get3A_376 = arith.index_cast %scan3A_206 : i32 to index
      %get3A_377 = arith.constant 304 : index
      %get3A_378 = tpu.vector_load %arg7[%get3A_376, %get3A_377] {strides = array<i32>} : memref<64x512xf32, #tpu.memory_space<vmem>>, vector<1x16xf32>,
      %get3A_379 = vector.shape_cast %get3A_378 : vector<1x16xf32> to vector<16xf32>
      %swap3A_380 = arith.index_cast %scan3A_206 : i32 to index
      %swap3A_381 = arith.constant 304 : index
      %swap3A_382 = tpu.vector_load %arg9[%swap3A_380, %swap3A_381] {strides = array<i32>} : memref<64x512xf32, #tpu.memory_space<vmem>>, vector<1x16xf32>,
      %swap3A_383 = vector.shape_cast %swap3A_382 : vector<1x16xf32> to vector<16xf32>
      %swap3A_384 = vector.shape_cast %get3A_379 : vector<16xf32> to vector<1x16xf32>
      tpu.vector_store %arg9[%swap3A_380, %swap3A_381], %swap3A_384 {add = true, strides = array<i32>} : memref<64x512xf32, #tpu.memory_space<vmem>>, vector<1x16xf32>,
      %get3A_385 = arith.index_cast %scan3A_206 : i32 to index
      %get3A_386 = arith.constant 320 : index
      %get3A_387 = tpu.vector_load %arg7[%get3A_385, %get3A_386] {strides = array<i32>} : memref<64x512xf32, #tpu.memory_space<vmem>>, vector<1x16xf32>,
      %get3A_388 = vector.shape_cast %get3A_387 : vector<1x16xf32> to vector<16xf32>
      %swap3A_389 = arith.index_cast %scan3A_206 : i32 to index
      %swap3A_390 = arith.constant 320 : index
      %swap3A_391 = tpu.vector_load %arg9[%swap3A_389, %swap3A_390] {strides = array<i32>} : memref<64x512xf32, #tpu.memory_space<vmem>>, vector<1x16xf32>,
      %swap3A_392 = vector.shape_cast %swap3A_391 : vector<1x16xf32> to vector<16xf32>
      %swap3A_393 = vector.shape_cast %get3A_388 : vector<16xf32> to vector<1x16xf32>
      tpu.vector_store %arg9[%swap3A_389, %swap3A_390], %swap3A_393 {add = true, strides = array<i32>} : memref<64x512xf32, #tpu.memory_space<vmem>>, vector<1x16xf32>,
      %get3A_394 = arith.index_cast %scan3A_206 : i32 to index
      %get3A_395 = arith.constant 336 : index
      %get3A_396 = tpu.vector_load %arg7[%get3A_394, %get3A_395] {strides = array<i32>} : memref<64x512xf32, #tpu.memory_space<vmem>>, vector<1x16xf32>,
      %get3A_397 = vector.shape_cast %get3A_396 : vector<1x16xf32> to vector<16xf32>
      %swap3A_398 = arith.index_cast %scan3A_206 : i32 to index
      %swap3A_399 = arith.constant 336 : index
      %swap3A_400 = tpu.vector_load %arg9[%swap3A_398, %swap3A_399] {strides = array<i32>} : memref<64x512xf32, #tpu.memory_space<vmem>>, vector<1x16xf32>,
      %swap3A_401 = vector.shape_cast %swap3A_400 : vector<1x16xf32> to vector<16xf32>
      %swap3A_402 = vector.shape_cast %get3A_397 : vector<16xf32> to vector<1x16xf32>
      tpu.vector_store %arg9[%swap3A_398, %swap3A_399], %swap3A_402 {add = true, strides = array<i32>} : memref<64x512xf32, #tpu.memory_space<vmem>>, vector<1x16xf32>,
      %get3A_403 = arith.index_cast %scan3A_206 : i32 to index
      %get3A_404 = arith.constant 352 : index
      %get3A_405 = tpu.vector_load %arg7[%get3A_403, %get3A_404] {strides = array<i32>} : memref<64x512xf32, #tpu.memory_space<vmem>>, vector<1x16xf32>,
      %get3A_406 = vector.shape_cast %get3A_405 : vector<1x16xf32> to vector<16xf32>
      %swap3A_407 = arith.index_cast %scan3A_206 : i32 to index
      %swap3A_408 = arith.constant 352 : index
      %swap3A_409 = tpu.vector_load %arg9[%swap3A_407, %swap3A_408] {strides = array<i32>} : memref<64x512xf32, #tpu.memory_space<vmem>>, vector<1x16xf32>,
      %swap3A_410 = vector.shape_cast %swap3A_409 : vector<1x16xf32> to vector<16xf32>
      %swap3A_411 = vector.shape_cast %get3A_406 : vector<16xf32> to vector<1x16xf32>
      tpu.vector_store %arg9[%swap3A_407, %swap3A_408], %swap3A_411 {add = true, strides = array<i32>} : memref<64x512xf32, #tpu.memory_space<vmem>>, vector<1x16xf32>,
      %get3A_412 = arith.index_cast %scan3A_206 : i32 to index
      %get3A_413 = arith.constant 368 : index
      %get3A_414 = tpu.vector_load %arg7[%get3A_412, %get3A_413] {strides = array<i32>} : memref<64x512xf32, #tpu.memory_space<vmem>>, vector<1x16xf32>,
      %get3A_415 = vector.shape_cast %get3A_414 : vector<1x16xf32> to vector<16xf32>
      %swap3A_416 = arith.index_cast %scan3A_206 : i32 to index
      %swap3A_417 = arith.constant 368 : index
      %swap3A_418 = tpu.vector_load %arg9[%swap3A_416, %swap3A_417] {strides = array<i32>} : memref<64x512xf32, #tpu.memory_space<vmem>>, vector<1x16xf32>,
      %swap3A_419 = vector.shape_cast %swap3A_418 : vector<1x16xf32> to vector<16xf32>
      %swap3A_420 = vector.shape_cast %get3A_415 : vector<16xf32> to vector<1x16xf32>
      tpu.vector_store %arg9[%swap3A_416, %swap3A_417], %swap3A_420 {add = true, strides = array<i32>} : memref<64x512xf32, #tpu.memory_space<vmem>>, vector<1x16xf32>,
      %get3A_421 = arith.index_cast %scan3A_206 : i32 to index
      %get3A_422 = arith.constant 384 : index
      %get3A_423 = tpu.vector_load %arg7[%get3A_421, %get3A_422] {strides = array<i32>} : memref<64x512xf32, #tpu.memory_space<vmem>>, vector<1x16xf32>,
      %get3A_424 = vector.shape_cast %get3A_423 : vector<1x16xf32> to vector<16xf32>
      %swap3A_425 = arith.index_cast %scan3A_206 : i32 to index
      %swap3A_426 = arith.constant 384 : index
      %swap3A_427 = tpu.vector_load %arg9[%swap3A_425, %swap3A_426] {strides = array<i32>} : memref<64x512xf32, #tpu.memory_space<vmem>>, vector<1x16xf32>,
      %swap3A_428 = vector.shape_cast %swap3A_427 : vector<1x16xf32> to vector<16xf32>
      %swap3A_429 = vector.shape_cast %get3A_424 : vector<16xf32> to vector<1x16xf32>
      tpu.vector_store %arg9[%swap3A_425, %swap3A_426], %swap3A_429 {add = true, strides = array<i32>} : memref<64x512xf32, #tpu.memory_space<vmem>>, vector<1x16xf32>,
      %get3A_430 = arith.index_cast %scan3A_206 : i32 to index
      %get3A_431 = arith.constant 400 : index
      %get3A_432 = tpu.vector_load %arg7[%get3A_430, %get3A_431] {strides = array<i32>} : memref<64x512xf32, #tpu.memory_space<vmem>>, vector<1x16xf32>,
      %get3A_433 = vector.shape_cast %get3A_432 : vector<1x16xf32> to vector<16xf32>
      %swap3A_434 = arith.index_cast %scan3A_206 : i32 to index
      %swap3A_435 = arith.constant 400 : index
      %swap3A_436 = tpu.vector_load %arg9[%swap3A_434, %swap3A_435] {strides = array<i32>} : memref<64x512xf32, #tpu.memory_space<vmem>>, vector<1x16xf32>,
      %swap3A_437 = vector.shape_cast %swap3A_436 : vector<1x16xf32> to vector<16xf32>
      %swap3A_438 = vector.shape_cast %get3A_433 : vector<16xf32> to vector<1x16xf32>
      tpu.vector_store %arg9[%swap3A_434, %swap3A_435], %swap3A_438 {add = true, strides = array<i32>} : memref<64x512xf32, #tpu.memory_space<vmem>>, vector<1x16xf32>,
      %get3A_439 = arith.index_cast %scan3A_206 : i32 to index
      %get3A_440 = arith.constant 416 : index
      %get3A_441 = tpu.vector_load %arg7[%get3A_439, %get3A_440] {strides = array<i32>} : memref<64x512xf32, #tpu.memory_space<vmem>>, vector<1x16xf32>,
      %get3A_442 = vector.shape_cast %get3A_441 : vector<1x16xf32> to vector<16xf32>
      %swap3A_443 = arith.index_cast %scan3A_206 : i32 to index
      %swap3A_444 = arith.constant 416 : index
      %swap3A_445 = tpu.vector_load %arg9[%swap3A_443, %swap3A_444] {strides = array<i32>} : memref<64x512xf32, #tpu.memory_space<vmem>>, vector<1x16xf32>,
      %swap3A_446 = vector.shape_cast %swap3A_445 : vector<1x16xf32> to vector<16xf32>
      %swap3A_447 = vector.shape_cast %get3A_442 : vector<16xf32> to vector<1x16xf32>
      tpu.vector_store %arg9[%swap3A_443, %swap3A_444], %swap3A_447 {add = true, strides = array<i32>} : memref<64x512xf32, #tpu.memory_space<vmem>>, vector<1x16xf32>,
      %get3A_448 = arith.index_cast %scan3A_206 : i32 to index
      %get3A_449 = arith.constant 432 : index
      %get3A_450 = tpu.vector_load %arg7[%get3A_448, %get3A_449] {strides = array<i32>} : memref<64x512xf32, #tpu.memory_space<vmem>>, vector<1x16xf32>,
      %get3A_451 = vector.shape_cast %get3A_450 : vector<1x16xf32> to vector<16xf32>
      %swap3A_452 = arith.index_cast %scan3A_206 : i32 to index
      %swap3A_453 = arith.constant 432 : index
      %swap3A_454 = tpu.vector_load %arg9[%swap3A_452, %swap3A_453] {strides = array<i32>} : memref<64x512xf32, #tpu.memory_space<vmem>>, vector<1x16xf32>,
      %swap3A_455 = vector.shape_cast %swap3A_454 : vector<1x16xf32> to vector<16xf32>
      %swap3A_456 = vector.shape_cast %get3A_451 : vector<16xf32> to vector<1x16xf32>
      tpu.vector_store %arg9[%swap3A_452, %swap3A_453], %swap3A_456 {add = true, strides = array<i32>} : memref<64x512xf32, #tpu.memory_space<vmem>>, vector<1x16xf32>,
      %get3A_457 = arith.index_cast %scan3A_206 : i32 to index
      %get3A_458 = arith.constant 448 : index
      %get3A_459 = tpu.vector_load %arg7[%get3A_457, %get3A_458] {strides = array<i32>} : memref<64x512xf32, #tpu.memory_space<vmem>>, vector<1x16xf32>,
      %get3A_460 = vector.shape_cast %get3A_459 : vector<1x16xf32> to vector<16xf32>
      %swap3A_461 = arith.index_cast %scan3A_206 : i32 to index
      %swap3A_462 = arith.constant 448 : index
      %swap3A_463 = tpu.vector_load %arg9[%swap3A_461, %swap3A_462] {strides = array<i32>} : memref<64x512xf32, #tpu.memory_space<vmem>>, vector<1x16xf32>,
      %swap3A_464 = vector.shape_cast %swap3A_463 : vector<1x16xf32> to vector<16xf32>
      %swap3A_465 = vector.shape_cast %get3A_460 : vector<16xf32> to vector<1x16xf32>
      tpu.vector_store %arg9[%swap3A_461, %swap3A_462], %swap3A_465 {add = true, strides = array<i32>} : memref<64x512xf32, #tpu.memory_space<vmem>>, vector<1x16xf32>,
      %get3A_466 = arith.index_cast %scan3A_206 : i32 to index
      %get3A_467 = arith.constant 464 : index
      %get3A_468 = tpu.vector_load %arg7[%get3A_466, %get3A_467] {strides = array<i32>} : memref<64x512xf32, #tpu.memory_space<vmem>>, vector<1x16xf32>,
      %get3A_469 = vector.shape_cast %get3A_468 : vector<1x16xf32> to vector<16xf32>
      %swap3A_470 = arith.index_cast %scan3A_206 : i32 to index
      %swap3A_471 = arith.constant 464 : index
      %swap3A_472 = tpu.vector_load %arg9[%swap3A_470, %swap3A_471] {strides = array<i32>} : memref<64x512xf32, #tpu.memory_space<vmem>>, vector<1x16xf32>,
      %swap3A_473 = vector.shape_cast %swap3A_472 : vector<1x16xf32> to vector<16xf32>
      %swap3A_474 = vector.shape_cast %get3A_469 : vector<16xf32> to vector<1x16xf32>
      tpu.vector_store %arg9[%swap3A_470, %swap3A_471], %swap3A_474 {add = true, strides = array<i32>} : memref<64x512xf32, #tpu.memory_space<vmem>>, vector<1x16xf32>,
      %get3A_475 = arith.index_cast %scan3A_206 : i32 to index
      %get3A_476 = arith.constant 480 : index
      %get3A_477 = tpu.vector_load %arg7[%get3A_475, %get3A_476] {strides = array<i32>} : memref<64x512xf32, #tpu.memory_space<vmem>>, vector<1x16xf32>,
      %get3A_478 = vector.shape_cast %get3A_477 : vector<1x16xf32> to vector<16xf32>
      %swap3A_479 = arith.index_cast %scan3A_206 : i32 to index
      %swap3A_480 = arith.constant 480 : index
      %swap3A_481 = tpu.vector_load %arg9[%swap3A_479, %swap3A_480] {strides = array<i32>} : memref<64x512xf32, #tpu.memory_space<vmem>>, vector<1x16xf32>,
      %swap3A_482 = vector.shape_cast %swap3A_481 : vector<1x16xf32> to vector<16xf32>
      %swap3A_483 = vector.shape_cast %get3A_478 : vector<16xf32> to vector<1x16xf32>
      tpu.vector_store %arg9[%swap3A_479, %swap3A_480], %swap3A_483 {add = true, strides = array<i32>} : memref<64x512xf32, #tpu.memory_space<vmem>>, vector<1x16xf32>,
      %get3A_484 = arith.index_cast %scan3A_206 : i32 to index
      %get3A_485 = arith.constant 496 : index
      %get3A_486 = tpu.vector_load %arg7[%get3A_484, %get3A_485] {strides = array<i32>} : memref<64x512xf32, #tpu.memory_space<vmem>>, vector<1x16xf32>,
      %get3A_487 = vector.shape_cast %get3A_486 : vector<1x16xf32> to vector<16xf32>
      %swap3A_488 = arith.index_cast %scan3A_206 : i32 to index
      %swap3A_489 = arith.constant 496 : index
      %swap3A_490 = tpu.vector_load %arg9[%swap3A_488, %swap3A_489] {strides = array<i32>} : memref<64x512xf32, #tpu.memory_space<vmem>>, vector<1x16xf32>,
      %swap3A_491 = vector.shape_cast %swap3A_490 : vector<1x16xf32> to vector<16xf32>
      %swap3A_492 = vector.shape_cast %get3A_487 : vector<16xf32> to vector<1x16xf32>
      tpu.vector_store %arg9[%swap3A_488, %swap3A_489], %swap3A_492 {add = true, strides = array<i32>} : memref<64x512xf32, #tpu.memory_space<vmem>>, vector<1x16xf32>,
    }
    %scan3A_140 = arith.constant 64 : i32
    %add3A_141 = arith.constant 2048 : i32
    %add3A_142 = arith.addi %add3A_141, %mul3A_2 : i32
    %dma_start3A_143 = arith.constant 0 : i32
    %dma_start3A_144 = tpu.memref_slice %arg5[%add3A_142, %dma_start3A_143] : memref<8192x512xf32, #tpu.memory_space<hbm>> -> memref<64x512xf32, #tpu.memory_space<hbm>>
    %dma_start3A_145 = arith.constant 0 : i32
    %dma_start3A_146 = tpu.memref_slice %arg5[%add3A_142, %dma_start3A_145] : memref<8192x512xf32, #tpu.memory_space<hbm>> -> memref<64x512xf32, #tpu.memory_space<hbm>>
    tpu.enqueue_dma source(%arg9 : memref<64x512xf32, #tpu.memory_space<vmem>>) target(%dma_start3A_146 : memref<64x512xf32, #tpu.memory_space<hbm>>) target_semaphore(%arg15 : memref<!tpu.dma_semaphore, #tpu.memory_space<semaphore_mem>>)
    %dma_wait3A_147 = arith.constant 0 : i32
    %dma_wait3A_148 = arith.constant 0 : i32
    %dma_wait3A_149 = tpu.memref_slice %arg5[%dma_wait3A_147, %dma_wait3A_148] : memref<8192x512xf32, #tpu.memory_space<hbm>> -> memref<64x512xf32, #tpu.memory_space<hbm>>
    %dma_wait3A_150 = arith.constant 0 : i32
    %dma_wait3A_151 = arith.constant 0 : i32
    %dma_wait3A_152 = tpu.memref_slice %arg5[%dma_wait3A_150, %dma_wait3A_151] : memref<8192x512xf32, #tpu.memory_space<hbm>> -> memref<64x512xf32, #tpu.memory_space<hbm>>
    tpu.wait_dma2 semaphore(%arg15 : memref<!tpu.dma_semaphore, #tpu.memory_space<semaphore_mem>>) src(%arg9 : memref<64x512xf32, #tpu.memory_space<vmem>>) dst(%dma_wait3A_152 : memref<64x512xf32, #tpu.memory_space<hbm>>)
    %dma_start3A_153 = arith.constant 192 : i32
    %dma_start3A_154 = tpu.memref_slice %arg6[%dma_start3A_153] : memref<256xi32, #tpu.memory_space<vmem>> -> memref<64xi32, #tpu.memory_space<vmem>>
    %dma_start3A_155 = arith.constant 0 : i32
    %dma_start3A_156 = arith.constant 0 : i32
    %dma_start3A_157 = tpu.memref_slice %arg3[%dma_start3A_155, %dma_start3A_156] : memref<100000x512xf32, #tpu.memory_space<hbm>> -> memref<100000x512xf32, #tpu.memory_space<hbm>>
    tpu.enqueue_indirect_dma source(%dma_start3A_157 : memref<100000x512xf32, #tpu.memory_space<hbm>>) target(%arg9 : memref<64x512xf32, #tpu.memory_space<vmem>>) offsets(%dma_start3A_154 : memref<64xi32, #tpu.memory_space<vmem>>) semaphore(%arg13 : memref<!tpu.dma_semaphore, #tpu.memory_space<semaphore_mem>>)
    %dma_wait3A_158 = arith.constant 0 : i32
    %dma_wait3A_159 = arith.constant 0 : i32
    %dma_wait3A_160 = tpu.memref_slice %arg3[%dma_wait3A_158, %dma_wait3A_159] : memref<100000x512xf32, #tpu.memory_space<hbm>> -> memref<64x512xf32, #tpu.memory_space<hbm>>
    %dma_wait3A_161 = arith.constant 0 : i32
    %dma_wait3A_162 = arith.constant 0 : i32
    %dma_wait3A_163 = tpu.memref_slice %arg3[%dma_wait3A_161, %dma_wait3A_162] : memref<100000x512xf32, #tpu.memory_space<hbm>> -> memref<64x512xf32, #tpu.memory_space<hbm>>
    tpu.wait_dma2 semaphore(%arg12 : memref<!tpu.dma_semaphore, #tpu.memory_space<semaphore_mem>>) src(%dma_wait3A_163 : memref<64x512xf32, #tpu.memory_space<hbm>>) dst(%arg8 : memref<64x512xf32, #tpu.memory_space<vmem>>)
    %scan3A_164 = arith.constant 0 : i32
    %scan3A_165 = arith.constant 0 : i32
    %scan3A_166 = arith.constant 64 : i32
    %scan3A_167 = arith.addi %scan3A_165, %scan3A_166 : i32
    %scan3A_168 = arith.constant 1 : i32
    scf.for %scan3A_206 = %scan3A_165 to %scan3A_167 step %scan3A_168  : i32 {
      %get3A = arith.index_cast %scan3A_206 : i32 to index
      %get3A_207 = arith.constant 0 : index
      %get3A_208 = tpu.vector_load %arg7[%get3A, %get3A_207] {strides = array<i32>} : memref<64x512xf32, #tpu.memory_space<vmem>>, vector<1x16xf32>,
      %get3A_209 = vector.shape_cast %get3A_208 : vector<1x16xf32> to vector<16xf32>
      %swap3A = arith.index_cast %scan3A_206 : i32 to index
      %swap3A_210 = arith.constant 0 : index
      %swap3A_211 = tpu.vector_load %arg8[%swap3A, %swap3A_210] {strides = array<i32>} : memref<64x512xf32, #tpu.memory_space<vmem>>, vector<1x16xf32>,
      %swap3A_212 = vector.shape_cast %swap3A_211 : vector<1x16xf32> to vector<16xf32>
      %swap3A_213 = vector.shape_cast %get3A_209 : vector<16xf32> to vector<1x16xf32>
      tpu.vector_store %arg8[%swap3A, %swap3A_210], %swap3A_213 {add = true, strides = array<i32>} : memref<64x512xf32, #tpu.memory_space<vmem>>, vector<1x16xf32>,
      %get3A_214 = arith.index_cast %scan3A_206 : i32 to index
      %get3A_215 = arith.constant 16 : index
      %get3A_216 = tpu.vector_load %arg7[%get3A_214, %get3A_215] {strides = array<i32>} : memref<64x512xf32, #tpu.memory_space<vmem>>, vector<1x16xf32>,
      %get3A_217 = vector.shape_cast %get3A_216 : vector<1x16xf32> to vector<16xf32>
      %swap3A_218 = arith.index_cast %scan3A_206 : i32 to index
      %swap3A_219 = arith.constant 16 : index
      %swap3A_220 = tpu.vector_load %arg8[%swap3A_218, %swap3A_219] {strides = array<i32>} : memref<64x512xf32, #tpu.memory_space<vmem>>, vector<1x16xf32>,
      %swap3A_221 = vector.shape_cast %swap3A_220 : vector<1x16xf32> to vector<16xf32>
      %swap3A_222 = vector.shape_cast %get3A_217 : vector<16xf32> to vector<1x16xf32>
      tpu.vector_store %arg8[%swap3A_218, %swap3A_219], %swap3A_222 {add = true, strides = array<i32>} : memref<64x512xf32, #tpu.memory_space<vmem>>, vector<1x16xf32>,
      %get3A_223 = arith.index_cast %scan3A_206 : i32 to index
      %get3A_224 = arith.constant 32 : index
      %get3A_225 = tpu.vector_load %arg7[%get3A_223, %get3A_224] {strides = array<i32>} : memref<64x512xf32, #tpu.memory_space<vmem>>, vector<1x16xf32>,
      %get3A_226 = vector.shape_cast %get3A_225 : vector<1x16xf32> to vector<16xf32>
      %swap3A_227 = arith.index_cast %scan3A_206 : i32 to index
      %swap3A_228 = arith.constant 32 : index
      %swap3A_229 = tpu.vector_load %arg8[%swap3A_227, %swap3A_228] {strides = array<i32>} : memref<64x512xf32, #tpu.memory_space<vmem>>, vector<1x16xf32>,
      %swap3A_230 = vector.shape_cast %swap3A_229 : vector<1x16xf32> to vector<16xf32>
      %swap3A_231 = vector.shape_cast %get3A_226 : vector<16xf32> to vector<1x16xf32>
      tpu.vector_store %arg8[%swap3A_227, %swap3A_228], %swap3A_231 {add = true, strides = array<i32>} : memref<64x512xf32, #tpu.memory_space<vmem>>, vector<1x16xf32>,
      %get3A_232 = arith.index_cast %scan3A_206 : i32 to index
      %get3A_233 = arith.constant 48 : index
      %get3A_234 = tpu.vector_load %arg7[%get3A_232, %get3A_233] {strides = array<i32>} : memref<64x512xf32, #tpu.memory_space<vmem>>, vector<1x16xf32>,
      %get3A_235 = vector.shape_cast %get3A_234 : vector<1x16xf32> to vector<16xf32>
      %swap3A_236 = arith.index_cast %scan3A_206 : i32 to index
      %swap3A_237 = arith.constant 48 : index
      %swap3A_238 = tpu.vector_load %arg8[%swap3A_236, %swap3A_237] {strides = array<i32>} : memref<64x512xf32, #tpu.memory_space<vmem>>, vector<1x16xf32>,
      %swap3A_239 = vector.shape_cast %swap3A_238 : vector<1x16xf32> to vector<16xf32>
      %swap3A_240 = vector.shape_cast %get3A_235 : vector<16xf32> to vector<1x16xf32>
      tpu.vector_store %arg8[%swap3A_236, %swap3A_237], %swap3A_240 {add = true, strides = array<i32>} : memref<64x512xf32, #tpu.memory_space<vmem>>, vector<1x16xf32>,
      %get3A_241 = arith.index_cast %scan3A_206 : i32 to index
      %get3A_242 = arith.constant 64 : index
      %get3A_243 = tpu.vector_load %arg7[%get3A_241, %get3A_242] {strides = array<i32>} : memref<64x512xf32, #tpu.memory_space<vmem>>, vector<1x16xf32>,
      %get3A_244 = vector.shape_cast %get3A_243 : vector<1x16xf32> to vector<16xf32>
      %swap3A_245 = arith.index_cast %scan3A_206 : i32 to index
      %swap3A_246 = arith.constant 64 : index
      %swap3A_247 = tpu.vector_load %arg8[%swap3A_245, %swap3A_246] {strides = array<i32>} : memref<64x512xf32, #tpu.memory_space<vmem>>, vector<1x16xf32>,
      %swap3A_248 = vector.shape_cast %swap3A_247 : vector<1x16xf32> to vector<16xf32>
      %swap3A_249 = vector.shape_cast %get3A_244 : vector<16xf32> to vector<1x16xf32>
      tpu.vector_store %arg8[%swap3A_245, %swap3A_246], %swap3A_249 {add = true, strides = array<i32>} : memref<64x512xf32, #tpu.memory_space<vmem>>, vector<1x16xf32>,
      %get3A_250 = arith.index_cast %scan3A_206 : i32 to index
      %get3A_251 = arith.constant 80 : index
      %get3A_252 = tpu.vector_load %arg7[%get3A_250, %get3A_251] {strides = array<i32>} : memref<64x512xf32, #tpu.memory_space<vmem>>, vector<1x16xf32>,
      %get3A_253 = vector.shape_cast %get3A_252 : vector<1x16xf32> to vector<16xf32>
      %swap3A_254 = arith.index_cast %scan3A_206 : i32 to index
      %swap3A_255 = arith.constant 80 : index
      %swap3A_256 = tpu.vector_load %arg8[%swap3A_254, %swap3A_255] {strides = array<i32>} : memref<64x512xf32, #tpu.memory_space<vmem>>, vector<1x16xf32>,
      %swap3A_257 = vector.shape_cast %swap3A_256 : vector<1x16xf32> to vector<16xf32>
      %swap3A_258 = vector.shape_cast %get3A_253 : vector<16xf32> to vector<1x16xf32>
      tpu.vector_store %arg8[%swap3A_254, %swap3A_255], %swap3A_258 {add = true, strides = array<i32>} : memref<64x512xf32, #tpu.memory_space<vmem>>, vector<1x16xf32>,
      %get3A_259 = arith.index_cast %scan3A_206 : i32 to index
      %get3A_260 = arith.constant 96 : index
      %get3A_261 = tpu.vector_load %arg7[%get3A_259, %get3A_260] {strides = array<i32>} : memref<64x512xf32, #tpu.memory_space<vmem>>, vector<1x16xf32>,
      %get3A_262 = vector.shape_cast %get3A_261 : vector<1x16xf32> to vector<16xf32>
      %swap3A_263 = arith.index_cast %scan3A_206 : i32 to index
      %swap3A_264 = arith.constant 96 : index
      %swap3A_265 = tpu.vector_load %arg8[%swap3A_263, %swap3A_264] {strides = array<i32>} : memref<64x512xf32, #tpu.memory_space<vmem>>, vector<1x16xf32>,
      %swap3A_266 = vector.shape_cast %swap3A_265 : vector<1x16xf32> to vector<16xf32>
      %swap3A_267 = vector.shape_cast %get3A_262 : vector<16xf32> to vector<1x16xf32>
      tpu.vector_store %arg8[%swap3A_263, %swap3A_264], %swap3A_267 {add = true, strides = array<i32>} : memref<64x512xf32, #tpu.memory_space<vmem>>, vector<1x16xf32>,
      %get3A_268 = arith.index_cast %scan3A_206 : i32 to index
      %get3A_269 = arith.constant 112 : index
      %get3A_270 = tpu.vector_load %arg7[%get3A_268, %get3A_269] {strides = array<i32>} : memref<64x512xf32, #tpu.memory_space<vmem>>, vector<1x16xf32>,
      %get3A_271 = vector.shape_cast %get3A_270 : vector<1x16xf32> to vector<16xf32>
      %swap3A_272 = arith.index_cast %scan3A_206 : i32 to index
      %swap3A_273 = arith.constant 112 : index
      %swap3A_274 = tpu.vector_load %arg8[%swap3A_272, %swap3A_273] {strides = array<i32>} : memref<64x512xf32, #tpu.memory_space<vmem>>, vector<1x16xf32>,
      %swap3A_275 = vector.shape_cast %swap3A_274 : vector<1x16xf32> to vector<16xf32>
      %swap3A_276 = vector.shape_cast %get3A_271 : vector<16xf32> to vector<1x16xf32>
      tpu.vector_store %arg8[%swap3A_272, %swap3A_273], %swap3A_276 {add = true, strides = array<i32>} : memref<64x512xf32, #tpu.memory_space<vmem>>, vector<1x16xf32>,
      %get3A_277 = arith.index_cast %scan3A_206 : i32 to index
      %get3A_278 = arith.constant 128 : index
      %get3A_279 = tpu.vector_load %arg7[%get3A_277, %get3A_278] {strides = array<i32>} : memref<64x512xf32, #tpu.memory_space<vmem>>, vector<1x16xf32>,
      %get3A_280 = vector.shape_cast %get3A_279 : vector<1x16xf32> to vector<16xf32>
      %swap3A_281 = arith.index_cast %scan3A_206 : i32 to index
      %swap3A_282 = arith.constant 128 : index
      %swap3A_283 = tpu.vector_load %arg8[%swap3A_281, %swap3A_282] {strides = array<i32>} : memref<64x512xf32, #tpu.memory_space<vmem>>, vector<1x16xf32>,
      %swap3A_284 = vector.shape_cast %swap3A_283 : vector<1x16xf32> to vector<16xf32>
      %swap3A_285 = vector.shape_cast %get3A_280 : vector<16xf32> to vector<1x16xf32>
      tpu.vector_store %arg8[%swap3A_281, %swap3A_282], %swap3A_285 {add = true, strides = array<i32>} : memref<64x512xf32, #tpu.memory_space<vmem>>, vector<1x16xf32>,
      %get3A_286 = arith.index_cast %scan3A_206 : i32 to index
      %get3A_287 = arith.constant 144 : index
      %get3A_288 = tpu.vector_load %arg7[%get3A_286, %get3A_287] {strides = array<i32>} : memref<64x512xf32, #tpu.memory_space<vmem>>, vector<1x16xf32>,
      %get3A_289 = vector.shape_cast %get3A_288 : vector<1x16xf32> to vector<16xf32>
      %swap3A_290 = arith.index_cast %scan3A_206 : i32 to index
      %swap3A_291 = arith.constant 144 : index
      %swap3A_292 = tpu.vector_load %arg8[%swap3A_290, %swap3A_291] {strides = array<i32>} : memref<64x512xf32, #tpu.memory_space<vmem>>, vector<1x16xf32>,
      %swap3A_293 = vector.shape_cast %swap3A_292 : vector<1x16xf32> to vector<16xf32>
      %swap3A_294 = vector.shape_cast %get3A_289 : vector<16xf32> to vector<1x16xf32>
      tpu.vector_store %arg8[%swap3A_290, %swap3A_291], %swap3A_294 {add = true, strides = array<i32>} : memref<64x512xf32, #tpu.memory_space<vmem>>, vector<1x16xf32>,
      %get3A_295 = arith.index_cast %scan3A_206 : i32 to index
      %get3A_296 = arith.constant 160 : index
      %get3A_297 = tpu.vector_load %arg7[%get3A_295, %get3A_296] {strides = array<i32>} : memref<64x512xf32, #tpu.memory_space<vmem>>, vector<1x16xf32>,
      %get3A_298 = vector.shape_cast %get3A_297 : vector<1x16xf32> to vector<16xf32>
      %swap3A_299 = arith.index_cast %scan3A_206 : i32 to index
      %swap3A_300 = arith.constant 160 : index
      %swap3A_301 = tpu.vector_load %arg8[%swap3A_299, %swap3A_300] {strides = array<i32>} : memref<64x512xf32, #tpu.memory_space<vmem>>, vector<1x16xf32>,
      %swap3A_302 = vector.shape_cast %swap3A_301 : vector<1x16xf32> to vector<16xf32>
      %swap3A_303 = vector.shape_cast %get3A_298 : vector<16xf32> to vector<1x16xf32>
      tpu.vector_store %arg8[%swap3A_299, %swap3A_300], %swap3A_303 {add = true, strides = array<i32>} : memref<64x512xf32, #tpu.memory_space<vmem>>, vector<1x16xf32>,
      %get3A_304 = arith.index_cast %scan3A_206 : i32 to index
      %get3A_305 = arith.constant 176 : index
      %get3A_306 = tpu.vector_load %arg7[%get3A_304, %get3A_305] {strides = array<i32>} : memref<64x512xf32, #tpu.memory_space<vmem>>, vector<1x16xf32>,
      %get3A_307 = vector.shape_cast %get3A_306 : vector<1x16xf32> to vector<16xf32>
      %swap3A_308 = arith.index_cast %scan3A_206 : i32 to index
      %swap3A_309 = arith.constant 176 : index
      %swap3A_310 = tpu.vector_load %arg8[%swap3A_308, %swap3A_309] {strides = array<i32>} : memref<64x512xf32, #tpu.memory_space<vmem>>, vector<1x16xf32>,
      %swap3A_311 = vector.shape_cast %swap3A_310 : vector<1x16xf32> to vector<16xf32>
      %swap3A_312 = vector.shape_cast %get3A_307 : vector<16xf32> to vector<1x16xf32>
      tpu.vector_store %arg8[%swap3A_308, %swap3A_309], %swap3A_312 {add = true, strides = array<i32>} : memref<64x512xf32, #tpu.memory_space<vmem>>, vector<1x16xf32>,
      %get3A_313 = arith.index_cast %scan3A_206 : i32 to index
      %get3A_314 = arith.constant 192 : index
      %get3A_315 = tpu.vector_load %arg7[%get3A_313, %get3A_314] {strides = array<i32>} : memref<64x512xf32, #tpu.memory_space<vmem>>, vector<1x16xf32>,
      %get3A_316 = vector.shape_cast %get3A_315 : vector<1x16xf32> to vector<16xf32>
      %swap3A_317 = arith.index_cast %scan3A_206 : i32 to index
      %swap3A_318 = arith.constant 192 : index
      %swap3A_319 = tpu.vector_load %arg8[%swap3A_317, %swap3A_318] {strides = array<i32>} : memref<64x512xf32, #tpu.memory_space<vmem>>, vector<1x16xf32>,
      %swap3A_320 = vector.shape_cast %swap3A_319 : vector<1x16xf32> to vector<16xf32>
      %swap3A_321 = vector.shape_cast %get3A_316 : vector<16xf32> to vector<1x16xf32>
      tpu.vector_store %arg8[%swap3A_317, %swap3A_318], %swap3A_321 {add = true, strides = array<i32>} : memref<64x512xf32, #tpu.memory_space<vmem>>, vector<1x16xf32>,
      %get3A_322 = arith.index_cast %scan3A_206 : i32 to index
      %get3A_323 = arith.constant 208 : index
      %get3A_324 = tpu.vector_load %arg7[%get3A_322, %get3A_323] {strides = array<i32>} : memref<64x512xf32, #tpu.memory_space<vmem>>, vector<1x16xf32>,
      %get3A_325 = vector.shape_cast %get3A_324 : vector<1x16xf32> to vector<16xf32>
      %swap3A_326 = arith.index_cast %scan3A_206 : i32 to index
      %swap3A_327 = arith.constant 208 : index
      %swap3A_328 = tpu.vector_load %arg8[%swap3A_326, %swap3A_327] {strides = array<i32>} : memref<64x512xf32, #tpu.memory_space<vmem>>, vector<1x16xf32>,
      %swap3A_329 = vector.shape_cast %swap3A_328 : vector<1x16xf32> to vector<16xf32>
      %swap3A_330 = vector.shape_cast %get3A_325 : vector<16xf32> to vector<1x16xf32>
      tpu.vector_store %arg8[%swap3A_326, %swap3A_327], %swap3A_330 {add = true, strides = array<i32>} : memref<64x512xf32, #tpu.memory_space<vmem>>, vector<1x16xf32>,
      %get3A_331 = arith.index_cast %scan3A_206 : i32 to index
      %get3A_332 = arith.constant 224 : index
      %get3A_333 = tpu.vector_load %arg7[%get3A_331, %get3A_332] {strides = array<i32>} : memref<64x512xf32, #tpu.memory_space<vmem>>, vector<1x16xf32>,
      %get3A_334 = vector.shape_cast %get3A_333 : vector<1x16xf32> to vector<16xf32>
      %swap3A_335 = arith.index_cast %scan3A_206 : i32 to index
      %swap3A_336 = arith.constant 224 : index
      %swap3A_337 = tpu.vector_load %arg8[%swap3A_335, %swap3A_336] {strides = array<i32>} : memref<64x512xf32, #tpu.memory_space<vmem>>, vector<1x16xf32>,
      %swap3A_338 = vector.shape_cast %swap3A_337 : vector<1x16xf32> to vector<16xf32>
      %swap3A_339 = vector.shape_cast %get3A_334 : vector<16xf32> to vector<1x16xf32>
      tpu.vector_store %arg8[%swap3A_335, %swap3A_336], %swap3A_339 {add = true, strides = array<i32>} : memref<64x512xf32, #tpu.memory_space<vmem>>, vector<1x16xf32>,
      %get3A_340 = arith.index_cast %scan3A_206 : i32 to index
      %get3A_341 = arith.constant 240 : index
      %get3A_342 = tpu.vector_load %arg7[%get3A_340, %get3A_341] {strides = array<i32>} : memref<64x512xf32, #tpu.memory_space<vmem>>, vector<1x16xf32>,
      %get3A_343 = vector.shape_cast %get3A_342 : vector<1x16xf32> to vector<16xf32>
      %swap3A_344 = arith.index_cast %scan3A_206 : i32 to index
      %swap3A_345 = arith.constant 240 : index
      %swap3A_346 = tpu.vector_load %arg8[%swap3A_344, %swap3A_345] {strides = array<i32>} : memref<64x512xf32, #tpu.memory_space<vmem>>, vector<1x16xf32>,
      %swap3A_347 = vector.shape_cast %swap3A_346 : vector<1x16xf32> to vector<16xf32>
      %swap3A_348 = vector.shape_cast %get3A_343 : vector<16xf32> to vector<1x16xf32>
      tpu.vector_store %arg8[%swap3A_344, %swap3A_345], %swap3A_348 {add = true, strides = array<i32>} : memref<64x512xf32, #tpu.memory_space<vmem>>, vector<1x16xf32>,
      %get3A_349 = arith.index_cast %scan3A_206 : i32 to index
      %get3A_350 = arith.constant 256 : index
      %get3A_351 = tpu.vector_load %arg7[%get3A_349, %get3A_350] {strides = array<i32>} : memref<64x512xf32, #tpu.memory_space<vmem>>, vector<1x16xf32>,
      %get3A_352 = vector.shape_cast %get3A_351 : vector<1x16xf32> to vector<16xf32>
      %swap3A_353 = arith.index_cast %scan3A_206 : i32 to index
      %swap3A_354 = arith.constant 256 : index
      %swap3A_355 = tpu.vector_load %arg8[%swap3A_353, %swap3A_354] {strides = array<i32>} : memref<64x512xf32, #tpu.memory_space<vmem>>, vector<1x16xf32>,
      %swap3A_356 = vector.shape_cast %swap3A_355 : vector<1x16xf32> to vector<16xf32>
      %swap3A_357 = vector.shape_cast %get3A_352 : vector<16xf32> to vector<1x16xf32>
      tpu.vector_store %arg8[%swap3A_353, %swap3A_354], %swap3A_357 {add = true, strides = array<i32>} : memref<64x512xf32, #tpu.memory_space<vmem>>, vector<1x16xf32>,
      %get3A_358 = arith.index_cast %scan3A_206 : i32 to index
      %get3A_359 = arith.constant 272 : index
      %get3A_360 = tpu.vector_load %arg7[%get3A_358, %get3A_359] {strides = array<i32>} : memref<64x512xf32, #tpu.memory_space<vmem>>, vector<1x16xf32>,
      %get3A_361 = vector.shape_cast %get3A_360 : vector<1x16xf32> to vector<16xf32>
      %swap3A_362 = arith.index_cast %scan3A_206 : i32 to index
      %swap3A_363 = arith.constant 272 : index
      %swap3A_364 = tpu.vector_load %arg8[%swap3A_362, %swap3A_363] {strides = array<i32>} : memref<64x512xf32, #tpu.memory_space<vmem>>, vector<1x16xf32>,
      %swap3A_365 = vector.shape_cast %swap3A_364 : vector<1x16xf32> to vector<16xf32>
      %swap3A_366 = vector.shape_cast %get3A_361 : vector<16xf32> to vector<1x16xf32>
      tpu.vector_store %arg8[%swap3A_362, %swap3A_363], %swap3A_366 {add = true, strides = array<i32>} : memref<64x512xf32, #tpu.memory_space<vmem>>, vector<1x16xf32>,
      %get3A_367 = arith.index_cast %scan3A_206 : i32 to index
      %get3A_368 = arith.constant 288 : index
      %get3A_369 = tpu.vector_load %arg7[%get3A_367, %get3A_368] {strides = array<i32>} : memref<64x512xf32, #tpu.memory_space<vmem>>, vector<1x16xf32>,
      %get3A_370 = vector.shape_cast %get3A_369 : vector<1x16xf32> to vector<16xf32>
      %swap3A_371 = arith.index_cast %scan3A_206 : i32 to index
      %swap3A_372 = arith.constant 288 : index
      %swap3A_373 = tpu.vector_load %arg8[%swap3A_371, %swap3A_372] {strides = array<i32>} : memref<64x512xf32, #tpu.memory_space<vmem>>, vector<1x16xf32>,
      %swap3A_374 = vector.shape_cast %swap3A_373 : vector<1x16xf32> to vector<16xf32>
      %swap3A_375 = vector.shape_cast %get3A_370 : vector<16xf32> to vector<1x16xf32>
      tpu.vector_store %arg8[%swap3A_371, %swap3A_372], %swap3A_375 {add = true, strides = array<i32>} : memref<64x512xf32, #tpu.memory_space<vmem>>, vector<1x16xf32>,
      %get3A_376 = arith.index_cast %scan3A_206 : i32 to index
      %get3A_377 = arith.constant 304 : index
      %get3A_378 = tpu.vector_load %arg7[%get3A_376, %get3A_377] {strides = array<i32>} : memref<64x512xf32, #tpu.memory_space<vmem>>, vector<1x16xf32>,
      %get3A_379 = vector.shape_cast %get3A_378 : vector<1x16xf32> to vector<16xf32>
      %swap3A_380 = arith.index_cast %scan3A_206 : i32 to index
      %swap3A_381 = arith.constant 304 : index
      %swap3A_382 = tpu.vector_load %arg8[%swap3A_380, %swap3A_381] {strides = array<i32>} : memref<64x512xf32, #tpu.memory_space<vmem>>, vector<1x16xf32>,
      %swap3A_383 = vector.shape_cast %swap3A_382 : vector<1x16xf32> to vector<16xf32>
      %swap3A_384 = vector.shape_cast %get3A_379 : vector<16xf32> to vector<1x16xf32>
      tpu.vector_store %arg8[%swap3A_380, %swap3A_381], %swap3A_384 {add = true, strides = array<i32>} : memref<64x512xf32, #tpu.memory_space<vmem>>, vector<1x16xf32>,
      %get3A_385 = arith.index_cast %scan3A_206 : i32 to index
      %get3A_386 = arith.constant 320 : index
      %get3A_387 = tpu.vector_load %arg7[%get3A_385, %get3A_386] {strides = array<i32>} : memref<64x512xf32, #tpu.memory_space<vmem>>, vector<1x16xf32>,
      %get3A_388 = vector.shape_cast %get3A_387 : vector<1x16xf32> to vector<16xf32>
      %swap3A_389 = arith.index_cast %scan3A_206 : i32 to index
      %swap3A_390 = arith.constant 320 : index
      %swap3A_391 = tpu.vector_load %arg8[%swap3A_389, %swap3A_390] {strides = array<i32>} : memref<64x512xf32, #tpu.memory_space<vmem>>, vector<1x16xf32>,
      %swap3A_392 = vector.shape_cast %swap3A_391 : vector<1x16xf32> to vector<16xf32>
      %swap3A_393 = vector.shape_cast %get3A_388 : vector<16xf32> to vector<1x16xf32>
      tpu.vector_store %arg8[%swap3A_389, %swap3A_390], %swap3A_393 {add = true, strides = array<i32>} : memref<64x512xf32, #tpu.memory_space<vmem>>, vector<1x16xf32>,
      %get3A_394 = arith.index_cast %scan3A_206 : i32 to index
      %get3A_395 = arith.constant 336 : index
      %get3A_396 = tpu.vector_load %arg7[%get3A_394, %get3A_395] {strides = array<i32>} : memref<64x512xf32, #tpu.memory_space<vmem>>, vector<1x16xf32>,
      %get3A_397 = vector.shape_cast %get3A_396 : vector<1x16xf32> to vector<16xf32>
      %swap3A_398 = arith.index_cast %scan3A_206 : i32 to index
      %swap3A_399 = arith.constant 336 : index
      %swap3A_400 = tpu.vector_load %arg8[%swap3A_398, %swap3A_399] {strides = array<i32>} : memref<64x512xf32, #tpu.memory_space<vmem>>, vector<1x16xf32>,
      %swap3A_401 = vector.shape_cast %swap3A_400 : vector<1x16xf32> to vector<16xf32>
      %swap3A_402 = vector.shape_cast %get3A_397 : vector<16xf32> to vector<1x16xf32>
      tpu.vector_store %arg8[%swap3A_398, %swap3A_399], %swap3A_402 {add = true, strides = array<i32>} : memref<64x512xf32, #tpu.memory_space<vmem>>, vector<1x16xf32>,
      %get3A_403 = arith.index_cast %scan3A_206 : i32 to index
      %get3A_404 = arith.constant 352 : index
      %get3A_405 = tpu.vector_load %arg7[%get3A_403, %get3A_404] {strides = array<i32>} : memref<64x512xf32, #tpu.memory_space<vmem>>, vector<1x16xf32>,
      %get3A_406 = vector.shape_cast %get3A_405 : vector<1x16xf32> to vector<16xf32>
      %swap3A_407 = arith.index_cast %scan3A_206 : i32 to index
      %swap3A_408 = arith.constant 352 : index
      %swap3A_409 = tpu.vector_load %arg8[%swap3A_407, %swap3A_408] {strides = array<i32>} : memref<64x512xf32, #tpu.memory_space<vmem>>, vector<1x16xf32>,
      %swap3A_410 = vector.shape_cast %swap3A_409 : vector<1x16xf32> to vector<16xf32>
      %swap3A_411 = vector.shape_cast %get3A_406 : vector<16xf32> to vector<1x16xf32>
      tpu.vector_store %arg8[%swap3A_407, %swap3A_408], %swap3A_411 {add = true, strides = array<i32>} : memref<64x512xf32, #tpu.memory_space<vmem>>, vector<1x16xf32>,
      %get3A_412 = arith.index_cast %scan3A_206 : i32 to index
      %get3A_413 = arith.constant 368 : index
      %get3A_414 = tpu.vector_load %arg7[%get3A_412, %get3A_413] {strides = array<i32>} : memref<64x512xf32, #tpu.memory_space<vmem>>, vector<1x16xf32>,
      %get3A_415 = vector.shape_cast %get3A_414 : vector<1x16xf32> to vector<16xf32>
      %swap3A_416 = arith.index_cast %scan3A_206 : i32 to index
      %swap3A_417 = arith.constant 368 : index
      %swap3A_418 = tpu.vector_load %arg8[%swap3A_416, %swap3A_417] {strides = array<i32>} : memref<64x512xf32, #tpu.memory_space<vmem>>, vector<1x16xf32>,
      %swap3A_419 = vector.shape_cast %swap3A_418 : vector<1x16xf32> to vector<16xf32>
      %swap3A_420 = vector.shape_cast %get3A_415 : vector<16xf32> to vector<1x16xf32>
      tpu.vector_store %arg8[%swap3A_416, %swap3A_417], %swap3A_420 {add = true, strides = array<i32>} : memref<64x512xf32, #tpu.memory_space<vmem>>, vector<1x16xf32>,
      %get3A_421 = arith.index_cast %scan3A_206 : i32 to index
      %get3A_422 = arith.constant 384 : index
      %get3A_423 = tpu.vector_load %arg7[%get3A_421, %get3A_422] {strides = array<i32>} : memref<64x512xf32, #tpu.memory_space<vmem>>, vector<1x16xf32>,
      %get3A_424 = vector.shape_cast %get3A_423 : vector<1x16xf32> to vector<16xf32>
      %swap3A_425 = arith.index_cast %scan3A_206 : i32 to index
      %swap3A_426 = arith.constant 384 : index
      %swap3A_427 = tpu.vector_load %arg8[%swap3A_425, %swap3A_426] {strides = array<i32>} : memref<64x512xf32, #tpu.memory_space<vmem>>, vector<1x16xf32>,
      %swap3A_428 = vector.shape_cast %swap3A_427 : vector<1x16xf32> to vector<16xf32>
      %swap3A_429 = vector.shape_cast %get3A_424 : vector<16xf32> to vector<1x16xf32>
      tpu.vector_store %arg8[%swap3A_425, %swap3A_426], %swap3A_429 {add = true, strides = array<i32>} : memref<64x512xf32, #tpu.memory_space<vmem>>, vector<1x16xf32>,
      %get3A_430 = arith.index_cast %scan3A_206 : i32 to index
      %get3A_431 = arith.constant 400 : index
      %get3A_432 = tpu.vector_load %arg7[%get3A_430, %get3A_431] {strides = array<i32>} : memref<64x512xf32, #tpu.memory_space<vmem>>, vector<1x16xf32>,
      %get3A_433 = vector.shape_cast %get3A_432 : vector<1x16xf32> to vector<16xf32>
      %swap3A_434 = arith.index_cast %scan3A_206 : i32 to index
      %swap3A_435 = arith.constant 400 : index
      %swap3A_436 = tpu.vector_load %arg8[%swap3A_434, %swap3A_435] {strides = array<i32>} : memref<64x512xf32, #tpu.memory_space<vmem>>, vector<1x16xf32>,
      %swap3A_437 = vector.shape_cast %swap3A_436 : vector<1x16xf32> to vector<16xf32>
      %swap3A_438 = vector.shape_cast %get3A_433 : vector<16xf32> to vector<1x16xf32>
      tpu.vector_store %arg8[%swap3A_434, %swap3A_435], %swap3A_438 {add = true, strides = array<i32>} : memref<64x512xf32, #tpu.memory_space<vmem>>, vector<1x16xf32>,
      %get3A_439 = arith.index_cast %scan3A_206 : i32 to index
      %get3A_440 = arith.constant 416 : index
      %get3A_441 = tpu.vector_load %arg7[%get3A_439, %get3A_440] {strides = array<i32>} : memref<64x512xf32, #tpu.memory_space<vmem>>, vector<1x16xf32>,
      %get3A_442 = vector.shape_cast %get3A_441 : vector<1x16xf32> to vector<16xf32>
      %swap3A_443 = arith.index_cast %scan3A_206 : i32 to index
      %swap3A_444 = arith.constant 416 : index
      %swap3A_445 = tpu.vector_load %arg8[%swap3A_443, %swap3A_444] {strides = array<i32>} : memref<64x512xf32, #tpu.memory_space<vmem>>, vector<1x16xf32>,
      %swap3A_446 = vector.shape_cast %swap3A_445 : vector<1x16xf32> to vector<16xf32>
      %swap3A_447 = vector.shape_cast %get3A_442 : vector<16xf32> to vector<1x16xf32>
      tpu.vector_store %arg8[%swap3A_443, %swap3A_444], %swap3A_447 {add = true, strides = array<i32>} : memref<64x512xf32, #tpu.memory_space<vmem>>, vector<1x16xf32>,
      %get3A_448 = arith.index_cast %scan3A_206 : i32 to index
      %get3A_449 = arith.constant 432 : index
      %get3A_450 = tpu.vector_load %arg7[%get3A_448, %get3A_449] {strides = array<i32>} : memref<64x512xf32, #tpu.memory_space<vmem>>, vector<1x16xf32>,
      %get3A_451 = vector.shape_cast %get3A_450 : vector<1x16xf32> to vector<16xf32>
      %swap3A_452 = arith.index_cast %scan3A_206 : i32 to index
      %swap3A_453 = arith.constant 432 : index
      %swap3A_454 = tpu.vector_load %arg8[%swap3A_452, %swap3A_453] {strides = array<i32>} : memref<64x512xf32, #tpu.memory_space<vmem>>, vector<1x16xf32>,
      %swap3A_455 = vector.shape_cast %swap3A_454 : vector<1x16xf32> to vector<16xf32>
      %swap3A_456 = vector.shape_cast %get3A_451 : vector<16xf32> to vector<1x16xf32>
      tpu.vector_store %arg8[%swap3A_452, %swap3A_453], %swap3A_456 {add = true, strides = array<i32>} : memref<64x512xf32, #tpu.memory_space<vmem>>, vector<1x16xf32>,
      %get3A_457 = arith.index_cast %scan3A_206 : i32 to index
      %get3A_458 = arith.constant 448 : index
      %get3A_459 = tpu.vector_load %arg7[%get3A_457, %get3A_458] {strides = array<i32>} : memref<64x512xf32, #tpu.memory_space<vmem>>, vector<1x16xf32>,
      %get3A_460 = vector.shape_cast %get3A_459 : vector<1x16xf32> to vector<16xf32>
      %swap3A_461 = arith.index_cast %scan3A_206 : i32 to index
      %swap3A_462 = arith.constant 448 : index
      %swap3A_463 = tpu.vector_load %arg8[%swap3A_461, %swap3A_462] {strides = array<i32>} : memref<64x512xf32, #tpu.memory_space<vmem>>, vector<1x16xf32>,
      %swap3A_464 = vector.shape_cast %swap3A_463 : vector<1x16xf32> to vector<16xf32>
      %swap3A_465 = vector.shape_cast %get3A_460 : vector<16xf32> to vector<1x16xf32>
      tpu.vector_store %arg8[%swap3A_461, %swap3A_462], %swap3A_465 {add = true, strides = array<i32>} : memref<64x512xf32, #tpu.memory_space<vmem>>, vector<1x16xf32>,
      %get3A_466 = arith.index_cast %scan3A_206 : i32 to index
      %get3A_467 = arith.constant 464 : index
      %get3A_468 = tpu.vector_load %arg7[%get3A_466, %get3A_467] {strides = array<i32>} : memref<64x512xf32, #tpu.memory_space<vmem>>, vector<1x16xf32>,
      %get3A_469 = vector.shape_cast %get3A_468 : vector<1x16xf32> to vector<16xf32>
      %swap3A_470 = arith.index_cast %scan3A_206 : i32 to index
      %swap3A_471 = arith.constant 464 : index
      %swap3A_472 = tpu.vector_load %arg8[%swap3A_470, %swap3A_471] {strides = array<i32>} : memref<64x512xf32, #tpu.memory_space<vmem>>, vector<1x16xf32>,
      %swap3A_473 = vector.shape_cast %swap3A_472 : vector<1x16xf32> to vector<16xf32>
      %swap3A_474 = vector.shape_cast %get3A_469 : vector<16xf32> to vector<1x16xf32>
      tpu.vector_store %arg8[%swap3A_470, %swap3A_471], %swap3A_474 {add = true, strides = array<i32>} : memref<64x512xf32, #tpu.memory_space<vmem>>, vector<1x16xf32>,
      %get3A_475 = arith.index_cast %scan3A_206 : i32 to index
      %get3A_476 = arith.constant 480 : index
      %get3A_477 = tpu.vector_load %arg7[%get3A_475, %get3A_476] {strides = array<i32>} : memref<64x512xf32, #tpu.memory_space<vmem>>, vector<1x16xf32>,
      %get3A_478 = vector.shape_cast %get3A_477 : vector<1x16xf32> to vector<16xf32>
      %swap3A_479 = arith.index_cast %scan3A_206 : i32 to index
      %swap3A_480 = arith.constant 480 : index
      %swap3A_481 = tpu.vector_load %arg8[%swap3A_479, %swap3A_480] {strides = array<i32>} : memref<64x512xf32, #tpu.memory_space<vmem>>, vector<1x16xf32>,
      %swap3A_482 = vector.shape_cast %swap3A_481 : vector<1x16xf32> to vector<16xf32>
      %swap3A_483 = vector.shape_cast %get3A_478 : vector<16xf32> to vector<1x16xf32>
      tpu.vector_store %arg8[%swap3A_479, %swap3A_480], %swap3A_483 {add = true, strides = array<i32>} : memref<64x512xf32, #tpu.memory_space<vmem>>, vector<1x16xf32>,
      %get3A_484 = arith.index_cast %scan3A_206 : i32 to index
      %get3A_485 = arith.constant 496 : index
      %get3A_486 = tpu.vector_load %arg7[%get3A_484, %get3A_485] {strides = array<i32>} : memref<64x512xf32, #tpu.memory_space<vmem>>, vector<1x16xf32>,
      %get3A_487 = vector.shape_cast %get3A_486 : vector<1x16xf32> to vector<16xf32>
      %swap3A_488 = arith.index_cast %scan3A_206 : i32 to index
      %swap3A_489 = arith.constant 496 : index
      %swap3A_490 = tpu.vector_load %arg8[%swap3A_488, %swap3A_489] {strides = array<i32>} : memref<64x512xf32, #tpu.memory_space<vmem>>, vector<1x16xf32>,
      %swap3A_491 = vector.shape_cast %swap3A_490 : vector<1x16xf32> to vector<16xf32>
      %swap3A_492 = vector.shape_cast %get3A_487 : vector<16xf32> to vector<1x16xf32>
      tpu.vector_store %arg8[%swap3A_488, %swap3A_489], %swap3A_492 {add = true, strides = array<i32>} : memref<64x512xf32, #tpu.memory_space<vmem>>, vector<1x16xf32>,
    }
    %scan3A_169 = arith.constant 64 : i32
    %add3A_170 = arith.constant 4096 : i32
    %add3A_171 = arith.addi %add3A_170, %mul3A_2 : i32
    %dma_start3A_172 = arith.constant 0 : i32
    %dma_start3A_173 = tpu.memref_slice %arg5[%add3A_171, %dma_start3A_172] : memref<8192x512xf32, #tpu.memory_space<hbm>> -> memref<64x512xf32, #tpu.memory_space<hbm>>
    %dma_start3A_174 = arith.constant 0 : i32
    %dma_start3A_175 = tpu.memref_slice %arg5[%add3A_171, %dma_start3A_174] : memref<8192x512xf32, #tpu.memory_space<hbm>> -> memref<64x512xf32, #tpu.memory_space<hbm>>
    tpu.enqueue_dma source(%arg8 : memref<64x512xf32, #tpu.memory_space<vmem>>) target(%dma_start3A_175 : memref<64x512xf32, #tpu.memory_space<hbm>>) target_semaphore(%arg14 : memref<!tpu.dma_semaphore, #tpu.memory_space<semaphore_mem>>)
    %dma_wait3A_176 = arith.constant 0 : i32
    %dma_wait3A_177 = arith.constant 0 : i32
    %dma_wait3A_178 = tpu.memref_slice %arg3[%dma_wait3A_176, %dma_wait3A_177] : memref<100000x512xf32, #tpu.memory_space<hbm>> -> memref<64x512xf32, #tpu.memory_space<hbm>>
    %dma_wait3A_179 = arith.constant 0 : i32
    %dma_wait3A_180 = arith.constant 0 : i32
    %dma_wait3A_181 = tpu.memref_slice %arg3[%dma_wait3A_179, %dma_wait3A_180] : memref<100000x512xf32, #tpu.memory_space<hbm>> -> memref<64x512xf32, #tpu.memory_space<hbm>>
    tpu.wait_dma2 semaphore(%arg13 : memref<!tpu.dma_semaphore, #tpu.memory_space<semaphore_mem>>) src(%dma_wait3A_181 : memref<64x512xf32, #tpu.memory_space<hbm>>) dst(%arg9 : memref<64x512xf32, #tpu.memory_space<vmem>>)
    %scan3A_182 = arith.constant 0 : i32
    %scan3A_183 = arith.constant 0 : i32
    %scan3A_184 = arith.constant 64 : i32
    %scan3A_185 = arith.addi %scan3A_183, %scan3A_184 : i32
    %scan3A_186 = arith.constant 1 : i32
    scf.for %scan3A_206 = %scan3A_183 to %scan3A_185 step %scan3A_186  : i32 {
      %get3A = arith.index_cast %scan3A_206 : i32 to index
      %get3A_207 = arith.constant 0 : index
      %get3A_208 = tpu.vector_load %arg7[%get3A, %get3A_207] {strides = array<i32>} : memref<64x512xf32, #tpu.memory_space<vmem>>, vector<1x16xf32>,
      %get3A_209 = vector.shape_cast %get3A_208 : vector<1x16xf32> to vector<16xf32>
      %swap3A = arith.index_cast %scan3A_206 : i32 to index
      %swap3A_210 = arith.constant 0 : index
      %swap3A_211 = tpu.vector_load %arg9[%swap3A, %swap3A_210] {strides = array<i32>} : memref<64x512xf32, #tpu.memory_space<vmem>>, vector<1x16xf32>,
      %swap3A_212 = vector.shape_cast %swap3A_211 : vector<1x16xf32> to vector<16xf32>
      %swap3A_213 = vector.shape_cast %get3A_209 : vector<16xf32> to vector<1x16xf32>
      tpu.vector_store %arg9[%swap3A, %swap3A_210], %swap3A_213 {add = true, strides = array<i32>} : memref<64x512xf32, #tpu.memory_space<vmem>>, vector<1x16xf32>,
      %get3A_214 = arith.index_cast %scan3A_206 : i32 to index
      %get3A_215 = arith.constant 16 : index
      %get3A_216 = tpu.vector_load %arg7[%get3A_214, %get3A_215] {strides = array<i32>} : memref<64x512xf32, #tpu.memory_space<vmem>>, vector<1x16xf32>,
      %get3A_217 = vector.shape_cast %get3A_216 : vector<1x16xf32> to vector<16xf32>
      %swap3A_218 = arith.index_cast %scan3A_206 : i32 to index
      %swap3A_219 = arith.constant 16 : index
      %swap3A_220 = tpu.vector_load %arg9[%swap3A_218, %swap3A_219] {strides = array<i32>} : memref<64x512xf32, #tpu.memory_space<vmem>>, vector<1x16xf32>,
      %swap3A_221 = vector.shape_cast %swap3A_220 : vector<1x16xf32> to vector<16xf32>
      %swap3A_222 = vector.shape_cast %get3A_217 : vector<16xf32> to vector<1x16xf32>
      tpu.vector_store %arg9[%swap3A_218, %swap3A_219], %swap3A_222 {add = true, strides = array<i32>} : memref<64x512xf32, #tpu.memory_space<vmem>>, vector<1x16xf32>,
      %get3A_223 = arith.index_cast %scan3A_206 : i32 to index
      %get3A_224 = arith.constant 32 : index
      %get3A_225 = tpu.vector_load %arg7[%get3A_223, %get3A_224] {strides = array<i32>} : memref<64x512xf32, #tpu.memory_space<vmem>>, vector<1x16xf32>,
      %get3A_226 = vector.shape_cast %get3A_225 : vector<1x16xf32> to vector<16xf32>
      %swap3A_227 = arith.index_cast %scan3A_206 : i32 to index
      %swap3A_228 = arith.constant 32 : index
      %swap3A_229 = tpu.vector_load %arg9[%swap3A_227, %swap3A_228] {strides = array<i32>} : memref<64x512xf32, #tpu.memory_space<vmem>>, vector<1x16xf32>,
      %swap3A_230 = vector.shape_cast %swap3A_229 : vector<1x16xf32> to vector<16xf32>
      %swap3A_231 = vector.shape_cast %get3A_226 : vector<16xf32> to vector<1x16xf32>
      tpu.vector_store %arg9[%swap3A_227, %swap3A_228], %swap3A_231 {add = true, strides = array<i32>} : memref<64x512xf32, #tpu.memory_space<vmem>>, vector<1x16xf32>,
      %get3A_232 = arith.index_cast %scan3A_206 : i32 to index
      %get3A_233 = arith.constant 48 : index
      %get3A_234 = tpu.vector_load %arg7[%get3A_232, %get3A_233] {strides = array<i32>} : memref<64x512xf32, #tpu.memory_space<vmem>>, vector<1x16xf32>,
      %get3A_235 = vector.shape_cast %get3A_234 : vector<1x16xf32> to vector<16xf32>
      %swap3A_236 = arith.index_cast %scan3A_206 : i32 to index
      %swap3A_237 = arith.constant 48 : index
      %swap3A_238 = tpu.vector_load %arg9[%swap3A_236, %swap3A_237] {strides = array<i32>} : memref<64x512xf32, #tpu.memory_space<vmem>>, vector<1x16xf32>,
      %swap3A_239 = vector.shape_cast %swap3A_238 : vector<1x16xf32> to vector<16xf32>
      %swap3A_240 = vector.shape_cast %get3A_235 : vector<16xf32> to vector<1x16xf32>
      tpu.vector_store %arg9[%swap3A_236, %swap3A_237], %swap3A_240 {add = true, strides = array<i32>} : memref<64x512xf32, #tpu.memory_space<vmem>>, vector<1x16xf32>,
      %get3A_241 = arith.index_cast %scan3A_206 : i32 to index
      %get3A_242 = arith.constant 64 : index
      %get3A_243 = tpu.vector_load %arg7[%get3A_241, %get3A_242] {strides = array<i32>} : memref<64x512xf32, #tpu.memory_space<vmem>>, vector<1x16xf32>,
      %get3A_244 = vector.shape_cast %get3A_243 : vector<1x16xf32> to vector<16xf32>
      %swap3A_245 = arith.index_cast %scan3A_206 : i32 to index
      %swap3A_246 = arith.constant 64 : index
      %swap3A_247 = tpu.vector_load %arg9[%swap3A_245, %swap3A_246] {strides = array<i32>} : memref<64x512xf32, #tpu.memory_space<vmem>>, vector<1x16xf32>,
      %swap3A_248 = vector.shape_cast %swap3A_247 : vector<1x16xf32> to vector<16xf32>
      %swap3A_249 = vector.shape_cast %get3A_244 : vector<16xf32> to vector<1x16xf32>
      tpu.vector_store %arg9[%swap3A_245, %swap3A_246], %swap3A_249 {add = true, strides = array<i32>} : memref<64x512xf32, #tpu.memory_space<vmem>>, vector<1x16xf32>,
      %get3A_250 = arith.index_cast %scan3A_206 : i32 to index
      %get3A_251 = arith.constant 80 : index
      %get3A_252 = tpu.vector_load %arg7[%get3A_250, %get3A_251] {strides = array<i32>} : memref<64x512xf32, #tpu.memory_space<vmem>>, vector<1x16xf32>,
      %get3A_253 = vector.shape_cast %get3A_252 : vector<1x16xf32> to vector<16xf32>
      %swap3A_254 = arith.index_cast %scan3A_206 : i32 to index
      %swap3A_255 = arith.constant 80 : index
      %swap3A_256 = tpu.vector_load %arg9[%swap3A_254, %swap3A_255] {strides = array<i32>} : memref<64x512xf32, #tpu.memory_space<vmem>>, vector<1x16xf32>,
      %swap3A_257 = vector.shape_cast %swap3A_256 : vector<1x16xf32> to vector<16xf32>
      %swap3A_258 = vector.shape_cast %get3A_253 : vector<16xf32> to vector<1x16xf32>
      tpu.vector_store %arg9[%swap3A_254, %swap3A_255], %swap3A_258 {add = true, strides = array<i32>} : memref<64x512xf32, #tpu.memory_space<vmem>>, vector<1x16xf32>,
      %get3A_259 = arith.index_cast %scan3A_206 : i32 to index
      %get3A_260 = arith.constant 96 : index
      %get3A_261 = tpu.vector_load %arg7[%get3A_259, %get3A_260] {strides = array<i32>} : memref<64x512xf32, #tpu.memory_space<vmem>>, vector<1x16xf32>,
      %get3A_262 = vector.shape_cast %get3A_261 : vector<1x16xf32> to vector<16xf32>
      %swap3A_263 = arith.index_cast %scan3A_206 : i32 to index
      %swap3A_264 = arith.constant 96 : index
      %swap3A_265 = tpu.vector_load %arg9[%swap3A_263, %swap3A_264] {strides = array<i32>} : memref<64x512xf32, #tpu.memory_space<vmem>>, vector<1x16xf32>,
      %swap3A_266 = vector.shape_cast %swap3A_265 : vector<1x16xf32> to vector<16xf32>
      %swap3A_267 = vector.shape_cast %get3A_262 : vector<16xf32> to vector<1x16xf32>
      tpu.vector_store %arg9[%swap3A_263, %swap3A_264], %swap3A_267 {add = true, strides = array<i32>} : memref<64x512xf32, #tpu.memory_space<vmem>>, vector<1x16xf32>,
      %get3A_268 = arith.index_cast %scan3A_206 : i32 to index
      %get3A_269 = arith.constant 112 : index
      %get3A_270 = tpu.vector_load %arg7[%get3A_268, %get3A_269] {strides = array<i32>} : memref<64x512xf32, #tpu.memory_space<vmem>>, vector<1x16xf32>,
      %get3A_271 = vector.shape_cast %get3A_270 : vector<1x16xf32> to vector<16xf32>
      %swap3A_272 = arith.index_cast %scan3A_206 : i32 to index
      %swap3A_273 = arith.constant 112 : index
      %swap3A_274 = tpu.vector_load %arg9[%swap3A_272, %swap3A_273] {strides = array<i32>} : memref<64x512xf32, #tpu.memory_space<vmem>>, vector<1x16xf32>,
      %swap3A_275 = vector.shape_cast %swap3A_274 : vector<1x16xf32> to vector<16xf32>
      %swap3A_276 = vector.shape_cast %get3A_271 : vector<16xf32> to vector<1x16xf32>
      tpu.vector_store %arg9[%swap3A_272, %swap3A_273], %swap3A_276 {add = true, strides = array<i32>} : memref<64x512xf32, #tpu.memory_space<vmem>>, vector<1x16xf32>,
      %get3A_277 = arith.index_cast %scan3A_206 : i32 to index
      %get3A_278 = arith.constant 128 : index
      %get3A_279 = tpu.vector_load %arg7[%get3A_277, %get3A_278] {strides = array<i32>} : memref<64x512xf32, #tpu.memory_space<vmem>>, vector<1x16xf32>,
      %get3A_280 = vector.shape_cast %get3A_279 : vector<1x16xf32> to vector<16xf32>
      %swap3A_281 = arith.index_cast %scan3A_206 : i32 to index
      %swap3A_282 = arith.constant 128 : index
      %swap3A_283 = tpu.vector_load %arg9[%swap3A_281, %swap3A_282] {strides = array<i32>} : memref<64x512xf32, #tpu.memory_space<vmem>>, vector<1x16xf32>,
      %swap3A_284 = vector.shape_cast %swap3A_283 : vector<1x16xf32> to vector<16xf32>
      %swap3A_285 = vector.shape_cast %get3A_280 : vector<16xf32> to vector<1x16xf32>
      tpu.vector_store %arg9[%swap3A_281, %swap3A_282], %swap3A_285 {add = true, strides = array<i32>} : memref<64x512xf32, #tpu.memory_space<vmem>>, vector<1x16xf32>,
      %get3A_286 = arith.index_cast %scan3A_206 : i32 to index
      %get3A_287 = arith.constant 144 : index
      %get3A_288 = tpu.vector_load %arg7[%get3A_286, %get3A_287] {strides = array<i32>} : memref<64x512xf32, #tpu.memory_space<vmem>>, vector<1x16xf32>,
      %get3A_289 = vector.shape_cast %get3A_288 : vector<1x16xf32> to vector<16xf32>
      %swap3A_290 = arith.index_cast %scan3A_206 : i32 to index
      %swap3A_291 = arith.constant 144 : index
      %swap3A_292 = tpu.vector_load %arg9[%swap3A_290, %swap3A_291] {strides = array<i32>} : memref<64x512xf32, #tpu.memory_space<vmem>>, vector<1x16xf32>,
      %swap3A_293 = vector.shape_cast %swap3A_292 : vector<1x16xf32> to vector<16xf32>
      %swap3A_294 = vector.shape_cast %get3A_289 : vector<16xf32> to vector<1x16xf32>
      tpu.vector_store %arg9[%swap3A_290, %swap3A_291], %swap3A_294 {add = true, strides = array<i32>} : memref<64x512xf32, #tpu.memory_space<vmem>>, vector<1x16xf32>,
      %get3A_295 = arith.index_cast %scan3A_206 : i32 to index
      %get3A_296 = arith.constant 160 : index
      %get3A_297 = tpu.vector_load %arg7[%get3A_295, %get3A_296] {strides = array<i32>} : memref<64x512xf32, #tpu.memory_space<vmem>>, vector<1x16xf32>,
      %get3A_298 = vector.shape_cast %get3A_297 : vector<1x16xf32> to vector<16xf32>
      %swap3A_299 = arith.index_cast %scan3A_206 : i32 to index
      %swap3A_300 = arith.constant 160 : index
      %swap3A_301 = tpu.vector_load %arg9[%swap3A_299, %swap3A_300] {strides = array<i32>} : memref<64x512xf32, #tpu.memory_space<vmem>>, vector<1x16xf32>,
      %swap3A_302 = vector.shape_cast %swap3A_301 : vector<1x16xf32> to vector<16xf32>
      %swap3A_303 = vector.shape_cast %get3A_298 : vector<16xf32> to vector<1x16xf32>
      tpu.vector_store %arg9[%swap3A_299, %swap3A_300], %swap3A_303 {add = true, strides = array<i32>} : memref<64x512xf32, #tpu.memory_space<vmem>>, vector<1x16xf32>,
      %get3A_304 = arith.index_cast %scan3A_206 : i32 to index
      %get3A_305 = arith.constant 176 : index
      %get3A_306 = tpu.vector_load %arg7[%get3A_304, %get3A_305] {strides = array<i32>} : memref<64x512xf32, #tpu.memory_space<vmem>>, vector<1x16xf32>,
      %get3A_307 = vector.shape_cast %get3A_306 : vector<1x16xf32> to vector<16xf32>
      %swap3A_308 = arith.index_cast %scan3A_206 : i32 to index
      %swap3A_309 = arith.constant 176 : index
      %swap3A_310 = tpu.vector_load %arg9[%swap3A_308, %swap3A_309] {strides = array<i32>} : memref<64x512xf32, #tpu.memory_space<vmem>>, vector<1x16xf32>,
      %swap3A_311 = vector.shape_cast %swap3A_310 : vector<1x16xf32> to vector<16xf32>
      %swap3A_312 = vector.shape_cast %get3A_307 : vector<16xf32> to vector<1x16xf32>
      tpu.vector_store %arg9[%swap3A_308, %swap3A_309], %swap3A_312 {add = true, strides = array<i32>} : memref<64x512xf32, #tpu.memory_space<vmem>>, vector<1x16xf32>,
      %get3A_313 = arith.index_cast %scan3A_206 : i32 to index
      %get3A_314 = arith.constant 192 : index
      %get3A_315 = tpu.vector_load %arg7[%get3A_313, %get3A_314] {strides = array<i32>} : memref<64x512xf32, #tpu.memory_space<vmem>>, vector<1x16xf32>,
      %get3A_316 = vector.shape_cast %get3A_315 : vector<1x16xf32> to vector<16xf32>
      %swap3A_317 = arith.index_cast %scan3A_206 : i32 to index
      %swap3A_318 = arith.constant 192 : index
      %swap3A_319 = tpu.vector_load %arg9[%swap3A_317, %swap3A_318] {strides = array<i32>} : memref<64x512xf32, #tpu.memory_space<vmem>>, vector<1x16xf32>,
      %swap3A_320 = vector.shape_cast %swap3A_319 : vector<1x16xf32> to vector<16xf32>
      %swap3A_321 = vector.shape_cast %get3A_316 : vector<16xf32> to vector<1x16xf32>
      tpu.vector_store %arg9[%swap3A_317, %swap3A_318], %swap3A_321 {add = true, strides = array<i32>} : memref<64x512xf32, #tpu.memory_space<vmem>>, vector<1x16xf32>,
      %get3A_322 = arith.index_cast %scan3A_206 : i32 to index
      %get3A_323 = arith.constant 208 : index
      %get3A_324 = tpu.vector_load %arg7[%get3A_322, %get3A_323] {strides = array<i32>} : memref<64x512xf32, #tpu.memory_space<vmem>>, vector<1x16xf32>,
      %get3A_325 = vector.shape_cast %get3A_324 : vector<1x16xf32> to vector<16xf32>
      %swap3A_326 = arith.index_cast %scan3A_206 : i32 to index
      %swap3A_327 = arith.constant 208 : index
      %swap3A_328 = tpu.vector_load %arg9[%swap3A_326, %swap3A_327] {strides = array<i32>} : memref<64x512xf32, #tpu.memory_space<vmem>>, vector<1x16xf32>,
      %swap3A_329 = vector.shape_cast %swap3A_328 : vector<1x16xf32> to vector<16xf32>
      %swap3A_330 = vector.shape_cast %get3A_325 : vector<16xf32> to vector<1x16xf32>
      tpu.vector_store %arg9[%swap3A_326, %swap3A_327], %swap3A_330 {add = true, strides = array<i32>} : memref<64x512xf32, #tpu.memory_space<vmem>>, vector<1x16xf32>,
      %get3A_331 = arith.index_cast %scan3A_206 : i32 to index
      %get3A_332 = arith.constant 224 : index
      %get3A_333 = tpu.vector_load %arg7[%get3A_331, %get3A_332] {strides = array<i32>} : memref<64x512xf32, #tpu.memory_space<vmem>>, vector<1x16xf32>,
      %get3A_334 = vector.shape_cast %get3A_333 : vector<1x16xf32> to vector<16xf32>
      %swap3A_335 = arith.index_cast %scan3A_206 : i32 to index
      %swap3A_336 = arith.constant 224 : index
      %swap3A_337 = tpu.vector_load %arg9[%swap3A_335, %swap3A_336] {strides = array<i32>} : memref<64x512xf32, #tpu.memory_space<vmem>>, vector<1x16xf32>,
      %swap3A_338 = vector.shape_cast %swap3A_337 : vector<1x16xf32> to vector<16xf32>
      %swap3A_339 = vector.shape_cast %get3A_334 : vector<16xf32> to vector<1x16xf32>
      tpu.vector_store %arg9[%swap3A_335, %swap3A_336], %swap3A_339 {add = true, strides = array<i32>} : memref<64x512xf32, #tpu.memory_space<vmem>>, vector<1x16xf32>,
      %get3A_340 = arith.index_cast %scan3A_206 : i32 to index
      %get3A_341 = arith.constant 240 : index
      %get3A_342 = tpu.vector_load %arg7[%get3A_340, %get3A_341] {strides = array<i32>} : memref<64x512xf32, #tpu.memory_space<vmem>>, vector<1x16xf32>,
      %get3A_343 = vector.shape_cast %get3A_342 : vector<1x16xf32> to vector<16xf32>
      %swap3A_344 = arith.index_cast %scan3A_206 : i32 to index
      %swap3A_345 = arith.constant 240 : index
      %swap3A_346 = tpu.vector_load %arg9[%swap3A_344, %swap3A_345] {strides = array<i32>} : memref<64x512xf32, #tpu.memory_space<vmem>>, vector<1x16xf32>,
      %swap3A_347 = vector.shape_cast %swap3A_346 : vector<1x16xf32> to vector<16xf32>
      %swap3A_348 = vector.shape_cast %get3A_343 : vector<16xf32> to vector<1x16xf32>
      tpu.vector_store %arg9[%swap3A_344, %swap3A_345], %swap3A_348 {add = true, strides = array<i32>} : memref<64x512xf32, #tpu.memory_space<vmem>>, vector<1x16xf32>,
      %get3A_349 = arith.index_cast %scan3A_206 : i32 to index
      %get3A_350 = arith.constant 256 : index
      %get3A_351 = tpu.vector_load %arg7[%get3A_349, %get3A_350] {strides = array<i32>} : memref<64x512xf32, #tpu.memory_space<vmem>>, vector<1x16xf32>,
      %get3A_352 = vector.shape_cast %get3A_351 : vector<1x16xf32> to vector<16xf32>
      %swap3A_353 = arith.index_cast %scan3A_206 : i32 to index
      %swap3A_354 = arith.constant 256 : index
      %swap3A_355 = tpu.vector_load %arg9[%swap3A_353, %swap3A_354] {strides = array<i32>} : memref<64x512xf32, #tpu.memory_space<vmem>>, vector<1x16xf32>,
      %swap3A_356 = vector.shape_cast %swap3A_355 : vector<1x16xf32> to vector<16xf32>
      %swap3A_357 = vector.shape_cast %get3A_352 : vector<16xf32> to vector<1x16xf32>
      tpu.vector_store %arg9[%swap3A_353, %swap3A_354], %swap3A_357 {add = true, strides = array<i32>} : memref<64x512xf32, #tpu.memory_space<vmem>>, vector<1x16xf32>,
      %get3A_358 = arith.index_cast %scan3A_206 : i32 to index
      %get3A_359 = arith.constant 272 : index
      %get3A_360 = tpu.vector_load %arg7[%get3A_358, %get3A_359] {strides = array<i32>} : memref<64x512xf32, #tpu.memory_space<vmem>>, vector<1x16xf32>,
      %get3A_361 = vector.shape_cast %get3A_360 : vector<1x16xf32> to vector<16xf32>
      %swap3A_362 = arith.index_cast %scan3A_206 : i32 to index
      %swap3A_363 = arith.constant 272 : index
      %swap3A_364 = tpu.vector_load %arg9[%swap3A_362, %swap3A_363] {strides = array<i32>} : memref<64x512xf32, #tpu.memory_space<vmem>>, vector<1x16xf32>,
      %swap3A_365 = vector.shape_cast %swap3A_364 : vector<1x16xf32> to vector<16xf32>
      %swap3A_366 = vector.shape_cast %get3A_361 : vector<16xf32> to vector<1x16xf32>
      tpu.vector_store %arg9[%swap3A_362, %swap3A_363], %swap3A_366 {add = true, strides = array<i32>} : memref<64x512xf32, #tpu.memory_space<vmem>>, vector<1x16xf32>,
      %get3A_367 = arith.index_cast %scan3A_206 : i32 to index
      %get3A_368 = arith.constant 288 : index
      %get3A_369 = tpu.vector_load %arg7[%get3A_367, %get3A_368] {strides = array<i32>} : memref<64x512xf32, #tpu.memory_space<vmem>>, vector<1x16xf32>,
      %get3A_370 = vector.shape_cast %get3A_369 : vector<1x16xf32> to vector<16xf32>
      %swap3A_371 = arith.index_cast %scan3A_206 : i32 to index
      %swap3A_372 = arith.constant 288 : index
      %swap3A_373 = tpu.vector_load %arg9[%swap3A_371, %swap3A_372] {strides = array<i32>} : memref<64x512xf32, #tpu.memory_space<vmem>>, vector<1x16xf32>,
      %swap3A_374 = vector.shape_cast %swap3A_373 : vector<1x16xf32> to vector<16xf32>
      %swap3A_375 = vector.shape_cast %get3A_370 : vector<16xf32> to vector<1x16xf32>
      tpu.vector_store %arg9[%swap3A_371, %swap3A_372], %swap3A_375 {add = true, strides = array<i32>} : memref<64x512xf32, #tpu.memory_space<vmem>>, vector<1x16xf32>,
      %get3A_376 = arith.index_cast %scan3A_206 : i32 to index
      %get3A_377 = arith.constant 304 : index
      %get3A_378 = tpu.vector_load %arg7[%get3A_376, %get3A_377] {strides = array<i32>} : memref<64x512xf32, #tpu.memory_space<vmem>>, vector<1x16xf32>,
      %get3A_379 = vector.shape_cast %get3A_378 : vector<1x16xf32> to vector<16xf32>
      %swap3A_380 = arith.index_cast %scan3A_206 : i32 to index
      %swap3A_381 = arith.constant 304 : index
      %swap3A_382 = tpu.vector_load %arg9[%swap3A_380, %swap3A_381] {strides = array<i32>} : memref<64x512xf32, #tpu.memory_space<vmem>>, vector<1x16xf32>,
      %swap3A_383 = vector.shape_cast %swap3A_382 : vector<1x16xf32> to vector<16xf32>
      %swap3A_384 = vector.shape_cast %get3A_379 : vector<16xf32> to vector<1x16xf32>
      tpu.vector_store %arg9[%swap3A_380, %swap3A_381], %swap3A_384 {add = true, strides = array<i32>} : memref<64x512xf32, #tpu.memory_space<vmem>>, vector<1x16xf32>,
      %get3A_385 = arith.index_cast %scan3A_206 : i32 to index
      %get3A_386 = arith.constant 320 : index
      %get3A_387 = tpu.vector_load %arg7[%get3A_385, %get3A_386] {strides = array<i32>} : memref<64x512xf32, #tpu.memory_space<vmem>>, vector<1x16xf32>,
      %get3A_388 = vector.shape_cast %get3A_387 : vector<1x16xf32> to vector<16xf32>
      %swap3A_389 = arith.index_cast %scan3A_206 : i32 to index
      %swap3A_390 = arith.constant 320 : index
      %swap3A_391 = tpu.vector_load %arg9[%swap3A_389, %swap3A_390] {strides = array<i32>} : memref<64x512xf32, #tpu.memory_space<vmem>>, vector<1x16xf32>,
      %swap3A_392 = vector.shape_cast %swap3A_391 : vector<1x16xf32> to vector<16xf32>
      %swap3A_393 = vector.shape_cast %get3A_388 : vector<16xf32> to vector<1x16xf32>
      tpu.vector_store %arg9[%swap3A_389, %swap3A_390], %swap3A_393 {add = true, strides = array<i32>} : memref<64x512xf32, #tpu.memory_space<vmem>>, vector<1x16xf32>,
      %get3A_394 = arith.index_cast %scan3A_206 : i32 to index
      %get3A_395 = arith.constant 336 : index
      %get3A_396 = tpu.vector_load %arg7[%get3A_394, %get3A_395] {strides = array<i32>} : memref<64x512xf32, #tpu.memory_space<vmem>>, vector<1x16xf32>,
      %get3A_397 = vector.shape_cast %get3A_396 : vector<1x16xf32> to vector<16xf32>
      %swap3A_398 = arith.index_cast %scan3A_206 : i32 to index
      %swap3A_399 = arith.constant 336 : index
      %swap3A_400 = tpu.vector_load %arg9[%swap3A_398, %swap3A_399] {strides = array<i32>} : memref<64x512xf32, #tpu.memory_space<vmem>>, vector<1x16xf32>,
      %swap3A_401 = vector.shape_cast %swap3A_400 : vector<1x16xf32> to vector<16xf32>
      %swap3A_402 = vector.shape_cast %get3A_397 : vector<16xf32> to vector<1x16xf32>
      tpu.vector_store %arg9[%swap3A_398, %swap3A_399], %swap3A_402 {add = true, strides = array<i32>} : memref<64x512xf32, #tpu.memory_space<vmem>>, vector<1x16xf32>,
      %get3A_403 = arith.index_cast %scan3A_206 : i32 to index
      %get3A_404 = arith.constant 352 : index
      %get3A_405 = tpu.vector_load %arg7[%get3A_403, %get3A_404] {strides = array<i32>} : memref<64x512xf32, #tpu.memory_space<vmem>>, vector<1x16xf32>,
      %get3A_406 = vector.shape_cast %get3A_405 : vector<1x16xf32> to vector<16xf32>
      %swap3A_407 = arith.index_cast %scan3A_206 : i32 to index
      %swap3A_408 = arith.constant 352 : index
      %swap3A_409 = tpu.vector_load %arg9[%swap3A_407, %swap3A_408] {strides = array<i32>} : memref<64x512xf32, #tpu.memory_space<vmem>>, vector<1x16xf32>,
      %swap3A_410 = vector.shape_cast %swap3A_409 : vector<1x16xf32> to vector<16xf32>
      %swap3A_411 = vector.shape_cast %get3A_406 : vector<16xf32> to vector<1x16xf32>
      tpu.vector_store %arg9[%swap3A_407, %swap3A_408], %swap3A_411 {add = true, strides = array<i32>} : memref<64x512xf32, #tpu.memory_space<vmem>>, vector<1x16xf32>,
      %get3A_412 = arith.index_cast %scan3A_206 : i32 to index
      %get3A_413 = arith.constant 368 : index
      %get3A_414 = tpu.vector_load %arg7[%get3A_412, %get3A_413] {strides = array<i32>} : memref<64x512xf32, #tpu.memory_space<vmem>>, vector<1x16xf32>,
      %get3A_415 = vector.shape_cast %get3A_414 : vector<1x16xf32> to vector<16xf32>
      %swap3A_416 = arith.index_cast %scan3A_206 : i32 to index
      %swap3A_417 = arith.constant 368 : index
      %swap3A_418 = tpu.vector_load %arg9[%swap3A_416, %swap3A_417] {strides = array<i32>} : memref<64x512xf32, #tpu.memory_space<vmem>>, vector<1x16xf32>,
      %swap3A_419 = vector.shape_cast %swap3A_418 : vector<1x16xf32> to vector<16xf32>
      %swap3A_420 = vector.shape_cast %get3A_415 : vector<16xf32> to vector<1x16xf32>
      tpu.vector_store %arg9[%swap3A_416, %swap3A_417], %swap3A_420 {add = true, strides = array<i32>} : memref<64x512xf32, #tpu.memory_space<vmem>>, vector<1x16xf32>,
      %get3A_421 = arith.index_cast %scan3A_206 : i32 to index
      %get3A_422 = arith.constant 384 : index
      %get3A_423 = tpu.vector_load %arg7[%get3A_421, %get3A_422] {strides = array<i32>} : memref<64x512xf32, #tpu.memory_space<vmem>>, vector<1x16xf32>,
      %get3A_424 = vector.shape_cast %get3A_423 : vector<1x16xf32> to vector<16xf32>
      %swap3A_425 = arith.index_cast %scan3A_206 : i32 to index
      %swap3A_426 = arith.constant 384 : index
      %swap3A_427 = tpu.vector_load %arg9[%swap3A_425, %swap3A_426] {strides = array<i32>} : memref<64x512xf32, #tpu.memory_space<vmem>>, vector<1x16xf32>,
      %swap3A_428 = vector.shape_cast %swap3A_427 : vector<1x16xf32> to vector<16xf32>
      %swap3A_429 = vector.shape_cast %get3A_424 : vector<16xf32> to vector<1x16xf32>
      tpu.vector_store %arg9[%swap3A_425, %swap3A_426], %swap3A_429 {add = true, strides = array<i32>} : memref<64x512xf32, #tpu.memory_space<vmem>>, vector<1x16xf32>,
      %get3A_430 = arith.index_cast %scan3A_206 : i32 to index
      %get3A_431 = arith.constant 400 : index
      %get3A_432 = tpu.vector_load %arg7[%get3A_430, %get3A_431] {strides = array<i32>} : memref<64x512xf32, #tpu.memory_space<vmem>>, vector<1x16xf32>,
      %get3A_433 = vector.shape_cast %get3A_432 : vector<1x16xf32> to vector<16xf32>
      %swap3A_434 = arith.index_cast %scan3A_206 : i32 to index
      %swap3A_435 = arith.constant 400 : index
      %swap3A_436 = tpu.vector_load %arg9[%swap3A_434, %swap3A_435] {strides = array<i32>} : memref<64x512xf32, #tpu.memory_space<vmem>>, vector<1x16xf32>,
      %swap3A_437 = vector.shape_cast %swap3A_436 : vector<1x16xf32> to vector<16xf32>
      %swap3A_438 = vector.shape_cast %get3A_433 : vector<16xf32> to vector<1x16xf32>
      tpu.vector_store %arg9[%swap3A_434, %swap3A_435], %swap3A_438 {add = true, strides = array<i32>} : memref<64x512xf32, #tpu.memory_space<vmem>>, vector<1x16xf32>,
      %get3A_439 = arith.index_cast %scan3A_206 : i32 to index
      %get3A_440 = arith.constant 416 : index
      %get3A_441 = tpu.vector_load %arg7[%get3A_439, %get3A_440] {strides = array<i32>} : memref<64x512xf32, #tpu.memory_space<vmem>>, vector<1x16xf32>,
      %get3A_442 = vector.shape_cast %get3A_441 : vector<1x16xf32> to vector<16xf32>
      %swap3A_443 = arith.index_cast %scan3A_206 : i32 to index
      %swap3A_444 = arith.constant 416 : index
      %swap3A_445 = tpu.vector_load %arg9[%swap3A_443, %swap3A_444] {strides = array<i32>} : memref<64x512xf32, #tpu.memory_space<vmem>>, vector<1x16xf32>,
      %swap3A_446 = vector.shape_cast %swap3A_445 : vector<1x16xf32> to vector<16xf32>
      %swap3A_447 = vector.shape_cast %get3A_442 : vector<16xf32> to vector<1x16xf32>
      tpu.vector_store %arg9[%swap3A_443, %swap3A_444], %swap3A_447 {add = true, strides = array<i32>} : memref<64x512xf32, #tpu.memory_space<vmem>>, vector<1x16xf32>,
      %get3A_448 = arith.index_cast %scan3A_206 : i32 to index
      %get3A_449 = arith.constant 432 : index
      %get3A_450 = tpu.vector_load %arg7[%get3A_448, %get3A_449] {strides = array<i32>} : memref<64x512xf32, #tpu.memory_space<vmem>>, vector<1x16xf32>,
      %get3A_451 = vector.shape_cast %get3A_450 : vector<1x16xf32> to vector<16xf32>
      %swap3A_452 = arith.index_cast %scan3A_206 : i32 to index
      %swap3A_453 = arith.constant 432 : index
      %swap3A_454 = tpu.vector_load %arg9[%swap3A_452, %swap3A_453] {strides = array<i32>} : memref<64x512xf32, #tpu.memory_space<vmem>>, vector<1x16xf32>,
      %swap3A_455 = vector.shape_cast %swap3A_454 : vector<1x16xf32> to vector<16xf32>
      %swap3A_456 = vector.shape_cast %get3A_451 : vector<16xf32> to vector<1x16xf32>
      tpu.vector_store %arg9[%swap3A_452, %swap3A_453], %swap3A_456 {add = true, strides = array<i32>} : memref<64x512xf32, #tpu.memory_space<vmem>>, vector<1x16xf32>,
      %get3A_457 = arith.index_cast %scan3A_206 : i32 to index
      %get3A_458 = arith.constant 448 : index
      %get3A_459 = tpu.vector_load %arg7[%get3A_457, %get3A_458] {strides = array<i32>} : memref<64x512xf32, #tpu.memory_space<vmem>>, vector<1x16xf32>,
      %get3A_460 = vector.shape_cast %get3A_459 : vector<1x16xf32> to vector<16xf32>
      %swap3A_461 = arith.index_cast %scan3A_206 : i32 to index
      %swap3A_462 = arith.constant 448 : index
      %swap3A_463 = tpu.vector_load %arg9[%swap3A_461, %swap3A_462] {strides = array<i32>} : memref<64x512xf32, #tpu.memory_space<vmem>>, vector<1x16xf32>,
      %swap3A_464 = vector.shape_cast %swap3A_463 : vector<1x16xf32> to vector<16xf32>
      %swap3A_465 = vector.shape_cast %get3A_460 : vector<16xf32> to vector<1x16xf32>
      tpu.vector_store %arg9[%swap3A_461, %swap3A_462], %swap3A_465 {add = true, strides = array<i32>} : memref<64x512xf32, #tpu.memory_space<vmem>>, vector<1x16xf32>,
      %get3A_466 = arith.index_cast %scan3A_206 : i32 to index
      %get3A_467 = arith.constant 464 : index
      %get3A_468 = tpu.vector_load %arg7[%get3A_466, %get3A_467] {strides = array<i32>} : memref<64x512xf32, #tpu.memory_space<vmem>>, vector<1x16xf32>,
      %get3A_469 = vector.shape_cast %get3A_468 : vector<1x16xf32> to vector<16xf32>
      %swap3A_470 = arith.index_cast %scan3A_206 : i32 to index
      %swap3A_471 = arith.constant 464 : index
      %swap3A_472 = tpu.vector_load %arg9[%swap3A_470, %swap3A_471] {strides = array<i32>} : memref<64x512xf32, #tpu.memory_space<vmem>>, vector<1x16xf32>,
      %swap3A_473 = vector.shape_cast %swap3A_472 : vector<1x16xf32> to vector<16xf32>
      %swap3A_474 = vector.shape_cast %get3A_469 : vector<16xf32> to vector<1x16xf32>
      tpu.vector_store %arg9[%swap3A_470, %swap3A_471], %swap3A_474 {add = true, strides = array<i32>} : memref<64x512xf32, #tpu.memory_space<vmem>>, vector<1x16xf32>,
      %get3A_475 = arith.index_cast %scan3A_206 : i32 to index
      %get3A_476 = arith.constant 480 : index
      %get3A_477 = tpu.vector_load %arg7[%get3A_475, %get3A_476] {strides = array<i32>} : memref<64x512xf32, #tpu.memory_space<vmem>>, vector<1x16xf32>,
      %get3A_478 = vector.shape_cast %get3A_477 : vector<1x16xf32> to vector<16xf32>
      %swap3A_479 = arith.index_cast %scan3A_206 : i32 to index
      %swap3A_480 = arith.constant 480 : index
      %swap3A_481 = tpu.vector_load %arg9[%swap3A_479, %swap3A_480] {strides = array<i32>} : memref<64x512xf32, #tpu.memory_space<vmem>>, vector<1x16xf32>,
      %swap3A_482 = vector.shape_cast %swap3A_481 : vector<1x16xf32> to vector<16xf32>
      %swap3A_483 = vector.shape_cast %get3A_478 : vector<16xf32> to vector<1x16xf32>
      tpu.vector_store %arg9[%swap3A_479, %swap3A_480], %swap3A_483 {add = true, strides = array<i32>} : memref<64x512xf32, #tpu.memory_space<vmem>>, vector<1x16xf32>,
      %get3A_484 = arith.index_cast %scan3A_206 : i32 to index
      %get3A_485 = arith.constant 496 : index
      %get3A_486 = tpu.vector_load %arg7[%get3A_484, %get3A_485] {strides = array<i32>} : memref<64x512xf32, #tpu.memory_space<vmem>>, vector<1x16xf32>,
      %get3A_487 = vector.shape_cast %get3A_486 : vector<1x16xf32> to vector<16xf32>
      %swap3A_488 = arith.index_cast %scan3A_206 : i32 to index
      %swap3A_489 = arith.constant 496 : index
      %swap3A_490 = tpu.vector_load %arg9[%swap3A_488, %swap3A_489] {strides = array<i32>} : memref<64x512xf32, #tpu.memory_space<vmem>>, vector<1x16xf32>,
      %swap3A_491 = vector.shape_cast %swap3A_490 : vector<1x16xf32> to vector<16xf32>
      %swap3A_492 = vector.shape_cast %get3A_487 : vector<16xf32> to vector<1x16xf32>
      tpu.vector_store %arg9[%swap3A_488, %swap3A_489], %swap3A_492 {add = true, strides = array<i32>} : memref<64x512xf32, #tpu.memory_space<vmem>>, vector<1x16xf32>,
    }
    %scan3A_187 = arith.constant 64 : i32
    %add3A_188 = arith.constant 6144 : i32
    %add3A_189 = arith.addi %add3A_188, %mul3A_2 : i32
    %dma_start3A_190 = arith.constant 0 : i32
    %dma_start3A_191 = tpu.memref_slice %arg5[%add3A_189, %dma_start3A_190] : memref<8192x512xf32, #tpu.memory_space<hbm>> -> memref<64x512xf32, #tpu.memory_space<hbm>>
    %dma_start3A_192 = arith.constant 0 : i32
    %dma_start3A_193 = tpu.memref_slice %arg5[%add3A_189, %dma_start3A_192] : memref<8192x512xf32, #tpu.memory_space<hbm>> -> memref<64x512xf32, #tpu.memory_space<hbm>>
    tpu.enqueue_dma source(%arg9 : memref<64x512xf32, #tpu.memory_space<vmem>>) target(%dma_start3A_193 : memref<64x512xf32, #tpu.memory_space<hbm>>) target_semaphore(%arg15 : memref<!tpu.dma_semaphore, #tpu.memory_space<semaphore_mem>>)
    %dma_wait3A_194 = arith.constant 0 : i32
    %dma_wait3A_195 = arith.constant 0 : i32
    %dma_wait3A_196 = tpu.memref_slice %arg5[%dma_wait3A_194, %dma_wait3A_195] : memref<8192x512xf32, #tpu.memory_space<hbm>> -> memref<64x512xf32, #tpu.memory_space<hbm>>
    %dma_wait3A_197 = arith.constant 0 : i32
    %dma_wait3A_198 = arith.constant 0 : i32
    %dma_wait3A_199 = tpu.memref_slice %arg5[%dma_wait3A_197, %dma_wait3A_198] : memref<8192x512xf32, #tpu.memory_space<hbm>> -> memref<64x512xf32, #tpu.memory_space<hbm>>
    tpu.wait_dma2 semaphore(%arg14 : memref<!tpu.dma_semaphore, #tpu.memory_space<semaphore_mem>>) src(%arg8 : memref<64x512xf32, #tpu.memory_space<vmem>>) dst(%dma_wait3A_199 : memref<64x512xf32, #tpu.memory_space<hbm>>)
    %dma_wait3A_200 = arith.constant 0 : i32
    %dma_wait3A_201 = arith.constant 0 : i32
    %dma_wait3A_202 = tpu.memref_slice %arg5[%dma_wait3A_200, %dma_wait3A_201] : memref<8192x512xf32, #tpu.memory_space<hbm>> -> memref<64x512xf32, #tpu.memory_space<hbm>>
    %dma_wait3A_203 = arith.constant 0 : i32
    %dma_wait3A_204 = arith.constant 0 : i32
    %dma_wait3A_205 = tpu.memref_slice %arg5[%dma_wait3A_203, %dma_wait3A_204] : memref<8192x512xf32, #tpu.memory_space<hbm>> -> memref<64x512xf32, #tpu.memory_space<hbm>>
    tpu.wait_dma2 semaphore(%arg15 : memref<!tpu.dma_semaphore, #tpu.memory_space<semaphore_mem>>) src(%arg9 : memref<64x512xf32, #tpu.memory_space<vmem>>) dst(%dma_wait3A_205 : memref<64x512xf32, #tpu.memory_space<hbm>>)
    return
  }
}

</mosaic_0001>

<sc_bundles>
// kernel: kernel.3.cloned.1.call-start
scs
__scs_entry_jumppad:
0x0: {  	(pc) =	sbr.rel $0x88, $3  }
0x1: {  	(tag) =	ssettag $0x0;
	lr =	simm.s32 $0x1  }
0x2: {  	[smem:$0x3F9E] =	sst lr;
	_ =	strace $0xD0000000  }
0x3: {  	_ = 	snop  }
0x4: {  	_ = 	snop  }
0x5: {  	_ = 	snop  }
0x6: {  	_ = 	snop  }
0x7: {  	_ = 	snop  }
__scs_overlays_trampoline_lowered:
0x8: {  	[smem:$0x3FAD] =	sst s0  }
0x9: {  	[smem:$0x3FAE] =	sst s1  }
0xa: {  	[smem:$0x3FAF] =	sst s2  }
0xb: {  	[smem:$0x3FB0] =	sst s3  }
0xc: {  	[smem:$0x3FB1] =	sst s4  }
0xd: {  	[smem:$0x3FB2] =	sst s5  }
0xe: {  	[smem:$0x3FB3] =	sst s6  }
0xf: {  	[smem:$0x3FB4] =	sst s7  }
0x10: {  	[smem:$0x3FB5] =	sst s8  }
0x11: {  	[smem:$0x3FB6] =	sst s9;
	s0 =	simm.s32 @!p0 $0x0  }
0x12: {  	s1 =	sld [smem:$0x3F9C];
	s0 =	simm.s32 @p0 $0x1  }
0x13: {  	[smem:$0x3FB7] =	sst s0;
	s0 =	simm.s32 @!p1 $0x0  }
0x14: {  	s2 =	sld [smem:$0x3F9B];
	s0 =	simm.s32 @p1 $0x1  }
0x15: {  	[smem:$0x3FB8] =	sst s0;
	s0 =	simm.s32 @!p2 $0x0  }
0x16: {  	s3 =	sld [smem:$0x3FDB];
	s0 =	simm.s32 @p2 $0x1  }
0x17: {  	s4 =	simm.s32 $0x1BF5;
	[smem:$0x3FBA] =	sst s0  }
0x18: {  	s0 =	sld [smem:$0x3F9D];
	_ =	swait.ge [sflag:s4], $0x0  }
0x19: {  	s7 =	sld [smem:$0x3F9E]  }
0x1a: {  	s8 =	sadd.s32 $0xFFFFE003, lr  }
0x1b: {  	s9 =	sadd.s32 $0xFFFFFEF7, lr;
	s5 =	simm.s32 $0xFFFFFFFF;
	p2 =	slt.u32 s8, $0xFFFFF086  }
0x1c: {  	p1 =	slt.u32 s9, $0xF7A;
	s5 =	simm.s32 @!p2 $0x0  }
0x1d: {  	s5 =	simm.s32 @p1 $0x1;
	p0 =	seq.s32 s7, s2  }
0x1e: {  	s7 =	smul.u32 @!p0 $0xF7A, s2;
	p2 =	seq.s32 @!p0 s5, $0x0  }
0x1f: {  	s9 =	smul.u32 $0xF7A, s1;
	s8 =	simm.s32 @!p0 $0x1BF5;
	p2 =	por !p2, p0  }
0x20: {  	[sflag:s8] =	ssyncset.s32 @!p0 $0xFFFFF086;
	s6 =	sadd.s32 @!p0 s3, s7;
	s7 =	simm.s32 @!p0 $0x108  }
0x21: {  	s3 =	sadd.s32 s3, s9;
	s6 =	sadd.s32 @!p0 $0x88, s6;
	s7 =	simm.s32 @p2 $0x1082  }
0x22: {  	[simem:s7], [sflag:s8] =	dma.local @!p0 [hbm:s6], $0xF7A  }
0x23: {  	s9 =	sor.u32 $0xD0000000, s2;
	s6 =	simm.s32 $0x108;
	_ =	swait.ge @!p0 [sflag:s8], $0x0  }
0x24: {  	s3 =	sadd.s32 $0x88, s3;
	s6 =	simm.s32 @!p1 $0x1082;
	[sflag:s4] =	ssyncset.s32 $0xFFFFF086  }
0x25: {  	[simem:s6], [sflag:s4] =	dma.local [hbm:s3], $0xF7A  }
0x26: {  	[smem:$0x3F9E] =	sst s1;
	(tag) =	ssettag s2;
	_ =	strace s9  }
0x27: {  	s1 =	sld [smem:$0x3FAE]  }
0x28: {  	s2 =	sld [smem:$0x3FAF]  }
0x29: {  	s4 =	sld [smem:$0x3FB1]  }
0x2a: {  	p0 =	seq.s32 s5, $0x0;
	s5 =	sld [smem:$0x3FB2]  }
0x2b: {  	s6 =	sld [smem:$0x3FB3]  }
0x2c: {  	s7 =	sld [smem:$0x3FB4]  }
0x2d: {  	s3 =	simm.s32 $0x108;
	s8 =	sld [smem:$0x3FB5]  }
0x2e: {  	s3 =	simm.s32 @!p0 $0x1082;
	s9 =	sld [smem:$0x3FB6]  }
0x2f: {  	lr =	sadd.s32 s0, s3;
	s0 =	sld [smem:$0x3FAD]  }
0x30: {  	s3 =	sld [smem:$0x3FB0]  }
0x31: {  	[smem:$0x3FB9] =	sst s10  }
0x32: {  	s10 =	sld [smem:$0x3FB7];
	_ =	sdelay $0x3  }
0x33: {  	p0 =	seq.s32 s10, $0x1;
	s10 =	sld [smem:$0x3FB9];
	_ =	sdelay $0x3  }
0x34: {  	[smem:$0x3FB9] =	sst s10  }
0x35: {  	s10 =	sld [smem:$0x3FB8];
	_ =	sdelay $0x3  }
0x36: {  	p1 =	seq.s32 s10, $0x1;
	s10 =	sld [smem:$0x3FB9];
	_ =	sdelay $0x3  }
0x37: {  	[smem:$0x3FB9] =	sst s10  }
0x38: {  	s10 =	sld [smem:$0x3FBA]  }
0x39: {  	_ = 	snop;
	(pc) =	sbr.ind lr, $3  }
0x3a: {  	_ = 	snop  }
0x3b: {  	_ = 	snop  }
0x3c: {  	p2 =	seq.s32 s10, $0x1;
	s10 =	sld [smem:$0x3FB9]  }
0x3d: {  	_ =	shalt  }
0x3e: {  	_ =	shalt  }
0x3f: {  	_ =	shalt  }
0x40: {  	_ =	shalt  }
0x41: {  	_ =	shalt  }
0x42: {  	_ =	shalt  }
0x43: {  	_ =	shalt  }
0x44: {  	_ =	shalt  }
0x45: {  	_ =	shalt  }
0x46: {  	_ =	shalt  }
0x47: {  	_ =	shalt  }
0x48: {  	_ =	shalt  }
0x49: {  	_ =	shalt  }
0x4a: {  	_ =	shalt  }
0x4b: {  	_ =	shalt  }
0x4c: {  	_ =	shalt  }
0x4d: {  	_ =	shalt  }
0x4e: {  	_ =	shalt  }
0x4f: {  	_ =	shalt  }
0x50: {  	_ =	shalt  }
0x51: {  	_ =	shalt  }
0x52: {  	_ =	shalt  }
0x53: {  	_ =	shalt  }
0x54: {  	_ =	shalt  }
0x55: {  	_ =	shalt  }
0x56: {  	_ =	shalt  }
0x57: {  	_ =	shalt  }
0x58: {  	_ =	shalt  }
0x59: {  	_ =	shalt  }
0x5a: {  	_ =	shalt  }
0x5b: {  	_ =	shalt  }
0x5c: {  	_ =	shalt  }
0x5d: {  	_ =	shalt  }
0x5e: {  	_ =	shalt  }
0x5f: {  	_ =	shalt  }
0x60: {  	_ =	shalt  }
0x61: {  	_ =	shalt  }
0x62: {  	_ =	shalt  }
0x63: {  	_ =	shalt  }
0x64: {  	_ =	shalt  }
0x65: {  	_ =	shalt  }
0x66: {  	_ =	shalt  }
0x67: {  	_ =	shalt  }
0x68: {  	_ =	shalt  }
0x69: {  	_ =	shalt  }
0x6a: {  	_ =	shalt  }
0x6b: {  	_ =	shalt  }
0x6c: {  	_ =	shalt  }
0x6d: {  	_ =	shalt  }
0x6e: {  	_ =	shalt  }
0x6f: {  	_ =	shalt  }
0x70: {  	_ =	shalt  }
0x71: {  	_ =	shalt  }
0x72: {  	_ =	shalt  }
0x73: {  	_ =	shalt  }
0x74: {  	_ =	shalt  }
0x75: {  	_ =	shalt  }
0x76: {  	_ =	shalt  }
0x77: {  	_ =	shalt  }
0x78: {  	_ =	shalt  }
0x79: {  	_ =	shalt  }
0x7a: {  	_ =	shalt  }
0x7b: {  	_ =	shalt  }
0x7c: {  	_ =	shalt  }
0x7d: {  	_ =	shalt  }
0x7e: {  	_ =	shalt  }
0x7f: {  	_ =	shalt  }
0x80: {  	_ =	shalt  }
0x81: {  	_ =	shalt  }
0x82: {  	_ =	shalt  }
0x83: {  	_ =	shalt  }
0x84: {  	_ =	shalt  }
0x85: {  	_ =	shalt  }
0x86: {  	_ =	shalt  }
0x87: {  	_ =	shalt  }
.Lfunc_end0:
.L_simem_size_0:
called_computation_lowered:
.L_overlay_start_0:
0x88: {  	s2 =	sld [smem:$0x3FD9]  }
0x89: {  	s3 =	sld [smem:$0x3FFE];
	_ =	sdelay $0x1  }
0x8a: {  	s1 =	srdreg.scid  }
0x8b: {  	s0 =	sand.u32 $0x1, s1  }
0x8c: {  	s18 =	sshll.u32 s0, $0xA;
	s2 =	sadd.s32 s3, s2  }
0x8d: {  	s2 =	sadd.s32 s2, s18  }
0x8e: {  	[smem:$0x3FC5] =	sst s2  }
0x8f: {  	_ = 	snop  }
0x90: {  	s2 =	sld [smem:$0x3FC9]  }
0x91: {  	s19 =	sld [smem:$0x3FC8]  }
0x92: {  	s4 =	sld [smem:$0x3FC7]  }
0x93: {  	s5 =	sld [smem:$0x3FD0];
	(tm) =	ssettm $0x1  }
0x94: {  	s6 =	sld [smem:$0x3FFB];
	_ =	sdelay $0x3  }
0x95: {  	_ =	strace s6  }
0x96: {  	s6 =	sld [smem:$0x3FFC];
	_ =	sdelay $0x3  }
0x97: {  	_ =	strace s6  }
0x98: {  	s6 =	sld [smem:$0x3FFD];
	_ =	sdelay $0x3  }
0x99: {  	_ =	strace s6  }
0x9a: {  	_ =	strace $0x8FFFFFFF  }
0x9b: {  	s20 =	sld [smem:$0x3FDB];
	_ =	sdelay $0x1  }
0x9c: {  	s7 =	simm.s32 $_scs_section_size  }
0x9d: {  	s8 =	simm.s32 $_size__tile_overlayer_lowered;
	s9 =	simm.s32 $_tile_overlayer_lowered  }
0x9e: {  	s23 =	simm.s32 $0x1BFF;
	s22 =	sshll.u32 s9, $0x1;
	s6 =	sadd.s32 s7, s20  }
0x9f: {  	s10 =	simm.s32 $0x0;
	s21 =	sshll.u32 s8, $0x1;
	s8 =	sadd.s32 s22, s6  }
0xa0: {  	[timem:s10], [sflag:s23] =	dma.local [hbm:s8], s21  }
0xa1: {  	_ =	swait.ge [sflag:s23], s21  }
0xa2: {  	s7 =	ssub.s32 $0x0, s21;
	[sflag:s23] =	ssyncset.done $0x0  }
0xa3: {  	[sflag:s23] =	ssyncadd.s32 s7;
	_ =	sdelay $0x1  }
0xa4: {  	s24 =	simm.s32 $0x1B8B  }
0xa5: {  	_ =	swait.ge [sflag:s24], $0x1  }
0xa6: {  	[sflag:s24] =	ssyncset.done $0x0  }
0xa7: {  	s25 =	simm.s32 $0x1B8E;
	[sflag:s24] =	ssyncadd.s32 $0xFFFFFFFF  }
0xa8: {  	s26 =	simm.s32 $execute0_lowered;
	[smem:$0x3FD2] =	sst s25  }
0xa9: {  	s7 =	sshll.u32 s26, $0x1;
	_ =	strace $0x80000046;
	[dreg:$0x1] =	wrdreg $0xFFFFFFFF  }
0xaa: {  	s28 =	simm.s32 $_size_execute0_lowered;
	s6 =	sadd.s32 s6, s7;
	[dreg:$0x0] =	wrdreg $0x0  }
0xab: {  	s7 =	sshll.u32 s28, $0x1;
	[dreg:$0x2] =	wrdreg s6  }
0xac: {  	[dreg:$0x3] =	wrdreg s7  }
0xad: {  	[dreg:$0x4] =	wrdreg $0xC0  }
0xae: {  	_ =	task [dreg:s10], $0x5FFFF  }
0xaf: {  	[dreg:$0x1] =	wrdreg $0xFFFFFFFF  }
0xb0: {  	[dreg:$0x0] =	wrdreg $0x60  }
0xb1: {  	[dreg:$0x2] =	wrdreg s2  }
0xb2: {  	[dreg:$0x3] =	wrdreg s19  }
0xb3: {  	[dreg:$0x4] =	wrdreg s4  }
0xb4: {  	[dreg:$0x5] =	wrdreg s5  }
0xb5: {  	[dreg:$0x6] =	wrdreg $0x9  }
0xb6: {  	_ =	task.clear_ibuf [dreg:s10], $0x7FFFF;
	_ =	strace $0x90000046  }
0xb7: {  	s29 =	simm.s32 $0x9;
	_ =	strace $0x80000048  }
0xb8: {  	_ =	swait.ge [sflag:s29], $0x1  }
0xb9: {  	[sflag:s29] =	ssyncadd.s32 $0xFFFFFFFF  }
0xba: {  	_ =	strace $0x90000048  }
0xbb: {  	_ =	sfence  }
0xbc: {  	s30 =	sld [smem:$0x0];
	_ =	sdelay $0x2  }
0xbd: {  	s31 =	sshll.u32 s1, $0xD;
	s1 =	sshrl.u32 s1, $0x2  }
0xbe: {  	s3 =	sand.u32 $0x4000, s31;
	s1 =	sadd.s32 s1, s30  }
0xbf: {  	s0 =	sor.u32 s3, s0;
	s1 =	sshll.u32 s1, $0x11  }
0xc0: {  	s0 =	sor.u32 s1, s0  }
0xc1: {  	s0 =	sadd.s32 $0x8F2B, s0  }
0xc2: {  	[sflag:s0] =	ssyncadd.remote.s32 $0x1  }
0xc3: {  	_ =	sfence.sel $0xFFFF  }
0xc4: {  	[dreg:$0x0] =	wrdreg $0xFFFFFFFF;
	(pc) =	sbr.abs _section_cstart, $3  }
0xc5: {  	[dreg:$0x1] =	wrdreg $0xFFFFFFFF  }
0xc6: {  	_ =	task.clear_ibuf [dreg:s10], $0x2FFFF;
	_ =	strace $0x9FFFFFFF  }
0xc7: {  	(tm) =	ssettm $0x7FFFFFFF  }
tec
execute0_lowered:
.L_overlay_start_1:
0x0: {  	(tag) =	ssettag $0x1  }
0x1: {  	s0 =	rddreg [dreg:$0x0]  }
0x2: {  	s1 =	rddreg [dreg:$0x1];
	s2 =	srdreg.scid  }
0x3: {  	s4 =	rddreg [dreg:$0x2];
	s3 =	stileid.u32  }
0x4: {  	s6 =	rddreg [dreg:$0x3];
	s18 =	simm.s32 $0x1;
	s28 =	simm.s32 $0x14100  }
0x5: {  	s29 =	simm.s32 $0x14900;
	s30 =	simm.s32 $0x15900;
	s31 =	simm.s32 $0x16900  }
0x6: {  	s11 =	simm.s32 $0x3;
	s15 =	simm.s32 $0x5;
	s12 =	simm.s32 $0x4  }
0x7: {  	s16 =	simm.s32 $0x6;
	s13 =	simm.s32 $0x0;
	s2 =	sand.u32 $0x1, s2  }
0x8: {  	s3 =	sshll.u32 s3, $0x7;
	s5 =	sshll.u32 s2, $0x6;
	s2 =	ssub.s32 $0x2, s2  }
0x9: {  	s7 =	sor.u32 s5, s3;
	s3 =	simm.s32 $0x0;
	s9 =	sshrl.u32 s2, $0x1  }
0xa: {  	s8 =	sshll.u32 s7, $0x2;
	[smem:$0x7FF] =	sst s3;
	s2 =	ssub.s32 s2, s9  }
0xb: {  	s7 =	sshll.u32 s7, $0x6;
	s10 =	sand.u32 $0x1E00, s8;
	_ =	strace $0x80000047  }
0xc: {  	s8 =	sor.u32 s5, s8;
	s4 =	sadd.s32 s4, s7;
	s26 =	smax.u32 s2, $0x1  }
0xd: {  	s2 =	simm.s32 $0x17100;
	s19 =	sor.u32 s5, s10;
	[dreg:$0x5] =	wrdreg s4  }
0xe: {  	s20 =	sshrl.u32 s8, $0x3;
	s10 =	sadd.s32 $0x100, s1;
	[dreg:$0xc] =	wrdreg s26  }
0xf: {  	s26 =	simm.s32 $0x13900;
	s9 =	sshrl.u32 s19, $0x3;
	s22 =	sor.u32 $0x20, s20  }
0x10: {  	s4 =	sor.u32 $0x30, s20;
	s19 =	simm.s32 $0x2;
	s8 =	sadd.s32 s0, s22  }
0x11: {  	s5 =	sadd.s32 s0, s9;
	s0 =	sadd.s32 s0, s4;
	[dreg:$0x7] =	wrdreg s8  }
0x12: {  	s9 =	sadd.s32 s6, s7;
	s21 =	sadd.s32 $0x10, s5;
	[dreg:$0x8] =	wrdreg s0  }
0x13: {  	s20 =	simm.s32 $0x8100;
	s23 =	sadd.s32 $0x20000, s9;
	[dreg:$0x6] =	wrdreg s21  }
0x14: {  	s6 =	simm.s32 $0x13100;
	s24 =	sadd.s32 $0x40000, s9;
	[dreg:$0x9] =	wrdreg s23  }
0x15: {  	v2 =	vlaneseq.u32;
	s7 =	simm.s32 $0x15100;
	s25 =	sadd.s32 $0x60000, s9;
	[dreg:$0xa] =	wrdreg s24  }
0x16: {  	vm0 =	vmmov $0xffff;
	v1 =	vshrl.u32 v2, $0x3;
	s8 =	simm.s32 $0x16100;
	s0 =	simm.s32 $0x17900;
	[dreg:$0xb] =	wrdreg s25  }
0x17: {  	v0 =	vand.u32 $0x7, v2;
	v2 =	vor.u32 $0x8, v2;
	v1 =	vmul.u32 $0x8, v1;
	s21 =	simm.s32 $0x10100;
	s24 =	simm.s32 $0x12100;
	s25 =	simm.s32 $0x12900  }
.LBB2_1:
0x18: {  	s4 =	rddreg [dreg:$0x5];
	s14 =	simm.s32 $0x100  }
0x19: {  	[tilespmem:s14], [sflag:$0x1] =	stream.linear.gather [hbm4b:s4+s3], $0x8000, $0x38;
	[tilespmem:$0x18100] =	vst v63  }
0x1a: {  	_ = 	snop  }
0x1b: {  	[tilespmem:s3], [sflag:$0x2] =	stream.linear.gather [hbm4b:s5+s3], $0x40, $0x38;
	[tilespmem:$0x18100] =	vst v63  }
0x1c: {  	s17 =	simm.s32 $0x40;
	s14 =	rddreg [dreg:$0x6]  }
0x1d: {  	[tilespmem:s17], [sflag:$0x2] =	stream.linear.gather [hbm4b:s14+s3], $0x40, $0x38;
	[tilespmem:$0x18100] =	vst v63  }
0x1e: {  	s22 =	rddreg [dreg:$0x7];
	s23 =	simm.s32 $0x80  }
0x1f: {  	[tilespmem:s23], [sflag:$0x2] =	stream.linear.gather [hbm4b:s22+s3], $0x40, $0x38;
	[tilespmem:$0x18100] =	vst v63  }
0x20: {  	s17 =	rddreg [dreg:$0x8];
	s22 =	simm.s32 $0xC0  }
0x21: {  	[tilespmem:s22], [sflag:$0x2] =	stream.linear.gather [hbm4b:s17+s3], $0x40, $0x38;
	[tilespmem:$0x18100] =	vst v63  }
0x22: {  	_ =	swait.ge [sflag:s19], $0x40  }
0x23: {  	[sflag:s19] =	ssyncset.done $0x0  }
0x24: {  	[sflag:s19] =	ssyncadd.s32 $0xFFFFFFC0  }
0x25: {  	_ =	swait.ge [sflag:s19], $0x40  }
0x26: {  	[sflag:s19] =	ssyncset.done $0x0  }
0x27: {  	[sflag:s19] =	ssyncadd.s32 $0xFFFFFFC0  }
0x28: {  	_ =	swait.ge [sflag:s19], $0x40  }
0x29: {  	[sflag:s19] =	ssyncset.done $0x0  }
0x2a: {  	[sflag:s19] =	ssyncadd.s32 $0xFFFFFFC0  }
0x2b: {  	_ =	swait.ge [sflag:s19], $0x40  }
0x2c: {  	[sflag:s19] =	ssyncset.done $0x0  }
0x2d: {  	[sflag:s19] =	ssyncadd.s32 $0xFFFFFFC0  }
0x2e: {  	v3 =	vld [tilespmem:$0x0];
	_ =	sdelay $0x4  }
0x2f: {  	v4 =	vshll.u32 v3, $0x2  }
0x30: {  	v3 =	vand.u32 $0x7, v3;
	v4 =	vand.u32 $0xFFFFFFE0, v4  }
0x31: {  	v3 =	vor.u32 v3, v4  }
0x32: {  	v4 =	vperm.xlane v3, v0;
	_ =	sdelay $0x1  }
0x33: {  	v4 =	vadd.s32 v1, v4;
	_ =	sdelay $0x1  }
0x34: {  	v3 =	vperm.xlane v3, v2;
	_ =	sdelay $0x1  }
0x35: {  	v3 =	vadd.s32 v1, v3  }
0x36: {  	[tilespmem:s20], [sflag:$0x3] =	stream.indirect_vreg.gather [hbm4b:s1+s3], $0x80, v4, vm0, $0xb8;
	[tilespmem:$0x18100] =	vst v63  }
0x37: {  	s23 =	simm.s32 $0x8900  }
0x38: {  	[tilespmem:s23], [sflag:$0x3] =	stream.indirect_vreg.gather [hbm4b:s10+s3], $0x80, v4, vm0, $0xb8;
	[tilespmem:$0x18100] =	vst v63  }
0x39: {  	s14 =	simm.s32 $0x9100  }
0x3a: {  	[tilespmem:s14], [sflag:$0x3] =	stream.indirect_vreg.gather [hbm4b:s1+s3], $0x80, v3, vm0, $0xb8;
	[tilespmem:$0x18100] =	vst v63  }
0x3b: {  	s17 =	simm.s32 $0x9900  }
0x3c: {  	[tilespmem:s17], [sflag:$0x3] =	stream.indirect_vreg.gather [hbm4b:s10+s3], $0x80, v3, vm0, $0xb8;
	[tilespmem:$0x18100] =	vst v63  }
0x3d: {  	v3 =	vld [tilespmem:$0x10];
	_ =	sdelay $0x4  }
0x3e: {  	v4 =	vshll.u32 v3, $0x2  }
0x3f: {  	v3 =	vand.u32 $0x7, v3;
	v4 =	vand.u32 $0xFFFFFFE0, v4  }
0x40: {  	v3 =	vor.u32 v3, v4  }
0x41: {  	v4 =	vperm.xlane v3, v0;
	_ =	sdelay $0x1  }
0x42: {  	v4 =	vadd.s32 v1, v4;
	_ =	sdelay $0x1  }
0x43: {  	v3 =	vperm.xlane v3, v2;
	_ =	sdelay $0x1  }
0x44: {  	s22 =	simm.s32 $0xA100;
	v3 =	vadd.s32 v1, v3  }
0x45: {  	[tilespmem:s22], [sflag:$0x3] =	stream.indirect_vreg.gather [hbm4b:s1+s3], $0x80, v4, vm0, $0xb8;
	[tilespmem:$0x18100] =	vst v63  }
0x46: {  	s23 =	simm.s32 $0xA900  }
0x47: {  	[tilespmem:s23], [sflag:$0x3] =	stream.indirect_vreg.gather [hbm4b:s10+s3], $0x80, v4, vm0, $0xb8;
	[tilespmem:$0x18100] =	vst v63  }
0x48: {  	s14 =	simm.s32 $0xB100  }
0x49: {  	[tilespmem:s14], [sflag:$0x3] =	stream.indirect_vreg.gather [hbm4b:s1+s3], $0x80, v3, vm0, $0xb8;
	[tilespmem:$0x18100] =	vst v63  }
0x4a: {  	s17 =	simm.s32 $0xB900  }
0x4b: {  	[tilespmem:s17], [sflag:$0x3] =	stream.indirect_vreg.gather [hbm4b:s10+s3], $0x80, v3, vm0, $0xb8;
	[tilespmem:$0x18100] =	vst v63  }
0x4c: {  	v3 =	vld [tilespmem:$0x20];
	_ =	sdelay $0x4  }
0x4d: {  	v4 =	vshll.u32 v3, $0x2  }
0x4e: {  	v3 =	vand.u32 $0x7, v3;
	v4 =	vand.u32 $0xFFFFFFE0, v4  }
0x4f: {  	v3 =	vor.u32 v3, v4  }
0x50: {  	v4 =	vperm.xlane v3, v0;
	_ =	sdelay $0x1  }
0x51: {  	v4 =	vadd.s32 v1, v4;
	_ =	sdelay $0x1  }
0x52: {  	v3 =	vperm.xlane v3, v2;
	_ =	sdelay $0x1  }
0x53: {  	s22 =	simm.s32 $0xC100;
	v3 =	vadd.s32 v1, v3  }
0x54: {  	[tilespmem:s22], [sflag:$0x3] =	stream.indirect_vreg.gather [hbm4b:s1+s3], $0x80, v4, vm0, $0xb8;
	[tilespmem:$0x18100] =	vst v63  }
0x55: {  	s23 =	simm.s32 $0xC900  }
0x56: {  	[tilespmem:s23], [sflag:$0x3] =	stream.indirect_vreg.gather [hbm4b:s10+s3], $0x80, v4, vm0, $0xb8;
	[tilespmem:$0x18100] =	vst v63  }
0x57: {  	s14 =	simm.s32 $0xD100  }
0x58: {  	[tilespmem:s14], [sflag:$0x3] =	stream.indirect_vreg.gather [hbm4b:s1+s3], $0x80, v3, vm0, $0xb8;
	[tilespmem:$0x18100] =	vst v63  }
0x59: {  	s17 =	simm.s32 $0xD900  }
0x5a: {  	[tilespmem:s17], [sflag:$0x3] =	stream.indirect_vreg.gather [hbm4b:s10+s3], $0x80, v3, vm0, $0xb8;
	[tilespmem:$0x18100] =	vst v63  }
0x5b: {  	v3 =	vld [tilespmem:$0x30];
	_ =	sdelay $0x4  }
0x5c: {  	v4 =	vshll.u32 v3, $0x2  }
0x5d: {  	v3 =	vand.u32 $0x7, v3;
	v4 =	vand.u32 $0xFFFFFFE0, v4  }
0x5e: {  	v3 =	vor.u32 v3, v4  }
0x5f: {  	v4 =	vperm.xlane v3, v0;
	_ =	sdelay $0x1  }
0x60: {  	v4 =	vadd.s32 v1, v4;
	_ =	sdelay $0x1  }
0x61: {  	v3 =	vperm.xlane v3, v2;
	_ =	sdelay $0x1  }
0x62: {  	s22 =	simm.s32 $0xE100;
	v3 =	vadd.s32 v1, v3  }
0x63: {  	[tilespmem:s22], [sflag:$0x3] =	stream.indirect_vreg.gather [hbm4b:s1+s3], $0x80, v4, vm0, $0xb8;
	[tilespmem:$0x18100] =	vst v63  }
0x64: {  	s23 =	simm.s32 $0xE900  }
0x65: {  	[tilespmem:s23], [sflag:$0x3] =	stream.indirect_vreg.gather [hbm4b:s10+s3], $0x80, v4, vm0, $0xb8;
	[tilespmem:$0x18100] =	vst v63  }
0x66: {  	s14 =	simm.s32 $0xF100  }
0x67: {  	[tilespmem:s14], [sflag:$0x3] =	stream.indirect_vreg.gather [hbm4b:s1+s3], $0x80, v3, vm0, $0xb8;
	[tilespmem:$0x18100] =	vst v63  }
0x68: {  	s17 =	simm.s32 $0xF900  }
0x69: {  	[tilespmem:s17], [sflag:$0x3] =	stream.indirect_vreg.gather [hbm4b:s10+s3], $0x80, v3, vm0, $0xb8;
	[tilespmem:$0x18100] =	vst v63  }
0x6a: {  	_ =	swait.ge [sflag:s18], $0x8000  }
0x6b: {  	[sflag:s18] =	ssyncset.done $0x0  }
0x6c: {  	[sflag:s18] =	ssyncadd.s32 $0xFFFF8000  }
0x6d: {  	v3 =	vld [tilespmem:$0x40];
	_ =	sdelay $0x4  }
0x6e: {  	v4 =	vshll.u32 v3, $0x2  }
0x6f: {  	v3 =	vand.u32 $0x7, v3;
	v4 =	vand.u32 $0xFFFFFFE0, v4  }
0x70: {  	v3 =	vor.u32 v3, v4  }
0x71: {  	v4 =	vperm.xlane v3, v0;
	_ =	sdelay $0x1  }
0x72: {  	v4 =	vadd.s32 v1, v4;
	_ =	sdelay $0x1  }
0x73: {  	v3 =	vperm.xlane v3, v2;
	_ =	sdelay $0x1  }
0x74: {  	v3 =	vadd.s32 v1, v3  }
0x75: {  	[tilespmem:s21], [sflag:$0x4] =	stream.indirect_vreg.gather [hbm4b:s1+s3], $0x80, v4, vm0, $0xb8;
	[tilespmem:$0x18100] =	vst v63  }
0x76: {  	s22 =	simm.s32 $0x10900  }
0x77: {  	[tilespmem:s22], [sflag:$0x4] =	stream.indirect_vreg.gather [hbm4b:s10+s3], $0x80, v4, vm0, $0xb8;
	[tilespmem:$0x18100] =	vst v63  }
0x78: {  	s23 =	simm.s32 $0x11100  }
0x79: {  	[tilespmem:s23], [sflag:$0x4] =	stream.indirect_vreg.gather [hbm4b:s1+s3], $0x80, v3, vm0, $0xb8;
	[tilespmem:$0x18100] =	vst v63  }
0x7a: {  	s14 =	simm.s32 $0x11900  }
0x7b: {  	[tilespmem:s14], [sflag:$0x4] =	stream.indirect_vreg.gather [hbm4b:s10+s3], $0x80, v3, vm0, $0xb8;
	[tilespmem:$0x18100] =	vst v63  }
0x7c: {  	v3 =	vld [tilespmem:$0x50];
	_ =	sdelay $0x4  }
0x7d: {  	v4 =	vshll.u32 v3, $0x2  }
0x7e: {  	v3 =	vand.u32 $0x7, v3;
	v4 =	vand.u32 $0xFFFFFFE0, v4  }
0x7f: {  	v3 =	vor.u32 v3, v4  }
0x80: {  	v4 =	vperm.xlane v3, v0;
	_ =	sdelay $0x1  }
0x81: {  	v4 =	vadd.s32 v1, v4;
	_ =	sdelay $0x1  }
0x82: {  	v3 =	vperm.xlane v3, v2;
	_ =	sdelay $0x1  }
0x83: {  	v3 =	vadd.s32 v1, v3  }
0x84: {  	[tilespmem:s24], [sflag:$0x4] =	stream.indirect_vreg.gather [hbm4b:s1+s3], $0x80, v4, vm0, $0xb8;
	[tilespmem:$0x18100] =	vst v63  }
0x85: {  	_ = 	snop  }
0x86: {  	[tilespmem:s25], [sflag:$0x4] =	stream.indirect_vreg.gather [hbm4b:s10+s3], $0x80, v4, vm0, $0xb8;
	[tilespmem:$0x18100] =	vst v63  }
0x87: {  	_ = 	snop  }
0x88: {  	[tilespmem:s6], [sflag:$0x4] =	stream.indirect_vreg.gather [hbm4b:s1+s3], $0x80, v3, vm0, $0xb8;
	[tilespmem:$0x18100] =	vst v63  }
0x89: {  	_ = 	snop  }
0x8a: {  	[tilespmem:s26], [sflag:$0x4] =	stream.indirect_vreg.gather [hbm4b:s10+s3], $0x80, v3, vm0, $0xb8;
	[tilespmem:$0x18100] =	vst v63  }
0x8b: {  	v3 =	vld [tilespmem:$0x60];
	_ =	sdelay $0x4  }
0x8c: {  	v4 =	vshll.u32 v3, $0x2  }
0x8d: {  	v3 =	vand.u32 $0x7, v3;
	v4 =	vand.u32 $0xFFFFFFE0, v4  }
0x8e: {  	v3 =	vor.u32 v3, v4  }
0x8f: {  	v4 =	vperm.xlane v3, v0;
	_ =	sdelay $0x1  }
0x90: {  	v4 =	vadd.s32 v1, v4;
	_ =	sdelay $0x1  }
0x91: {  	v3 =	vperm.xlane v3, v2;
	_ =	sdelay $0x1  }
0x92: {  	v3 =	vadd.s32 v1, v3  }
0x93: {  	[tilespmem:s28], [sflag:$0x4] =	stream.indirect_vreg.gather [hbm4b:s1+s3], $0x80, v4, vm0, $0xb8;
	[tilespmem:$0x18100] =	vst v63  }
0x94: {  	_ = 	snop  }
0x95: {  	[tilespmem:s29], [sflag:$0x4] =	stream.indirect_vreg.gather [hbm4b:s10+s3], $0x80, v4, vm0, $0xb8;
	[tilespmem:$0x18100] =	vst v63  }
0x96: {  	_ = 	snop  }
0x97: {  	[tilespmem:s7], [sflag:$0x4] =	stream.indirect_vreg.gather [hbm4b:s1+s3], $0x80, v3, vm0, $0xb8;
	[tilespmem:$0x18100] =	vst v63  }
0x98: {  	_ = 	snop  }
0x99: {  	[tilespmem:s30], [sflag:$0x4] =	stream.indirect_vreg.gather [hbm4b:s10+s3], $0x80, v3, vm0, $0xb8;
	[tilespmem:$0x18100] =	vst v63  }
0x9a: {  	v3 =	vld [tilespmem:$0x70];
	_ =	sdelay $0x4  }
0x9b: {  	v4 =	vshll.u32 v3, $0x2  }
0x9c: {  	v3 =	vand.u32 $0x7, v3;
	v4 =	vand.u32 $0xFFFFFFE0, v4  }
0x9d: {  	v3 =	vor.u32 v3, v4  }
0x9e: {  	v4 =	vperm.xlane v3, v0;
	_ =	sdelay $0x1  }
0x9f: {  	v4 =	vadd.s32 v1, v4;
	_ =	sdelay $0x1  }
0xa0: {  	v3 =	vperm.xlane v3, v2;
	_ =	sdelay $0x1  }
0xa1: {  	v3 =	vadd.s32 v1, v3  }
0xa2: {  	[tilespmem:s8], [sflag:$0x4] =	stream.indirect_vreg.gather [hbm4b:s1+s3], $0x80, v4, vm0, $0xb8;
	[tilespmem:$0x18100] =	vst v63  }
0xa3: {  	_ = 	snop  }
0xa4: {  	[tilespmem:s31], [sflag:$0x4] =	stream.indirect_vreg.gather [hbm4b:s10+s3], $0x80, v4, vm0, $0xb8;
	[tilespmem:$0x18100] =	vst v63  }
0xa5: {  	_ = 	snop  }
0xa6: {  	[tilespmem:s2], [sflag:$0x4] =	stream.indirect_vreg.gather [hbm4b:s1+s3], $0x80, v3, vm0, $0xb8;
	[tilespmem:$0x18100] =	vst v63  }
0xa7: {  	_ = 	snop  }
0xa8: {  	[tilespmem:s0], [sflag:$0x4] =	stream.indirect_vreg.gather [hbm4b:s10+s3], $0x80, v3, vm0, $0xb8;
	[tilespmem:$0x18100] =	vst v63  }
0xa9: {  	_ =	swait.ge [sflag:s11], $0x8000  }
0xaa: {  	s17 =	sand.u32 $0x7000, s3;
	s22 =	sand.u32 $0x380, s3;
	[sflag:s11] =	ssyncset.done $0x0  }
0xab: {  	s17 =	sor.u32 s22, s17;
	[sflag:s11] =	ssyncadd.s32 $0xFFFF8000  }
0xac: {  	v3 =	vld [tilespmem:s17+$0xD70]  }
0xad: {  	v4 =	vld [tilespmem:s17+$0x100]  }
0xae: {  	v5 =	vld [tilespmem:s17+$0x110]  }
0xaf: {  	v6 =	vld [tilespmem:s17+$0x120]  }
0xb0: {  	v7 =	vld [tilespmem:s17+$0x130]  }
0xb1: {  	v8 =	vld [tilespmem:s17+$0x140]  }
0xb2: {  	v9 =	vld [tilespmem:s17+$0x150]  }
0xb3: {  	v10 =	vld [tilespmem:s17+$0x160]  }
0xb4: {  	v11 =	vld [tilespmem:s17+$0x170]  }
0xb5: {  	v12 =	vld [tilespmem:s17+$0x500]  }
0xb6: {  	v13 =	vld [tilespmem:s17+$0x510]  }
0xb7: {  	v14 =	vld [tilespmem:s17+$0x520]  }
0xb8: {  	v15 =	vld [tilespmem:s17+$0x530]  }
0xb9: {  	v16 =	vld [tilespmem:s17+$0x540]  }
0xba: {  	v17 =	vld [tilespmem:s17+$0x550]  }
0xbb: {  	v18 =	vld [tilespmem:s17+$0x560]  }
0xbc: {  	v19 =	vld [tilespmem:s17+$0x570]  }
0xbd: {  	v20 =	vld [tilespmem:s17+$0x900]  }
0xbe: {  	v21 =	vld [tilespmem:s17+$0x910]  }
0xbf: {  	v22 =	vld [tilespmem:s17+$0x920]  }
0xc0: {  	v23 =	vld [tilespmem:s17+$0x930]  }
0xc1: {  	v24 =	vld [tilespmem:s17+$0x940]  }
0xc2: {  	v25 =	vld [tilespmem:s17+$0x950]  }
0xc3: {  	v26 =	vld [tilespmem:s17+$0x960]  }
0xc4: {  	v27 =	vld [tilespmem:s17+$0x970]  }
0xc5: {  	v28 =	vld [tilespmem:s17+$0xD00]  }
0xc6: {  	v29 =	vld [tilespmem:s17+$0xD10]  }
0xc7: {  	v30 =	vld [tilespmem:s17+$0xD20]  }
0xc8: {  	v31 =	vld [tilespmem:s17+$0xD30]  }
0xc9: {  	v32 =	vld [tilespmem:s17+$0xD40]  }
0xca: {  	v33 =	vld [tilespmem:s17+$0xD50]  }
0xcb: {  	[tilespmem:s17+$0x8D70] =	vst.add.f32.msk $0xffff, v3  }
0xcc: {  	v3 =	vld [tilespmem:s17+$0xD60]  }
0xcd: {  	[tilespmem:s17+$0x8100] =	vst.add.f32.msk $0xffff, v4  }
0xce: {  	[tilespmem:s17+$0x8110] =	vst.add.f32.msk $0xffff, v5  }
0xcf: {  	[tilespmem:s17+$0x8120] =	vst.add.f32.msk $0xffff, v6  }
0xd0: {  	[tilespmem:s17+$0x8130] =	vst.add.f32.msk $0xffff, v7  }
0xd1: {  	[tilespmem:s17+$0x8140] =	vst.add.f32.msk $0xffff, v8  }
0xd2: {  	[tilespmem:s17+$0x8150] =	vst.add.f32.msk $0xffff, v9  }
0xd3: {  	[tilespmem:s17+$0x8160] =	vst.add.f32.msk $0xffff, v10  }
0xd4: {  	[tilespmem:s17+$0x8170] =	vst.add.f32.msk $0xffff, v11  }
0xd5: {  	[tilespmem:s17+$0x8500] =	vst.add.f32.msk $0xffff, v12  }
0xd6: {  	[tilespmem:s17+$0x8510] =	vst.add.f32.msk $0xffff, v13  }
0xd7: {  	[tilespmem:s17+$0x8520] =	vst.add.f32.msk $0xffff, v14  }
0xd8: {  	[tilespmem:s17+$0x8530] =	vst.add.f32.msk $0xffff, v15  }
0xd9: {  	[tilespmem:s17+$0x8540] =	vst.add.f32.msk $0xffff, v16  }
0xda: {  	[tilespmem:s17+$0x8550] =	vst.add.f32.msk $0xffff, v17  }
0xdb: {  	[tilespmem:s17+$0x8560] =	vst.add.f32.msk $0xffff, v18  }
0xdc: {  	[tilespmem:s17+$0x8570] =	vst.add.f32.msk $0xffff, v19  }
0xdd: {  	[tilespmem:s17+$0x8900] =	vst.add.f32.msk $0xffff, v20  }
0xde: {  	[tilespmem:s17+$0x8910] =	vst.add.f32.msk $0xffff, v21  }
0xdf: {  	[tilespmem:s17+$0x8920] =	vst.add.f32.msk $0xffff, v22  }
0xe0: {  	[tilespmem:s17+$0x8930] =	vst.add.f32.msk $0xffff, v23  }
0xe1: {  	[tilespmem:s17+$0x8940] =	vst.add.f32.msk $0xffff, v24  }
0xe2: {  	[tilespmem:s17+$0x8950] =	vst.add.f32.msk $0xffff, v25  }
0xe3: {  	[tilespmem:s17+$0x8960] =	vst.add.f32.msk $0xffff, v26  }
0xe4: {  	[tilespmem:s17+$0x8970] =	vst.add.f32.msk $0xffff, v27  }
0xe5: {  	[tilespmem:s17+$0x8D00] =	vst.add.f32.msk $0xffff, v28  }
0xe6: {  	[tilespmem:s17+$0x8D10] =	vst.add.f32.msk $0xffff, v29  }
0xe7: {  	[tilespmem:s17+$0x8D20] =	vst.add.f32.msk $0xffff, v30  }
0xe8: {  	[tilespmem:s17+$0x8D30] =	vst.add.f32.msk $0xffff, v31  }
0xe9: {  	s23 =	simm.s32 $0x200;
	s14 =	simm.s32 $0x80;
	[tilespmem:s17+$0x8D40] =	vst.add.f32.msk $0xffff, v32  }
0xea: {  	s22 =	simm.s32 $0x400;
	s4 =	sand.u32 $0x7000, s23;
	s23 =	sand.u32 $0x380, s14;
	[tilespmem:s17+$0x8D50] =	vst.add.f32.msk $0xffff, v33  }
.LBB2_2:
0xeb: {  	p0 =	sne.s32 s22, $0x7E00;
	[tilespmem:s17+$0x8D60] =	vst.add.f32.msk $0xffff, v3;
	s17 =	sor.u32 s23, s4  }
0xec: {  	v3 =	vld [tilespmem:s17+$0xD70]  }
0xed: {  	v4 =	vld [tilespmem:s17+$0x100]  }
0xee: {  	v5 =	vld [tilespmem:s17+$0x110]  }
0xef: {  	v6 =	vld [tilespmem:s17+$0x120]  }
0xf0: {  	v7 =	vld [tilespmem:s17+$0x130]  }
0xf1: {  	[tilespmem:s17+$0x8D70] =	vst.add.f32.msk $0xffff, v3  }
0xf2: {  	v8 =	vld [tilespmem:s17+$0x140]  }
0xf3: {  	v9 =	vld [tilespmem:s17+$0x150]  }
0xf4: {  	v10 =	vld [tilespmem:s17+$0x160]  }
0xf5: {  	v11 =	vld [tilespmem:s17+$0x170]  }
0xf6: {  	v12 =	vld [tilespmem:s17+$0x500]  }
0xf7: {  	v13 =	vld [tilespmem:s17+$0x510]  }
0xf8: {  	v14 =	vld [tilespmem:s17+$0x520]  }
0xf9: {  	v15 =	vld [tilespmem:s17+$0x530]  }
0xfa: {  	v16 =	vld [tilespmem:s17+$0x540]  }
0xfb: {  	v17 =	vld [tilespmem:s17+$0x550]  }
0xfc: {  	v18 =	vld [tilespmem:s17+$0x560]  }
0xfd: {  	v19 =	vld [tilespmem:s17+$0x570]  }
0xfe: {  	v20 =	vld [tilespmem:s17+$0x900]  }
0xff: {  	v21 =	vld [tilespmem:s17+$0x910]  }
0x100: {  	v22 =	vld [tilespmem:s17+$0x920]  }
0x101: {  	v23 =	vld [tilespmem:s17+$0x930]  }
0x102: {  	v24 =	vld [tilespmem:s17+$0x940]  }
0x103: {  	v25 =	vld [tilespmem:s17+$0x950]  }
0x104: {  	v26 =	vld [tilespmem:s17+$0x960]  }
0x105: {  	v27 =	vld [tilespmem:s17+$0x970]  }
0x106: {  	v28 =	vld [tilespmem:s17+$0xD00]  }
0x107: {  	v29 =	vld [tilespmem:s17+$0xD10]  }
0x108: {  	v30 =	vld [tilespmem:s17+$0xD20]  }
0x109: {  	v31 =	vld [tilespmem:s17+$0xD30]  }
0x10a: {  	v32 =	vld [tilespmem:s17+$0xD40]  }
0x10b: {  	v33 =	vld [tilespmem:s17+$0xD50]  }
0x10c: {  	v3 =	vld [tilespmem:s17+$0xD60]  }
0x10d: {  	[tilespmem:s17+$0x8100] =	vst.add.f32.msk $0xffff, v4  }
0x10e: {  	[tilespmem:s17+$0x8110] =	vst.add.f32.msk $0xffff, v5  }
0x10f: {  	[tilespmem:s17+$0x8120] =	vst.add.f32.msk $0xffff, v6  }
0x110: {  	[tilespmem:s17+$0x8130] =	vst.add.f32.msk $0xffff, v7  }
0x111: {  	[tilespmem:s17+$0x8140] =	vst.add.f32.msk $0xffff, v8  }
0x112: {  	[tilespmem:s17+$0x8150] =	vst.add.f32.msk $0xffff, v9  }
0x113: {  	[tilespmem:s17+$0x8160] =	vst.add.f32.msk $0xffff, v10  }
0x114: {  	[tilespmem:s17+$0x8170] =	vst.add.f32.msk $0xffff, v11  }
0x115: {  	[tilespmem:s17+$0x8500] =	vst.add.f32.msk $0xffff, v12  }
0x116: {  	[tilespmem:s17+$0x8510] =	vst.add.f32.msk $0xffff, v13  }
0x117: {  	[tilespmem:s17+$0x8520] =	vst.add.f32.msk $0xffff, v14  }
0x118: {  	[tilespmem:s17+$0x8530] =	vst.add.f32.msk $0xffff, v15  }
0x119: {  	[tilespmem:s17+$0x8540] =	vst.add.f32.msk $0xffff, v16  }
0x11a: {  	[tilespmem:s17+$0x8550] =	vst.add.f32.msk $0xffff, v17  }
0x11b: {  	[tilespmem:s17+$0x8560] =	vst.add.f32.msk $0xffff, v18  }
0x11c: {  	[tilespmem:s17+$0x8570] =	vst.add.f32.msk $0xffff, v19  }
0x11d: {  	[tilespmem:s17+$0x8900] =	vst.add.f32.msk $0xffff, v20  }
0x11e: {  	[tilespmem:s17+$0x8910] =	vst.add.f32.msk $0xffff, v21  }
0x11f: {  	[tilespmem:s17+$0x8920] =	vst.add.f32.msk $0xffff, v22  }
0x120: {  	[tilespmem:s17+$0x8930] =	vst.add.f32.msk $0xffff, v23  }
0x121: {  	[tilespmem:s17+$0x8940] =	vst.add.f32.msk $0xffff, v24  }
0x122: {  	[tilespmem:s17+$0x8950] =	vst.add.f32.msk $0xffff, v25  }
0x123: {  	[tilespmem:s17+$0x8960] =	vst.add.f32.msk $0xffff, v26  }
0x124: {  	[tilespmem:s17+$0x8970] =	vst.add.f32.msk $0xffff, v27  }
0x125: {  	[tilespmem:s17+$0x8D00] =	vst.add.f32.msk $0xffff, v28  }
.Ltmp0:
0x126: {  	[tilespmem:s17+$0x8D10] =	vst.add.f32.msk $0xffff, v29;
	(pc) =	sbr.rel @p0 .LBB2_2-.Ltmp0, $4  }
0x127: {  	[tilespmem:s17+$0x8D20] =	vst.add.f32.msk $0xffff, v30  }
0x128: {  	[tilespmem:s17+$0x8D30] =	vst.add.f32.msk $0xffff, v31  }
0x129: {  	s14 =	sadd.s32 $0x80, s14;
	[tilespmem:s17+$0x8D40] =	vst.add.f32.msk $0xffff, v32  }
0x12a: {  	s4 =	sand.u32 $0x7000, s22;
	s22 =	sadd.s32 $0x200, s22;
	s23 =	sand.u32 $0x380, s14;
	[tilespmem:s17+$0x8D50] =	vst.add.f32.msk $0xffff, v33  }
0x12b: {  	s14 =	sor.u32 s23, s4;
	[tilespmem:s17+$0x8D60] =	vst.add.f32.msk $0xffff, v3  }
0x12c: {  	v3 =	vld [tilespmem:s14+$0xD70]  }
0x12d: {  	v4 =	vld [tilespmem:s14+$0x100]  }
0x12e: {  	v5 =	vld [tilespmem:s14+$0x110]  }
0x12f: {  	v6 =	vld [tilespmem:s14+$0x120]  }
0x130: {  	v7 =	vld [tilespmem:s14+$0x130]  }
0x131: {  	v8 =	vld [tilespmem:s14+$0x150]  }
0x132: {  	v9 =	vld [tilespmem:s14+$0x160]  }
0x133: {  	v10 =	vld [tilespmem:s14+$0x170]  }
0x134: {  	v11 =	vld [tilespmem:s14+$0x500]  }
0x135: {  	v12 =	vld [tilespmem:s14+$0x510]  }
0x136: {  	v13 =	vld [tilespmem:s14+$0x520]  }
0x137: {  	v14 =	vld [tilespmem:s14+$0x530]  }
0x138: {  	v15 =	vld [tilespmem:s14+$0x540]  }
0x139: {  	v16 =	vld [tilespmem:s14+$0x550]  }
0x13a: {  	v17 =	vld [tilespmem:s14+$0x560]  }
0x13b: {  	v18 =	vld [tilespmem:s14+$0x570]  }
0x13c: {  	v19 =	vld [tilespmem:s14+$0x900]  }
0x13d: {  	v20 =	vld [tilespmem:s14+$0x910]  }
0x13e: {  	v21 =	vld [tilespmem:s14+$0x920]  }
0x13f: {  	v22 =	vld [tilespmem:s14+$0x930]  }
0x140: {  	v23 =	vld [tilespmem:s14+$0x940]  }
0x141: {  	v24 =	vld [tilespmem:s14+$0x950]  }
0x142: {  	v25 =	vld [tilespmem:s14+$0x960]  }
0x143: {  	v26 =	vld [tilespmem:s14+$0x970]  }
0x144: {  	v27 =	vld [tilespmem:s14+$0xD00]  }
0x145: {  	v28 =	vld [tilespmem:s14+$0xD10]  }
0x146: {  	v29 =	vld [tilespmem:s14+$0xD20]  }
0x147: {  	v30 =	vld [tilespmem:s14+$0xD30]  }
0x148: {  	v31 =	vld [tilespmem:s14+$0xD40]  }
0x149: {  	v32 =	vld [tilespmem:s14+$0xD50]  }
0x14a: {  	v33 =	vld [tilespmem:s14+$0xD60]  }
0x14b: {  	[tilespmem:s14+$0x8D70] =	vst.add.f32.msk $0xffff, v3  }
0x14c: {  	v3 =	vld [tilespmem:s14+$0x140]  }
0x14d: {  	[tilespmem:s14+$0x8100] =	vst.add.f32.msk $0xffff, v4  }
0x14e: {  	[tilespmem:s14+$0x8110] =	vst.add.f32.msk $0xffff, v5  }
0x14f: {  	[tilespmem:s14+$0x8120] =	vst.add.f32.msk $0xffff, v6  }
0x150: {  	[tilespmem:s14+$0x8130] =	vst.add.f32.msk $0xffff, v7  }
0x151: {  	[tilespmem:s14+$0x8150] =	vst.add.f32.msk $0xffff, v8  }
0x152: {  	[tilespmem:s14+$0x8160] =	vst.add.f32.msk $0xffff, v9  }
0x153: {  	[tilespmem:s14+$0x8170] =	vst.add.f32.msk $0xffff, v10  }
0x154: {  	[tilespmem:s14+$0x8500] =	vst.add.f32.msk $0xffff, v11  }
0x155: {  	[tilespmem:s14+$0x8510] =	vst.add.f32.msk $0xffff, v12  }
0x156: {  	[tilespmem:s14+$0x8520] =	vst.add.f32.msk $0xffff, v13  }
0x157: {  	[tilespmem:s14+$0x8530] =	vst.add.f32.msk $0xffff, v14  }
0x158: {  	[tilespmem:s14+$0x8540] =	vst.add.f32.msk $0xffff, v15  }
0x159: {  	[tilespmem:s14+$0x8550] =	vst.add.f32.msk $0xffff, v16  }
0x15a: {  	[tilespmem:s14+$0x8560] =	vst.add.f32.msk $0xffff, v17  }
0x15b: {  	[tilespmem:s14+$0x8570] =	vst.add.f32.msk $0xffff, v18  }
0x15c: {  	[tilespmem:s14+$0x8900] =	vst.add.f32.msk $0xffff, v19  }
0x15d: {  	[tilespmem:s14+$0x8910] =	vst.add.f32.msk $0xffff, v20  }
0x15e: {  	[tilespmem:s14+$0x8920] =	vst.add.f32.msk $0xffff, v21  }
0x15f: {  	[tilespmem:s14+$0x8930] =	vst.add.f32.msk $0xffff, v22  }
0x160: {  	[tilespmem:s14+$0x8940] =	vst.add.f32.msk $0xffff, v23  }
0x161: {  	[tilespmem:s14+$0x8950] =	vst.add.f32.msk $0xffff, v24  }
0x162: {  	[tilespmem:s14+$0x8960] =	vst.add.f32.msk $0xffff, v25  }
0x163: {  	[tilespmem:s14+$0x8970] =	vst.add.f32.msk $0xffff, v26  }
0x164: {  	[tilespmem:s14+$0x8D00] =	vst.add.f32.msk $0xffff, v27  }
0x165: {  	[tilespmem:s14+$0x8D10] =	vst.add.f32.msk $0xffff, v28  }
0x166: {  	[tilespmem:s14+$0x8D20] =	vst.add.f32.msk $0xffff, v29  }
0x167: {  	[tilespmem:s14+$0x8D30] =	vst.add.f32.msk $0xffff, v30  }
0x168: {  	[tilespmem:s14+$0x8D40] =	vst.add.f32.msk $0xffff, v31  }
0x169: {  	[tilespmem:s14+$0x8D50] =	vst.add.f32.msk $0xffff, v32  }
0x16a: {  	[tilespmem:s14+$0x8D60] =	vst.add.f32.msk $0xffff, v33  }
0x16b: {  	s4 =	simm.s32 $0x0;
	[tilespmem:s14+$0x8140] =	vst.add.f32.msk $0xffff, v3  }
0x16c: {  	[hbm4b:s9+s4] =	stream.linear.scatter [tilespmem:s20], [sflag:$0x5], $0x8000, $0x38;
	[tilespmem:$0x18100] =	vst v63  }
0x16d: {  	_ =	swait.ge [sflag:s15], $0x8000  }
0x16e: {  	[sflag:s15] =	ssyncset.done $0x0  }
0x16f: {  	[sflag:s15] =	ssyncadd.s32 $0xFFFF8000  }
0x170: {  	v3 =	vld [tilespmem:$0x80];
	_ =	sdelay $0x4  }
0x171: {  	v4 =	vshll.u32 v3, $0x2  }
0x172: {  	v3 =	vand.u32 $0x7, v3;
	v4 =	vand.u32 $0xFFFFFFE0, v4  }
0x173: {  	v3 =	vor.u32 v3, v4  }
0x174: {  	v4 =	vperm.xlane v3, v0;
	_ =	sdelay $0x1  }
0x175: {  	v4 =	vadd.s32 v1, v4;
	_ =	sdelay $0x1  }
0x176: {  	v3 =	vperm.xlane v3, v2;
	_ =	sdelay $0x1  }
0x177: {  	v3 =	vadd.s32 v1, v3  }
0x178: {  	[tilespmem:s20], [sflag:$0x3] =	stream.indirect_vreg.gather [hbm4b:s1+s4], $0x80, v4, vm0, $0xb8;
	[tilespmem:$0x18100] =	vst v63  }
0x179: {  	s22 =	simm.s32 $0x8900  }
0x17a: {  	[tilespmem:s22], [sflag:$0x3] =	stream.indirect_vreg.gather [hbm4b:s10+s4], $0x80, v4, vm0, $0xb8;
	[tilespmem:$0x18100] =	vst v63  }
0x17b: {  	s23 =	simm.s32 $0x9100  }
0x17c: {  	[tilespmem:s23], [sflag:$0x3] =	stream.indirect_vreg.gather [hbm4b:s1+s4], $0x80, v3, vm0, $0xb8;
	[tilespmem:$0x18100] =	vst v63  }
0x17d: {  	s17 =	simm.s32 $0x9900  }
0x17e: {  	[tilespmem:s17], [sflag:$0x3] =	stream.indirect_vreg.gather [hbm4b:s10+s4], $0x80, v3, vm0, $0xb8;
	[tilespmem:$0x18100] =	vst v63  }
0x17f: {  	v3 =	vld [tilespmem:$0x90];
	_ =	sdelay $0x4  }
0x180: {  	v4 =	vshll.u32 v3, $0x2  }
0x181: {  	v3 =	vand.u32 $0x7, v3;
	v4 =	vand.u32 $0xFFFFFFE0, v4  }
0x182: {  	v3 =	vor.u32 v3, v4  }
0x183: {  	v4 =	vperm.xlane v3, v0;
	_ =	sdelay $0x1  }
0x184: {  	v4 =	vadd.s32 v1, v4;
	_ =	sdelay $0x1  }
0x185: {  	v3 =	vperm.xlane v3, v2;
	_ =	sdelay $0x1  }
0x186: {  	s22 =	simm.s32 $0xA100;
	v3 =	vadd.s32 v1, v3  }
0x187: {  	[tilespmem:s22], [sflag:$0x3] =	stream.indirect_vreg.gather [hbm4b:s1+s4], $0x80, v4, vm0, $0xb8;
	[tilespmem:$0x18100] =	vst v63  }
0x188: {  	s23 =	simm.s32 $0xA900  }
0x189: {  	[tilespmem:s23], [sflag:$0x3] =	stream.indirect_vreg.gather [hbm4b:s10+s4], $0x80, v4, vm0, $0xb8;
	[tilespmem:$0x18100] =	vst v63  }
0x18a: {  	s17 =	simm.s32 $0xB100  }
0x18b: {  	[tilespmem:s17], [sflag:$0x3] =	stream.indirect_vreg.gather [hbm4b:s1+s4], $0x80, v3, vm0, $0xb8;
	[tilespmem:$0x18100] =	vst v63  }
0x18c: {  	s22 =	simm.s32 $0xB900  }
0x18d: {  	[tilespmem:s22], [sflag:$0x3] =	stream.indirect_vreg.gather [hbm4b:s10+s4], $0x80, v3, vm0, $0xb8;
	[tilespmem:$0x18100] =	vst v63  }
0x18e: {  	v3 =	vld [tilespmem:$0xA0];
	_ =	sdelay $0x4  }
0x18f: {  	v4 =	vshll.u32 v3, $0x2  }
0x190: {  	v3 =	vand.u32 $0x7, v3;
	v4 =	vand.u32 $0xFFFFFFE0, v4  }
0x191: {  	v3 =	vor.u32 v3, v4  }
0x192: {  	v4 =	vperm.xlane v3, v0;
	_ =	sdelay $0x1  }
0x193: {  	v4 =	vadd.s32 v1, v4;
	_ =	sdelay $0x1  }
0x194: {  	v3 =	vperm.xlane v3, v2;
	_ =	sdelay $0x1  }
0x195: {  	s23 =	simm.s32 $0xC100;
	v3 =	vadd.s32 v1, v3  }
0x196: {  	[tilespmem:s23], [sflag:$0x3] =	stream.indirect_vreg.gather [hbm4b:s1+s4], $0x80, v4, vm0, $0xb8;
	[tilespmem:$0x18100] =	vst v63  }
0x197: {  	s17 =	simm.s32 $0xC900  }
0x198: {  	[tilespmem:s17], [sflag:$0x3] =	stream.indirect_vreg.gather [hbm4b:s10+s4], $0x80, v4, vm0, $0xb8;
	[tilespmem:$0x18100] =	vst v63  }
0x199: {  	s22 =	simm.s32 $0xD100  }
0x19a: {  	[tilespmem:s22], [sflag:$0x3] =	stream.indirect_vreg.gather [hbm4b:s1+s4], $0x80, v3, vm0, $0xb8;
	[tilespmem:$0x18100] =	vst v63  }
0x19b: {  	s23 =	simm.s32 $0xD900  }
0x19c: {  	[tilespmem:s23], [sflag:$0x3] =	stream.indirect_vreg.gather [hbm4b:s10+s4], $0x80, v3, vm0, $0xb8;
	[tilespmem:$0x18100] =	vst v63  }
0x19d: {  	v3 =	vld [tilespmem:$0xB0];
	_ =	sdelay $0x4  }
0x19e: {  	v4 =	vshll.u32 v3, $0x2  }
0x19f: {  	v3 =	vand.u32 $0x7, v3;
	v4 =	vand.u32 $0xFFFFFFE0, v4  }
0x1a0: {  	v3 =	vor.u32 v3, v4  }
0x1a1: {  	v4 =	vperm.xlane v3, v0;
	_ =	sdelay $0x1  }
0x1a2: {  	v4 =	vadd.s32 v1, v4;
	_ =	sdelay $0x1  }
0x1a3: {  	v3 =	vperm.xlane v3, v2;
	_ =	sdelay $0x1  }
0x1a4: {  	s17 =	simm.s32 $0xE100;
	v3 =	vadd.s32 v1, v3  }
0x1a5: {  	[tilespmem:s17], [sflag:$0x3] =	stream.indirect_vreg.gather [hbm4b:s1+s4], $0x80, v4, vm0, $0xb8;
	[tilespmem:$0x18100] =	vst v63  }
0x1a6: {  	s22 =	simm.s32 $0xE900  }
0x1a7: {  	[tilespmem:s22], [sflag:$0x3] =	stream.indirect_vreg.gather [hbm4b:s10+s4], $0x80, v4, vm0, $0xb8;
	[tilespmem:$0x18100] =	vst v63  }
0x1a8: {  	s23 =	simm.s32 $0xF100  }
0x1a9: {  	[tilespmem:s23], [sflag:$0x3] =	stream.indirect_vreg.gather [hbm4b:s1+s4], $0x80, v3, vm0, $0xb8;
	[tilespmem:$0x18100] =	vst v63  }
0x1aa: {  	s17 =	simm.s32 $0xF900  }
0x1ab: {  	[tilespmem:s17], [sflag:$0x3] =	stream.indirect_vreg.gather [hbm4b:s10+s4], $0x80, v3, vm0, $0xb8;
	[tilespmem:$0x18100] =	vst v63  }
0x1ac: {  	_ =	swait.ge [sflag:s12], $0x8000  }
0x1ad: {  	s22 =	sand.u32 $0x7000, s4;
	s4 =	sand.u32 $0x380, s4;
	[sflag:s12] =	ssyncset.done $0x0  }
0x1ae: {  	s17 =	sor.u32 s4, s22;
	[sflag:s12] =	ssyncadd.s32 $0xFFFF8000  }
0x1af: {  	v3 =	vld [tilespmem:s17+$0xD70]  }
0x1b0: {  	v4 =	vld [tilespmem:s17+$0x100]  }
0x1b1: {  	v5 =	vld [tilespmem:s17+$0x110]  }
0x1b2: {  	v36 =	vld [tilespmem:s17+$0x120]  }
0x1b3: {  	v37 =	vld [tilespmem:s17+$0x130]  }
0x1b4: {  	v38 =	vld [tilespmem:s17+$0x140]  }
0x1b5: {  	v39 =	vld [tilespmem:s17+$0x150]  }
0x1b6: {  	v40 =	vld [tilespmem:s17+$0x160]  }
0x1b7: {  	v41 =	vld [tilespmem:s17+$0x170]  }
0x1b8: {  	v42 =	vld [tilespmem:s17+$0x500]  }
0x1b9: {  	v43 =	vld [tilespmem:s17+$0x510]  }
0x1ba: {  	v44 =	vld [tilespmem:s17+$0x520]  }
0x1bb: {  	v45 =	vld [tilespmem:s17+$0x530]  }
0x1bc: {  	v46 =	vld [tilespmem:s17+$0x540]  }
0x1bd: {  	v47 =	vld [tilespmem:s17+$0x550]  }
0x1be: {  	v48 =	vld [tilespmem:s17+$0x560]  }
0x1bf: {  	v49 =	vld [tilespmem:s17+$0x570]  }
0x1c0: {  	v50 =	vld [tilespmem:s17+$0x900]  }
0x1c1: {  	v51 =	vld [tilespmem:s17+$0x910]  }
0x1c2: {  	v52 =	vld [tilespmem:s17+$0x920]  }
0x1c3: {  	v53 =	vld [tilespmem:s17+$0x930]  }
0x1c4: {  	v54 =	vld [tilespmem:s17+$0x940]  }
0x1c5: {  	v55 =	vld [tilespmem:s17+$0x950]  }
0x1c6: {  	v56 =	vld [tilespmem:s17+$0x960]  }
0x1c7: {  	v57 =	vld [tilespmem:s17+$0x970]  }
0x1c8: {  	v58 =	vld [tilespmem:s17+$0xD00]  }
0x1c9: {  	v59 =	vld [tilespmem:s17+$0xD10]  }
0x1ca: {  	v60 =	vld [tilespmem:s17+$0xD20]  }
0x1cb: {  	v61 =	vld [tilespmem:s17+$0xD30]  }
0x1cc: {  	v62 =	vld [tilespmem:s17+$0xD40]  }
0x1cd: {  	v63 =	vld [tilespmem:s17+$0xD50]  }
0x1ce: {  	[tilespmem:s17+$0x10D70] =	vst.add.f32.msk $0xffff, v3  }
0x1cf: {  	v3 =	vld [tilespmem:s17+$0xD60]  }
0x1d0: {  	[tilespmem:s17+$0x10100] =	vst.add.f32.msk $0xffff, v4  }
0x1d1: {  	[tilespmem:s17+$0x10110] =	vst.add.f32.msk $0xffff, v5  }
0x1d2: {  	[tilespmem:s17+$0x10120] =	vst.add.f32.msk $0xffff, v36  }
0x1d3: {  	[tilespmem:s17+$0x10130] =	vst.add.f32.msk $0xffff, v37  }
0x1d4: {  	[tilespmem:s17+$0x10140] =	vst.add.f32.msk $0xffff, v38  }
0x1d5: {  	[tilespmem:s17+$0x10150] =	vst.add.f32.msk $0xffff, v39  }
0x1d6: {  	[tilespmem:s17+$0x10160] =	vst.add.f32.msk $0xffff, v40  }
0x1d7: {  	[tilespmem:s17+$0x10170] =	vst.add.f32.msk $0xffff, v41  }
0x1d8: {  	[tilespmem:s17+$0x10500] =	vst.add.f32.msk $0xffff, v42  }
0x1d9: {  	[tilespmem:s17+$0x10510] =	vst.add.f32.msk $0xffff, v43  }
0x1da: {  	[tilespmem:s17+$0x10520] =	vst.add.f32.msk $0xffff, v44  }
0x1db: {  	[tilespmem:s17+$0x10530] =	vst.add.f32.msk $0xffff, v45  }
0x1dc: {  	[tilespmem:s17+$0x10540] =	vst.add.f32.msk $0xffff, v46  }
0x1dd: {  	[tilespmem:s17+$0x10550] =	vst.add.f32.msk $0xffff, v47  }
0x1de: {  	[tilespmem:s17+$0x10560] =	vst.add.f32.msk $0xffff, v48  }
0x1df: {  	[tilespmem:s17+$0x10570] =	vst.add.f32.msk $0xffff, v49  }
0x1e0: {  	[tilespmem:s17+$0x10900] =	vst.add.f32.msk $0xffff, v50  }
0x1e1: {  	[tilespmem:s17+$0x10910] =	vst.add.f32.msk $0xffff, v51  }
0x1e2: {  	[tilespmem:s17+$0x10920] =	vst.add.f32.msk $0xffff, v52  }
0x1e3: {  	[tilespmem:s17+$0x10930] =	vst.add.f32.msk $0xffff, v53  }
0x1e4: {  	[tilespmem:s17+$0x10940] =	vst.add.f32.msk $0xffff, v54  }
0x1e5: {  	[tilespmem:s17+$0x10950] =	vst.add.f32.msk $0xffff, v55  }
0x1e6: {  	[tilespmem:s17+$0x10960] =	vst.add.f32.msk $0xffff, v56  }
0x1e7: {  	[tilespmem:s17+$0x10970] =	vst.add.f32.msk $0xffff, v57  }
0x1e8: {  	[tilespmem:s17+$0x10D00] =	vst.add.f32.msk $0xffff, v58  }
0x1e9: {  	[tilespmem:s17+$0x10D10] =	vst.add.f32.msk $0xffff, v59  }
0x1ea: {  	[tilespmem:s17+$0x10D20] =	vst.add.f32.msk $0xffff, v60  }
0x1eb: {  	[tilespmem:s17+$0x10D30] =	vst.add.f32.msk $0xffff, v61  }
0x1ec: {  	s14 =	simm.s32 $0x80;
	s23 =	simm.s32 $0x200;
	[tilespmem:s17+$0x10D40] =	vst.add.f32.msk $0xffff, v62  }
0x1ed: {  	s4 =	sand.u32 $0x7000, s23;
	s23 =	sand.u32 $0x380, s14;
	s22 =	simm.s32 $0x400;
	[tilespmem:s17+$0x10D50] =	vst.add.f32.msk $0xffff, v63  }
.LBB2_4:
0x1ee: {  	p0 =	sne.s32 s22, $0x7E00;
	[tilespmem:s17+$0x10D60] =	vst.add.f32.msk $0xffff, v3;
	s17 =	sor.u32 s23, s4  }
0x1ef: {  	v3 =	vld [tilespmem:s17+$0xD70]  }
0x1f0: {  	v4 =	vld [tilespmem:s17+$0x100]  }
0x1f1: {  	v5 =	vld [tilespmem:s17+$0x110]  }
0x1f2: {  	v6 =	vld [tilespmem:s17+$0x120]  }
0x1f3: {  	v7 =	vld [tilespmem:s17+$0x130]  }
0x1f4: {  	[tilespmem:s17+$0x10D70] =	vst.add.f32.msk $0xffff, v3  }
0x1f5: {  	v8 =	vld [tilespmem:s17+$0x140]  }
0x1f6: {  	v9 =	vld [tilespmem:s17+$0x150]  }
0x1f7: {  	v10 =	vld [tilespmem:s17+$0x160]  }
0x1f8: {  	v11 =	vld [tilespmem:s17+$0x170]  }
0x1f9: {  	v12 =	vld [tilespmem:s17+$0x500]  }
0x1fa: {  	v13 =	vld [tilespmem:s17+$0x510]  }
0x1fb: {  	v14 =	vld [tilespmem:s17+$0x520]  }
0x1fc: {  	v15 =	vld [tilespmem:s17+$0x530]  }
0x1fd: {  	v16 =	vld [tilespmem:s17+$0x540]  }
0x1fe: {  	v17 =	vld [tilespmem:s17+$0x550]  }
0x1ff: {  	v18 =	vld [tilespmem:s17+$0x560]  }
0x200: {  	v19 =	vld [tilespmem:s17+$0x570]  }
0x201: {  	v20 =	vld [tilespmem:s17+$0x900]  }
0x202: {  	v21 =	vld [tilespmem:s17+$0x910]  }
0x203: {  	v22 =	vld [tilespmem:s17+$0x920]  }
0x204: {  	v23 =	vld [tilespmem:s17+$0x930]  }
0x205: {  	v24 =	vld [tilespmem:s17+$0x940]  }
0x206: {  	v25 =	vld [tilespmem:s17+$0x950]  }
0x207: {  	v26 =	vld [tilespmem:s17+$0x960]  }
0x208: {  	v27 =	vld [tilespmem:s17+$0x970]  }
0x209: {  	v28 =	vld [tilespmem:s17+$0xD00]  }
0x20a: {  	v29 =	vld [tilespmem:s17+$0xD10]  }
0x20b: {  	v30 =	vld [tilespmem:s17+$0xD20]  }
0x20c: {  	v31 =	vld [tilespmem:s17+$0xD30]  }
0x20d: {  	v32 =	vld [tilespmem:s17+$0xD40]  }
0x20e: {  	v33 =	vld [tilespmem:s17+$0xD50]  }
0x20f: {  	v3 =	vld [tilespmem:s17+$0xD60]  }
0x210: {  	[tilespmem:s17+$0x10100] =	vst.add.f32.msk $0xffff, v4  }
0x211: {  	[tilespmem:s17+$0x10110] =	vst.add.f32.msk $0xffff, v5  }
0x212: {  	[tilespmem:s17+$0x10120] =	vst.add.f32.msk $0xffff, v6  }
0x213: {  	[tilespmem:s17+$0x10130] =	vst.add.f32.msk $0xffff, v7  }
0x214: {  	[tilespmem:s17+$0x10140] =	vst.add.f32.msk $0xffff, v8  }
0x215: {  	[tilespmem:s17+$0x10150] =	vst.add.f32.msk $0xffff, v9  }
0x216: {  	[tilespmem:s17+$0x10160] =	vst.add.f32.msk $0xffff, v10  }
0x217: {  	[tilespmem:s17+$0x10170] =	vst.add.f32.msk $0xffff, v11  }
0x218: {  	[tilespmem:s17+$0x10500] =	vst.add.f32.msk $0xffff, v12  }
0x219: {  	[tilespmem:s17+$0x10510] =	vst.add.f32.msk $0xffff, v13  }
0x21a: {  	[tilespmem:s17+$0x10520] =	vst.add.f32.msk $0xffff, v14  }
0x21b: {  	[tilespmem:s17+$0x10530] =	vst.add.f32.msk $0xffff, v15  }
0x21c: {  	[tilespmem:s17+$0x10540] =	vst.add.f32.msk $0xffff, v16  }
0x21d: {  	[tilespmem:s17+$0x10550] =	vst.add.f32.msk $0xffff, v17  }
0x21e: {  	[tilespmem:s17+$0x10560] =	vst.add.f32.msk $0xffff, v18  }
0x21f: {  	[tilespmem:s17+$0x10570] =	vst.add.f32.msk $0xffff, v19  }
0x220: {  	[tilespmem:s17+$0x10900] =	vst.add.f32.msk $0xffff, v20  }
0x221: {  	[tilespmem:s17+$0x10910] =	vst.add.f32.msk $0xffff, v21  }
0x222: {  	[tilespmem:s17+$0x10920] =	vst.add.f32.msk $0xffff, v22  }
0x223: {  	[tilespmem:s17+$0x10930] =	vst.add.f32.msk $0xffff, v23  }
0x224: {  	[tilespmem:s17+$0x10940] =	vst.add.f32.msk $0xffff, v24  }
0x225: {  	[tilespmem:s17+$0x10950] =	vst.add.f32.msk $0xffff, v25  }
0x226: {  	[tilespmem:s17+$0x10960] =	vst.add.f32.msk $0xffff, v26  }
0x227: {  	[tilespmem:s17+$0x10970] =	vst.add.f32.msk $0xffff, v27  }
0x228: {  	[tilespmem:s17+$0x10D00] =	vst.add.f32.msk $0xffff, v28  }
.Ltmp1:
0x229: {  	[tilespmem:s17+$0x10D10] =	vst.add.f32.msk $0xffff, v29;
	(pc) =	sbr.rel @p0 .LBB2_4-.Ltmp1, $4  }
0x22a: {  	[tilespmem:s17+$0x10D20] =	vst.add.f32.msk $0xffff, v30  }
0x22b: {  	[tilespmem:s17+$0x10D30] =	vst.add.f32.msk $0xffff, v31  }
0x22c: {  	s14 =	sadd.s32 $0x80, s14;
	[tilespmem:s17+$0x10D40] =	vst.add.f32.msk $0xffff, v32  }
0x22d: {  	s4 =	sand.u32 $0x7000, s22;
	s22 =	sadd.s32 $0x200, s22;
	s23 =	sand.u32 $0x380, s14;
	[tilespmem:s17+$0x10D50] =	vst.add.f32.msk $0xffff, v33  }
0x22e: {  	s14 =	sor.u32 s23, s4;
	[tilespmem:s17+$0x10D60] =	vst.add.f32.msk $0xffff, v3  }
0x22f: {  	v3 =	vld [tilespmem:s14+$0xD70]  }
0x230: {  	v4 =	vld [tilespmem:s14+$0x100]  }
0x231: {  	v5 =	vld [tilespmem:s14+$0x110]  }
0x232: {  	v6 =	vld [tilespmem:s14+$0x120]  }
0x233: {  	v7 =	vld [tilespmem:s14+$0x130]  }
0x234: {  	v8 =	vld [tilespmem:s14+$0x150]  }
0x235: {  	v9 =	vld [tilespmem:s14+$0x160]  }
0x236: {  	v10 =	vld [tilespmem:s14+$0x170]  }
0x237: {  	v11 =	vld [tilespmem:s14+$0x500]  }
0x238: {  	v12 =	vld [tilespmem:s14+$0x510]  }
0x239: {  	v13 =	vld [tilespmem:s14+$0x520]  }
0x23a: {  	v14 =	vld [tilespmem:s14+$0x530]  }
0x23b: {  	v15 =	vld [tilespmem:s14+$0x540]  }
0x23c: {  	v16 =	vld [tilespmem:s14+$0x550]  }
0x23d: {  	v17 =	vld [tilespmem:s14+$0x560]  }
0x23e: {  	v18 =	vld [tilespmem:s14+$0x570]  }
0x23f: {  	v19 =	vld [tilespmem:s14+$0x900]  }
0x240: {  	v20 =	vld [tilespmem:s14+$0x910]  }
0x241: {  	v21 =	vld [tilespmem:s14+$0x920]  }
0x242: {  	v22 =	vld [tilespmem:s14+$0x930]  }
0x243: {  	v23 =	vld [tilespmem:s14+$0x940]  }
0x244: {  	v24 =	vld [tilespmem:s14+$0x950]  }
0x245: {  	v25 =	vld [tilespmem:s14+$0x960]  }
0x246: {  	v26 =	vld [tilespmem:s14+$0x970]  }
0x247: {  	v27 =	vld [tilespmem:s14+$0xD00]  }
0x248: {  	v28 =	vld [tilespmem:s14+$0xD10]  }
0x249: {  	v29 =	vld [tilespmem:s14+$0xD20]  }
0x24a: {  	v30 =	vld [tilespmem:s14+$0xD30]  }
0x24b: {  	v31 =	vld [tilespmem:s14+$0xD40]  }
0x24c: {  	v32 =	vld [tilespmem:s14+$0xD50]  }
0x24d: {  	v33 =	vld [tilespmem:s14+$0xD60]  }
0x24e: {  	[tilespmem:s14+$0x10D70] =	vst.add.f32.msk $0xffff, v3  }
0x24f: {  	v3 =	vld [tilespmem:s14+$0x140]  }
0x250: {  	[tilespmem:s14+$0x10100] =	vst.add.f32.msk $0xffff, v4  }
0x251: {  	[tilespmem:s14+$0x10110] =	vst.add.f32.msk $0xffff, v5  }
0x252: {  	[tilespmem:s14+$0x10120] =	vst.add.f32.msk $0xffff, v6  }
0x253: {  	[tilespmem:s14+$0x10130] =	vst.add.f32.msk $0xffff, v7  }
0x254: {  	[tilespmem:s14+$0x10150] =	vst.add.f32.msk $0xffff, v8  }
0x255: {  	[tilespmem:s14+$0x10160] =	vst.add.f32.msk $0xffff, v9  }
0x256: {  	[tilespmem:s14+$0x10170] =	vst.add.f32.msk $0xffff, v10  }
0x257: {  	[tilespmem:s14+$0x10500] =	vst.add.f32.msk $0xffff, v11  }
0x258: {  	[tilespmem:s14+$0x10510] =	vst.add.f32.msk $0xffff, v12  }
0x259: {  	[tilespmem:s14+$0x10520] =	vst.add.f32.msk $0xffff, v13  }
0x25a: {  	[tilespmem:s14+$0x10530] =	vst.add.f32.msk $0xffff, v14  }
0x25b: {  	[tilespmem:s14+$0x10540] =	vst.add.f32.msk $0xffff, v15  }
0x25c: {  	[tilespmem:s14+$0x10550] =	vst.add.f32.msk $0xffff, v16  }
0x25d: {  	[tilespmem:s14+$0x10560] =	vst.add.f32.msk $0xffff, v17  }
0x25e: {  	[tilespmem:s14+$0x10570] =	vst.add.f32.msk $0xffff, v18  }
0x25f: {  	[tilespmem:s14+$0x10900] =	vst.add.f32.msk $0xffff, v19  }
0x260: {  	[tilespmem:s14+$0x10910] =	vst.add.f32.msk $0xffff, v20  }
0x261: {  	[tilespmem:s14+$0x10920] =	vst.add.f32.msk $0xffff, v21  }
0x262: {  	[tilespmem:s14+$0x10930] =	vst.add.f32.msk $0xffff, v22  }
0x263: {  	[tilespmem:s14+$0x10940] =	vst.add.f32.msk $0xffff, v23  }
0x264: {  	[tilespmem:s14+$0x10950] =	vst.add.f32.msk $0xffff, v24  }
0x265: {  	[tilespmem:s14+$0x10960] =	vst.add.f32.msk $0xffff, v25  }
0x266: {  	[tilespmem:s14+$0x10970] =	vst.add.f32.msk $0xffff, v26  }
0x267: {  	[tilespmem:s14+$0x10D00] =	vst.add.f32.msk $0xffff, v27  }
0x268: {  	[tilespmem:s14+$0x10D10] =	vst.add.f32.msk $0xffff, v28  }
0x269: {  	[tilespmem:s14+$0x10D20] =	vst.add.f32.msk $0xffff, v29  }
0x26a: {  	[tilespmem:s14+$0x10D30] =	vst.add.f32.msk $0xffff, v30  }
0x26b: {  	[tilespmem:s14+$0x10D40] =	vst.add.f32.msk $0xffff, v31  }
0x26c: {  	[tilespmem:s14+$0x10D50] =	vst.add.f32.msk $0xffff, v32  }
0x26d: {  	[tilespmem:s14+$0x10D60] =	vst.add.f32.msk $0xffff, v33  }
0x26e: {  	s4 =	simm.s32 $0x0;
	s17 =	rddreg [dreg:$0x9];
	[tilespmem:s14+$0x10140] =	vst.add.f32.msk $0xffff, v3  }
0x26f: {  	[hbm4b:s17+s4] =	stream.linear.scatter [tilespmem:s21], [sflag:$0x6], $0x8000, $0x38;
	[tilespmem:$0x18100] =	vst v63  }
0x270: {  	_ =	swait.ge [sflag:s16], $0x8000  }
0x271: {  	[sflag:s16] =	ssyncset.done $0x0  }
0x272: {  	[sflag:s16] =	ssyncadd.s32 $0xFFFF8000  }
0x273: {  	v3 =	vld [tilespmem:$0xC0];
	_ =	sdelay $0x4  }
0x274: {  	v4 =	vshll.u32 v3, $0x2  }
0x275: {  	v3 =	vand.u32 $0x7, v3;
	v4 =	vand.u32 $0xFFFFFFE0, v4  }
0x276: {  	v3 =	vor.u32 v3, v4  }
0x277: {  	v4 =	vperm.xlane v3, v0;
	_ =	sdelay $0x1  }
0x278: {  	v4 =	vadd.s32 v1, v4;
	_ =	sdelay $0x1  }
0x279: {  	v3 =	vperm.xlane v3, v2;
	_ =	sdelay $0x1  }
0x27a: {  	v3 =	vadd.s32 v1, v3  }
0x27b: {  	[tilespmem:s21], [sflag:$0x4] =	stream.indirect_vreg.gather [hbm4b:s1+s4], $0x80, v4, vm0, $0xb8;
	[tilespmem:$0x18100] =	vst v63  }
0x27c: {  	s22 =	simm.s32 $0x10900  }
0x27d: {  	[tilespmem:s22], [sflag:$0x4] =	stream.indirect_vreg.gather [hbm4b:s10+s4], $0x80, v4, vm0, $0xb8;
	[tilespmem:$0x18100] =	vst v63  }
0x27e: {  	s23 =	simm.s32 $0x11100  }
0x27f: {  	[tilespmem:s23], [sflag:$0x4] =	stream.indirect_vreg.gather [hbm4b:s1+s4], $0x80, v3, vm0, $0xb8;
	[tilespmem:$0x18100] =	vst v63  }
0x280: {  	s17 =	simm.s32 $0x11900  }
0x281: {  	[tilespmem:s17], [sflag:$0x4] =	stream.indirect_vreg.gather [hbm4b:s10+s4], $0x80, v3, vm0, $0xb8;
	[tilespmem:$0x18100] =	vst v63  }
0x282: {  	v3 =	vld [tilespmem:$0xD0];
	_ =	sdelay $0x4  }
0x283: {  	v4 =	vshll.u32 v3, $0x2  }
0x284: {  	v3 =	vand.u32 $0x7, v3;
	v4 =	vand.u32 $0xFFFFFFE0, v4  }
0x285: {  	v3 =	vor.u32 v3, v4  }
0x286: {  	v4 =	vperm.xlane v3, v0;
	_ =	sdelay $0x1  }
0x287: {  	v4 =	vadd.s32 v1, v4;
	_ =	sdelay $0x1  }
0x288: {  	v3 =	vperm.xlane v3, v2;
	_ =	sdelay $0x1  }
0x289: {  	v3 =	vadd.s32 v1, v3  }
0x28a: {  	[tilespmem:s24], [sflag:$0x4] =	stream.indirect_vreg.gather [hbm4b:s1+s4], $0x80, v4, vm0, $0xb8;
	[tilespmem:$0x18100] =	vst v63  }
0x28b: {  	_ = 	snop  }
0x28c: {  	[tilespmem:s25], [sflag:$0x4] =	stream.indirect_vreg.gather [hbm4b:s10+s4], $0x80, v4, vm0, $0xb8;
	[tilespmem:$0x18100] =	vst v63  }
0x28d: {  	_ = 	snop  }
0x28e: {  	[tilespmem:s6], [sflag:$0x4] =	stream.indirect_vreg.gather [hbm4b:s1+s4], $0x80, v3, vm0, $0xb8;
	[tilespmem:$0x18100] =	vst v63  }
0x28f: {  	_ = 	snop  }
0x290: {  	[tilespmem:s26], [sflag:$0x4] =	stream.indirect_vreg.gather [hbm4b:s10+s4], $0x80, v3, vm0, $0xb8;
	[tilespmem:$0x18100] =	vst v63  }
0x291: {  	v3 =	vld [tilespmem:$0xE0];
	_ =	sdelay $0x4  }
0x292: {  	v4 =	vshll.u32 v3, $0x2  }
0x293: {  	v3 =	vand.u32 $0x7, v3;
	v4 =	vand.u32 $0xFFFFFFE0, v4  }
0x294: {  	v3 =	vor.u32 v3, v4  }
0x295: {  	v4 =	vperm.xlane v3, v0;
	_ =	sdelay $0x1  }
0x296: {  	v4 =	vadd.s32 v1, v4;
	_ =	sdelay $0x1  }
0x297: {  	v3 =	vperm.xlane v3, v2;
	_ =	sdelay $0x1  }
0x298: {  	v3 =	vadd.s32 v1, v3  }
0x299: {  	[tilespmem:s28], [sflag:$0x4] =	stream.indirect_vreg.gather [hbm4b:s1+s4], $0x80, v4, vm0, $0xb8;
	[tilespmem:$0x18100] =	vst v63  }
0x29a: {  	_ = 	snop  }
0x29b: {  	[tilespmem:s29], [sflag:$0x4] =	stream.indirect_vreg.gather [hbm4b:s10+s4], $0x80, v4, vm0, $0xb8;
	[tilespmem:$0x18100] =	vst v63  }
0x29c: {  	_ = 	snop  }
0x29d: {  	[tilespmem:s7], [sflag:$0x4] =	stream.indirect_vreg.gather [hbm4b:s1+s4], $0x80, v3, vm0, $0xb8;
	[tilespmem:$0x18100] =	vst v63  }
0x29e: {  	_ = 	snop  }
0x29f: {  	[tilespmem:s30], [sflag:$0x4] =	stream.indirect_vreg.gather [hbm4b:s10+s4], $0x80, v3, vm0, $0xb8;
	[tilespmem:$0x18100] =	vst v63  }
0x2a0: {  	v3 =	vld [tilespmem:$0xF0];
	_ =	sdelay $0x4  }
0x2a1: {  	v4 =	vshll.u32 v3, $0x2  }
0x2a2: {  	v3 =	vand.u32 $0x7, v3;
	v4 =	vand.u32 $0xFFFFFFE0, v4  }
0x2a3: {  	v3 =	vor.u32 v3, v4  }
0x2a4: {  	v4 =	vperm.xlane v3, v0;
	_ =	sdelay $0x1  }
0x2a5: {  	v4 =	vadd.s32 v1, v4;
	_ =	sdelay $0x1  }
0x2a6: {  	v3 =	vperm.xlane v3, v2;
	_ =	sdelay $0x1  }
0x2a7: {  	v3 =	vadd.s32 v1, v3  }
0x2a8: {  	[tilespmem:s8], [sflag:$0x4] =	stream.indirect_vreg.gather [hbm4b:s1+s4], $0x80, v4, vm0, $0xb8;
	[tilespmem:$0x18100] =	vst v63  }
0x2a9: {  	_ = 	snop  }
0x2aa: {  	[tilespmem:s31], [sflag:$0x4] =	stream.indirect_vreg.gather [hbm4b:s10+s4], $0x80, v4, vm0, $0xb8;
	[tilespmem:$0x18100] =	vst v63  }
0x2ab: {  	_ = 	snop  }
0x2ac: {  	[tilespmem:s2], [sflag:$0x4] =	stream.indirect_vreg.gather [hbm4b:s1+s4], $0x80, v3, vm0, $0xb8;
	[tilespmem:$0x18100] =	vst v63  }
0x2ad: {  	_ = 	snop  }
0x2ae: {  	[tilespmem:s0], [sflag:$0x4] =	stream.indirect_vreg.gather [hbm4b:s10+s4], $0x80, v3, vm0, $0xb8;
	[tilespmem:$0x18100] =	vst v63  }
0x2af: {  	_ =	swait.ge [sflag:s11], $0x8000  }
0x2b0: {  	s22 =	sand.u32 $0x7000, s4;
	s4 =	sand.u32 $0x380, s4;
	[sflag:s11] =	ssyncset.done $0x0  }
0x2b1: {  	s17 =	sor.u32 s4, s22;
	[sflag:s11] =	ssyncadd.s32 $0xFFFF8000  }
0x2b2: {  	v3 =	vld [tilespmem:s17+$0xD70]  }
0x2b3: {  	v4 =	vld [tilespmem:s17+$0x100]  }
0x2b4: {  	v5 =	vld [tilespmem:s17+$0x110]  }
0x2b5: {  	v36 =	vld [tilespmem:s17+$0x120]  }
0x2b6: {  	v37 =	vld [tilespmem:s17+$0x130]  }
0x2b7: {  	v38 =	vld [tilespmem:s17+$0x140]  }
0x2b8: {  	v39 =	vld [tilespmem:s17+$0x150]  }
0x2b9: {  	v40 =	vld [tilespmem:s17+$0x160]  }
0x2ba: {  	v41 =	vld [tilespmem:s17+$0x170]  }
0x2bb: {  	v42 =	vld [tilespmem:s17+$0x500]  }
0x2bc: {  	v43 =	vld [tilespmem:s17+$0x510]  }
0x2bd: {  	v44 =	vld [tilespmem:s17+$0x520]  }
0x2be: {  	v45 =	vld [tilespmem:s17+$0x530]  }
0x2bf: {  	v46 =	vld [tilespmem:s17+$0x540]  }
0x2c0: {  	v47 =	vld [tilespmem:s17+$0x550]  }
0x2c1: {  	v48 =	vld [tilespmem:s17+$0x560]  }
0x2c2: {  	v49 =	vld [tilespmem:s17+$0x570]  }
0x2c3: {  	v50 =	vld [tilespmem:s17+$0x900]  }
0x2c4: {  	v51 =	vld [tilespmem:s17+$0x910]  }
0x2c5: {  	v52 =	vld [tilespmem:s17+$0x920]  }
0x2c6: {  	v53 =	vld [tilespmem:s17+$0x930]  }
0x2c7: {  	v54 =	vld [tilespmem:s17+$0x940]  }
0x2c8: {  	v55 =	vld [tilespmem:s17+$0x950]  }
0x2c9: {  	v56 =	vld [tilespmem:s17+$0x960]  }
0x2ca: {  	v57 =	vld [tilespmem:s17+$0x970]  }
0x2cb: {  	v58 =	vld [tilespmem:s17+$0xD00]  }
0x2cc: {  	v59 =	vld [tilespmem:s17+$0xD10]  }
0x2cd: {  	v60 =	vld [tilespmem:s17+$0xD20]  }
0x2ce: {  	v61 =	vld [tilespmem:s17+$0xD30]  }
0x2cf: {  	v62 =	vld [tilespmem:s17+$0xD40]  }
0x2d0: {  	v63 =	vld [tilespmem:s17+$0xD50]  }
0x2d1: {  	[tilespmem:s17+$0x8D70] =	vst.add.f32.msk $0xffff, v3  }
0x2d2: {  	v3 =	vld [tilespmem:s17+$0xD60]  }
0x2d3: {  	[tilespmem:s17+$0x8100] =	vst.add.f32.msk $0xffff, v4  }
0x2d4: {  	[tilespmem:s17+$0x8110] =	vst.add.f32.msk $0xffff, v5  }
0x2d5: {  	[tilespmem:s17+$0x8120] =	vst.add.f32.msk $0xffff, v36  }
0x2d6: {  	[tilespmem:s17+$0x8130] =	vst.add.f32.msk $0xffff, v37  }
0x2d7: {  	[tilespmem:s17+$0x8140] =	vst.add.f32.msk $0xffff, v38  }
0x2d8: {  	[tilespmem:s17+$0x8150] =	vst.add.f32.msk $0xffff, v39  }
0x2d9: {  	[tilespmem:s17+$0x8160] =	vst.add.f32.msk $0xffff, v40  }
0x2da: {  	[tilespmem:s17+$0x8170] =	vst.add.f32.msk $0xffff, v41  }
0x2db: {  	[tilespmem:s17+$0x8500] =	vst.add.f32.msk $0xffff, v42  }
0x2dc: {  	[tilespmem:s17+$0x8510] =	vst.add.f32.msk $0xffff, v43  }
0x2dd: {  	[tilespmem:s17+$0x8520] =	vst.add.f32.msk $0xffff, v44  }
0x2de: {  	[tilespmem:s17+$0x8530] =	vst.add.f32.msk $0xffff, v45  }
0x2df: {  	[tilespmem:s17+$0x8540] =	vst.add.f32.msk $0xffff, v46  }
0x2e0: {  	[tilespmem:s17+$0x8550] =	vst.add.f32.msk $0xffff, v47  }
0x2e1: {  	[tilespmem:s17+$0x8560] =	vst.add.f32.msk $0xffff, v48  }
0x2e2: {  	[tilespmem:s17+$0x8570] =	vst.add.f32.msk $0xffff, v49  }
0x2e3: {  	[tilespmem:s17+$0x8900] =	vst.add.f32.msk $0xffff, v50  }
0x2e4: {  	[tilespmem:s17+$0x8910] =	vst.add.f32.msk $0xffff, v51  }
0x2e5: {  	[tilespmem:s17+$0x8920] =	vst.add.f32.msk $0xffff, v52  }
0x2e6: {  	[tilespmem:s17+$0x8930] =	vst.add.f32.msk $0xffff, v53  }
0x2e7: {  	[tilespmem:s17+$0x8940] =	vst.add.f32.msk $0xffff, v54  }
0x2e8: {  	[tilespmem:s17+$0x8950] =	vst.add.f32.msk $0xffff, v55  }
0x2e9: {  	[tilespmem:s17+$0x8960] =	vst.add.f32.msk $0xffff, v56  }
0x2ea: {  	[tilespmem:s17+$0x8970] =	vst.add.f32.msk $0xffff, v57  }
0x2eb: {  	[tilespmem:s17+$0x8D00] =	vst.add.f32.msk $0xffff, v58  }
0x2ec: {  	[tilespmem:s17+$0x8D10] =	vst.add.f32.msk $0xffff, v59  }
0x2ed: {  	[tilespmem:s17+$0x8D20] =	vst.add.f32.msk $0xffff, v60  }
0x2ee: {  	[tilespmem:s17+$0x8D30] =	vst.add.f32.msk $0xffff, v61  }
0x2ef: {  	s14 =	simm.s32 $0x80;
	s23 =	simm.s32 $0x200;
	[tilespmem:s17+$0x8D40] =	vst.add.f32.msk $0xffff, v62  }
0x2f0: {  	s4 =	sand.u32 $0x7000, s23;
	s23 =	sand.u32 $0x380, s14;
	s22 =	simm.s32 $0x400;
	[tilespmem:s17+$0x8D50] =	vst.add.f32.msk $0xffff, v63  }
.LBB2_6:
0x2f1: {  	p0 =	sne.s32 s22, $0x7E00;
	[tilespmem:s17+$0x8D60] =	vst.add.f32.msk $0xffff, v3;
	s17 =	sor.u32 s23, s4  }
0x2f2: {  	v3 =	vld [tilespmem:s17+$0xD70]  }
0x2f3: {  	v4 =	vld [tilespmem:s17+$0x100]  }
0x2f4: {  	v5 =	vld [tilespmem:s17+$0x110]  }
0x2f5: {  	v6 =	vld [tilespmem:s17+$0x120]  }
0x2f6: {  	v7 =	vld [tilespmem:s17+$0x130]  }
0x2f7: {  	[tilespmem:s17+$0x8D70] =	vst.add.f32.msk $0xffff, v3  }
0x2f8: {  	v8 =	vld [tilespmem:s17+$0x140]  }
0x2f9: {  	v9 =	vld [tilespmem:s17+$0x150]  }
0x2fa: {  	v10 =	vld [tilespmem:s17+$0x160]  }
0x2fb: {  	v11 =	vld [tilespmem:s17+$0x170]  }
0x2fc: {  	v12 =	vld [tilespmem:s17+$0x500]  }
0x2fd: {  	v13 =	vld [tilespmem:s17+$0x510]  }
0x2fe: {  	v14 =	vld [tilespmem:s17+$0x520]  }
0x2ff: {  	v15 =	vld [tilespmem:s17+$0x530]  }
0x300: {  	v16 =	vld [tilespmem:s17+$0x540]  }
0x301: {  	v17 =	vld [tilespmem:s17+$0x550]  }
0x302: {  	v18 =	vld [tilespmem:s17+$0x560]  }
0x303: {  	v19 =	vld [tilespmem:s17+$0x570]  }
0x304: {  	v20 =	vld [tilespmem:s17+$0x900]  }
0x305: {  	v21 =	vld [tilespmem:s17+$0x910]  }
0x306: {  	v22 =	vld [tilespmem:s17+$0x920]  }
0x307: {  	v23 =	vld [tilespmem:s17+$0x930]  }
0x308: {  	v24 =	vld [tilespmem:s17+$0x940]  }
0x309: {  	v25 =	vld [tilespmem:s17+$0x950]  }
0x30a: {  	v26 =	vld [tilespmem:s17+$0x960]  }
0x30b: {  	v27 =	vld [tilespmem:s17+$0x970]  }
0x30c: {  	v28 =	vld [tilespmem:s17+$0xD00]  }
0x30d: {  	v29 =	vld [tilespmem:s17+$0xD10]  }
0x30e: {  	v30 =	vld [tilespmem:s17+$0xD20]  }
0x30f: {  	v31 =	vld [tilespmem:s17+$0xD30]  }
0x310: {  	v32 =	vld [tilespmem:s17+$0xD40]  }
0x311: {  	v33 =	vld [tilespmem:s17+$0xD50]  }
0x312: {  	v3 =	vld [tilespmem:s17+$0xD60]  }
0x313: {  	[tilespmem:s17+$0x8100] =	vst.add.f32.msk $0xffff, v4  }
0x314: {  	[tilespmem:s17+$0x8110] =	vst.add.f32.msk $0xffff, v5  }
0x315: {  	[tilespmem:s17+$0x8120] =	vst.add.f32.msk $0xffff, v6  }
0x316: {  	[tilespmem:s17+$0x8130] =	vst.add.f32.msk $0xffff, v7  }
0x317: {  	[tilespmem:s17+$0x8140] =	vst.add.f32.msk $0xffff, v8  }
0x318: {  	[tilespmem:s17+$0x8150] =	vst.add.f32.msk $0xffff, v9  }
0x319: {  	[tilespmem:s17+$0x8160] =	vst.add.f32.msk $0xffff, v10  }
0x31a: {  	[tilespmem:s17+$0x8170] =	vst.add.f32.msk $0xffff, v11  }
0x31b: {  	[tilespmem:s17+$0x8500] =	vst.add.f32.msk $0xffff, v12  }
0x31c: {  	[tilespmem:s17+$0x8510] =	vst.add.f32.msk $0xffff, v13  }
0x31d: {  	[tilespmem:s17+$0x8520] =	vst.add.f32.msk $0xffff, v14  }
0x31e: {  	[tilespmem:s17+$0x8530] =	vst.add.f32.msk $0xffff, v15  }
0x31f: {  	[tilespmem:s17+$0x8540] =	vst.add.f32.msk $0xffff, v16  }
0x320: {  	[tilespmem:s17+$0x8550] =	vst.add.f32.msk $0xffff, v17  }
0x321: {  	[tilespmem:s17+$0x8560] =	vst.add.f32.msk $0xffff, v18  }
0x322: {  	[tilespmem:s17+$0x8570] =	vst.add.f32.msk $0xffff, v19  }
0x323: {  	[tilespmem:s17+$0x8900] =	vst.add.f32.msk $0xffff, v20  }
0x324: {  	[tilespmem:s17+$0x8910] =	vst.add.f32.msk $0xffff, v21  }
0x325: {  	[tilespmem:s17+$0x8920] =	vst.add.f32.msk $0xffff, v22  }
0x326: {  	[tilespmem:s17+$0x8930] =	vst.add.f32.msk $0xffff, v23  }
0x327: {  	[tilespmem:s17+$0x8940] =	vst.add.f32.msk $0xffff, v24  }
0x328: {  	[tilespmem:s17+$0x8950] =	vst.add.f32.msk $0xffff, v25  }
0x329: {  	[tilespmem:s17+$0x8960] =	vst.add.f32.msk $0xffff, v26  }
0x32a: {  	[tilespmem:s17+$0x8970] =	vst.add.f32.msk $0xffff, v27  }
0x32b: {  	[tilespmem:s17+$0x8D00] =	vst.add.f32.msk $0xffff, v28  }
.Ltmp2:
0x32c: {  	[tilespmem:s17+$0x8D10] =	vst.add.f32.msk $0xffff, v29;
	(pc) =	sbr.rel @p0 .LBB2_6-.Ltmp2, $4  }
0x32d: {  	[tilespmem:s17+$0x8D20] =	vst.add.f32.msk $0xffff, v30  }
0x32e: {  	[tilespmem:s17+$0x8D30] =	vst.add.f32.msk $0xffff, v31  }
0x32f: {  	s14 =	sadd.s32 $0x80, s14;
	[tilespmem:s17+$0x8D40] =	vst.add.f32.msk $0xffff, v32  }
0x330: {  	s4 =	sand.u32 $0x7000, s22;
	s22 =	sadd.s32 $0x200, s22;
	s23 =	sand.u32 $0x380, s14;
	[tilespmem:s17+$0x8D50] =	vst.add.f32.msk $0xffff, v33  }
0x331: {  	s14 =	sor.u32 s23, s4;
	[tilespmem:s17+$0x8D60] =	vst.add.f32.msk $0xffff, v3  }
0x332: {  	v3 =	vld [tilespmem:s14+$0xD70]  }
0x333: {  	v4 =	vld [tilespmem:s14+$0x100]  }
0x334: {  	v5 =	vld [tilespmem:s14+$0x110]  }
0x335: {  	v6 =	vld [tilespmem:s14+$0x120]  }
0x336: {  	v7 =	vld [tilespmem:s14+$0x130]  }
0x337: {  	v8 =	vld [tilespmem:s14+$0x150]  }
0x338: {  	v9 =	vld [tilespmem:s14+$0x160]  }
0x339: {  	v10 =	vld [tilespmem:s14+$0x170]  }
0x33a: {  	v11 =	vld [tilespmem:s14+$0x500]  }
0x33b: {  	v12 =	vld [tilespmem:s14+$0x510]  }
0x33c: {  	v13 =	vld [tilespmem:s14+$0x520]  }
0x33d: {  	v14 =	vld [tilespmem:s14+$0x530]  }
0x33e: {  	v15 =	vld [tilespmem:s14+$0x540]  }
0x33f: {  	v16 =	vld [tilespmem:s14+$0x550]  }
0x340: {  	v17 =	vld [tilespmem:s14+$0x560]  }
0x341: {  	v18 =	vld [tilespmem:s14+$0x570]  }
0x342: {  	v19 =	vld [tilespmem:s14+$0x900]  }
0x343: {  	v20 =	vld [tilespmem:s14+$0x910]  }
0x344: {  	v21 =	vld [tilespmem:s14+$0x920]  }
0x345: {  	v22 =	vld [tilespmem:s14+$0x930]  }
0x346: {  	v23 =	vld [tilespmem:s14+$0x940]  }
0x347: {  	v24 =	vld [tilespmem:s14+$0x950]  }
0x348: {  	v25 =	vld [tilespmem:s14+$0x960]  }
0x349: {  	v26 =	vld [tilespmem:s14+$0x970]  }
0x34a: {  	v27 =	vld [tilespmem:s14+$0xD00]  }
0x34b: {  	v28 =	vld [tilespmem:s14+$0xD10]  }
0x34c: {  	v29 =	vld [tilespmem:s14+$0xD20]  }
0x34d: {  	v30 =	vld [tilespmem:s14+$0xD30]  }
0x34e: {  	v31 =	vld [tilespmem:s14+$0xD40]  }
0x34f: {  	v32 =	vld [tilespmem:s14+$0xD50]  }
0x350: {  	v33 =	vld [tilespmem:s14+$0xD60]  }
0x351: {  	[tilespmem:s14+$0x8D70] =	vst.add.f32.msk $0xffff, v3  }
0x352: {  	v3 =	vld [tilespmem:s14+$0x140]  }
0x353: {  	[tilespmem:s14+$0x8100] =	vst.add.f32.msk $0xffff, v4  }
0x354: {  	[tilespmem:s14+$0x8110] =	vst.add.f32.msk $0xffff, v5  }
0x355: {  	[tilespmem:s14+$0x8120] =	vst.add.f32.msk $0xffff, v6  }
0x356: {  	[tilespmem:s14+$0x8130] =	vst.add.f32.msk $0xffff, v7  }
0x357: {  	[tilespmem:s14+$0x8150] =	vst.add.f32.msk $0xffff, v8  }
0x358: {  	[tilespmem:s14+$0x8160] =	vst.add.f32.msk $0xffff, v9  }
0x359: {  	[tilespmem:s14+$0x8170] =	vst.add.f32.msk $0xffff, v10  }
0x35a: {  	[tilespmem:s14+$0x8500] =	vst.add.f32.msk $0xffff, v11  }
0x35b: {  	[tilespmem:s14+$0x8510] =	vst.add.f32.msk $0xffff, v12  }
0x35c: {  	[tilespmem:s14+$0x8520] =	vst.add.f32.msk $0xffff, v13  }
0x35d: {  	[tilespmem:s14+$0x8530] =	vst.add.f32.msk $0xffff, v14  }
0x35e: {  	[tilespmem:s14+$0x8540] =	vst.add.f32.msk $0xffff, v15  }
0x35f: {  	[tilespmem:s14+$0x8550] =	vst.add.f32.msk $0xffff, v16  }
0x360: {  	[tilespmem:s14+$0x8560] =	vst.add.f32.msk $0xffff, v17  }
0x361: {  	[tilespmem:s14+$0x8570] =	vst.add.f32.msk $0xffff, v18  }
0x362: {  	[tilespmem:s14+$0x8900] =	vst.add.f32.msk $0xffff, v19  }
0x363: {  	[tilespmem:s14+$0x8910] =	vst.add.f32.msk $0xffff, v20  }
0x364: {  	[tilespmem:s14+$0x8920] =	vst.add.f32.msk $0xffff, v21  }
0x365: {  	[tilespmem:s14+$0x8930] =	vst.add.f32.msk $0xffff, v22  }
0x366: {  	[tilespmem:s14+$0x8940] =	vst.add.f32.msk $0xffff, v23  }
0x367: {  	[tilespmem:s14+$0x8950] =	vst.add.f32.msk $0xffff, v24  }
0x368: {  	[tilespmem:s14+$0x8960] =	vst.add.f32.msk $0xffff, v25  }
0x369: {  	[tilespmem:s14+$0x8970] =	vst.add.f32.msk $0xffff, v26  }
0x36a: {  	[tilespmem:s14+$0x8D00] =	vst.add.f32.msk $0xffff, v27  }
0x36b: {  	[tilespmem:s14+$0x8D10] =	vst.add.f32.msk $0xffff, v28  }
0x36c: {  	[tilespmem:s14+$0x8D20] =	vst.add.f32.msk $0xffff, v29  }
0x36d: {  	[tilespmem:s14+$0x8D30] =	vst.add.f32.msk $0xffff, v30  }
0x36e: {  	[tilespmem:s14+$0x8D40] =	vst.add.f32.msk $0xffff, v31  }
0x36f: {  	[tilespmem:s14+$0x8D50] =	vst.add.f32.msk $0xffff, v32  }
0x370: {  	[tilespmem:s14+$0x8D60] =	vst.add.f32.msk $0xffff, v33  }
0x371: {  	s23 =	simm.s32 $0x0;
	s17 =	rddreg [dreg:$0xa];
	[tilespmem:s14+$0x8140] =	vst.add.f32.msk $0xffff, v3  }
0x372: {  	[hbm4b:s17+s23] =	stream.linear.scatter [tilespmem:s20], [sflag:$0x5], $0x8000, $0x38;
	[tilespmem:$0x18100] =	vst v63  }
0x373: {  	_ =	swait.ge [sflag:s12], $0x8000  }
0x374: {  	s22 =	sand.u32 $0x7000, s23;
	s4 =	sand.u32 $0x380, s23;
	[sflag:s12] =	ssyncset.done $0x0  }
0x375: {  	s17 =	sor.u32 s4, s22;
	[sflag:s12] =	ssyncadd.s32 $0xFFFF8000  }
0x376: {  	v3 =	vld [tilespmem:s17+$0xD70]  }
0x377: {  	v4 =	vld [tilespmem:s17+$0x100]  }
0x378: {  	v5 =	vld [tilespmem:s17+$0x110]  }
0x379: {  	v36 =	vld [tilespmem:s17+$0x120]  }
0x37a: {  	v37 =	vld [tilespmem:s17+$0x130]  }
0x37b: {  	v38 =	vld [tilespmem:s17+$0x140]  }
0x37c: {  	v39 =	vld [tilespmem:s17+$0x150]  }
0x37d: {  	v40 =	vld [tilespmem:s17+$0x160]  }
0x37e: {  	v41 =	vld [tilespmem:s17+$0x170]  }
0x37f: {  	v42 =	vld [tilespmem:s17+$0x500]  }
0x380: {  	v43 =	vld [tilespmem:s17+$0x510]  }
0x381: {  	v44 =	vld [tilespmem:s17+$0x520]  }
0x382: {  	v45 =	vld [tilespmem:s17+$0x530]  }
0x383: {  	v46 =	vld [tilespmem:s17+$0x540]  }
0x384: {  	v47 =	vld [tilespmem:s17+$0x550]  }
0x385: {  	v48 =	vld [tilespmem:s17+$0x560]  }
0x386: {  	v49 =	vld [tilespmem:s17+$0x570]  }
0x387: {  	v50 =	vld [tilespmem:s17+$0x900]  }
0x388: {  	v51 =	vld [tilespmem:s17+$0x910]  }
0x389: {  	v52 =	vld [tilespmem:s17+$0x920]  }
0x38a: {  	v53 =	vld [tilespmem:s17+$0x930]  }
0x38b: {  	v54 =	vld [tilespmem:s17+$0x940]  }
0x38c: {  	v55 =	vld [tilespmem:s17+$0x950]  }
0x38d: {  	v56 =	vld [tilespmem:s17+$0x960]  }
0x38e: {  	v57 =	vld [tilespmem:s17+$0x970]  }
0x38f: {  	v58 =	vld [tilespmem:s17+$0xD00]  }
0x390: {  	v59 =	vld [tilespmem:s17+$0xD10]  }
0x391: {  	v60 =	vld [tilespmem:s17+$0xD20]  }
0x392: {  	v61 =	vld [tilespmem:s17+$0xD30]  }
0x393: {  	v62 =	vld [tilespmem:s17+$0xD40]  }
0x394: {  	v63 =	vld [tilespmem:s17+$0xD50]  }
0x395: {  	[tilespmem:s17+$0x10D70] =	vst.add.f32.msk $0xffff, v3  }
0x396: {  	v3 =	vld [tilespmem:s17+$0xD60]  }
0x397: {  	[tilespmem:s17+$0x10100] =	vst.add.f32.msk $0xffff, v4  }
0x398: {  	[tilespmem:s17+$0x10110] =	vst.add.f32.msk $0xffff, v5  }
0x399: {  	[tilespmem:s17+$0x10120] =	vst.add.f32.msk $0xffff, v36  }
0x39a: {  	[tilespmem:s17+$0x10130] =	vst.add.f32.msk $0xffff, v37  }
0x39b: {  	[tilespmem:s17+$0x10140] =	vst.add.f32.msk $0xffff, v38  }
0x39c: {  	[tilespmem:s17+$0x10150] =	vst.add.f32.msk $0xffff, v39  }
0x39d: {  	[tilespmem:s17+$0x10160] =	vst.add.f32.msk $0xffff, v40  }
0x39e: {  	[tilespmem:s17+$0x10170] =	vst.add.f32.msk $0xffff, v41  }
0x39f: {  	[tilespmem:s17+$0x10500] =	vst.add.f32.msk $0xffff, v42  }
0x3a0: {  	[tilespmem:s17+$0x10510] =	vst.add.f32.msk $0xffff, v43  }
0x3a1: {  	[tilespmem:s17+$0x10520] =	vst.add.f32.msk $0xffff, v44  }
0x3a2: {  	[tilespmem:s17+$0x10530] =	vst.add.f32.msk $0xffff, v45  }
0x3a3: {  	[tilespmem:s17+$0x10540] =	vst.add.f32.msk $0xffff, v46  }
0x3a4: {  	[tilespmem:s17+$0x10550] =	vst.add.f32.msk $0xffff, v47  }
0x3a5: {  	[tilespmem:s17+$0x10560] =	vst.add.f32.msk $0xffff, v48  }
0x3a6: {  	[tilespmem:s17+$0x10570] =	vst.add.f32.msk $0xffff, v49  }
0x3a7: {  	[tilespmem:s17+$0x10900] =	vst.add.f32.msk $0xffff, v50  }
0x3a8: {  	[tilespmem:s17+$0x10910] =	vst.add.f32.msk $0xffff, v51  }
0x3a9: {  	[tilespmem:s17+$0x10920] =	vst.add.f32.msk $0xffff, v52  }
0x3aa: {  	[tilespmem:s17+$0x10930] =	vst.add.f32.msk $0xffff, v53  }
0x3ab: {  	[tilespmem:s17+$0x10940] =	vst.add.f32.msk $0xffff, v54  }
0x3ac: {  	[tilespmem:s17+$0x10950] =	vst.add.f32.msk $0xffff, v55  }
0x3ad: {  	[tilespmem:s17+$0x10960] =	vst.add.f32.msk $0xffff, v56  }
0x3ae: {  	[tilespmem:s17+$0x10970] =	vst.add.f32.msk $0xffff, v57  }
0x3af: {  	[tilespmem:s17+$0x10D00] =	vst.add.f32.msk $0xffff, v58  }
0x3b0: {  	[tilespmem:s17+$0x10D10] =	vst.add.f32.msk $0xffff, v59  }
0x3b1: {  	[tilespmem:s17+$0x10D20] =	vst.add.f32.msk $0xffff, v60  }
0x3b2: {  	[tilespmem:s17+$0x10D30] =	vst.add.f32.msk $0xffff, v61  }
0x3b3: {  	s14 =	simm.s32 $0x80;
	s23 =	simm.s32 $0x200;
	[tilespmem:s17+$0x10D40] =	vst.add.f32.msk $0xffff, v62  }
0x3b4: {  	s22 =	simm.s32 $0x400;
	s4 =	sand.u32 $0x7000, s23;
	s23 =	sand.u32 $0x380, s14;
	[tilespmem:s17+$0x10D50] =	vst.add.f32.msk $0xffff, v63  }
.LBB2_8:
0x3b5: {  	p0 =	sne.s32 s22, $0x7E00;
	[tilespmem:s17+$0x10D60] =	vst.add.f32.msk $0xffff, v3;
	s17 =	sor.u32 s23, s4  }
0x3b6: {  	v3 =	vld [tilespmem:s17+$0xD70]  }
0x3b7: {  	v4 =	vld [tilespmem:s17+$0x100]  }
0x3b8: {  	v5 =	vld [tilespmem:s17+$0x110]  }
0x3b9: {  	v6 =	vld [tilespmem:s17+$0x120]  }
0x3ba: {  	v7 =	vld [tilespmem:s17+$0x130]  }
0x3bb: {  	[tilespmem:s17+$0x10D70] =	vst.add.f32.msk $0xffff, v3  }
0x3bc: {  	v8 =	vld [tilespmem:s17+$0x140]  }
0x3bd: {  	v9 =	vld [tilespmem:s17+$0x150]  }
0x3be: {  	v10 =	vld [tilespmem:s17+$0x160]  }
0x3bf: {  	v11 =	vld [tilespmem:s17+$0x170]  }
0x3c0: {  	v12 =	vld [tilespmem:s17+$0x500]  }
0x3c1: {  	v13 =	vld [tilespmem:s17+$0x510]  }
0x3c2: {  	v14 =	vld [tilespmem:s17+$0x520]  }
0x3c3: {  	v15 =	vld [tilespmem:s17+$0x530]  }
0x3c4: {  	v16 =	vld [tilespmem:s17+$0x540]  }
0x3c5: {  	v17 =	vld [tilespmem:s17+$0x550]  }
0x3c6: {  	v18 =	vld [tilespmem:s17+$0x560]  }
0x3c7: {  	v19 =	vld [tilespmem:s17+$0x570]  }
0x3c8: {  	v20 =	vld [tilespmem:s17+$0x900]  }
0x3c9: {  	v21 =	vld [tilespmem:s17+$0x910]  }
0x3ca: {  	v22 =	vld [tilespmem:s17+$0x920]  }
0x3cb: {  	v23 =	vld [tilespmem:s17+$0x930]  }
0x3cc: {  	v24 =	vld [tilespmem:s17+$0x940]  }
0x3cd: {  	v25 =	vld [tilespmem:s17+$0x950]  }
0x3ce: {  	v26 =	vld [tilespmem:s17+$0x960]  }
0x3cf: {  	v27 =	vld [tilespmem:s17+$0x970]  }
0x3d0: {  	v28 =	vld [tilespmem:s17+$0xD00]  }
0x3d1: {  	v29 =	vld [tilespmem:s17+$0xD10]  }
0x3d2: {  	v30 =	vld [tilespmem:s17+$0xD20]  }
0x3d3: {  	v31 =	vld [tilespmem:s17+$0xD30]  }
0x3d4: {  	v32 =	vld [tilespmem:s17+$0xD40]  }
0x3d5: {  	v33 =	vld [tilespmem:s17+$0xD50]  }
0x3d6: {  	v3 =	vld [tilespmem:s17+$0xD60]  }
0x3d7: {  	[tilespmem:s17+$0x10100] =	vst.add.f32.msk $0xffff, v4  }
0x3d8: {  	[tilespmem:s17+$0x10110] =	vst.add.f32.msk $0xffff, v5  }
0x3d9: {  	[tilespmem:s17+$0x10120] =	vst.add.f32.msk $0xffff, v6  }
0x3da: {  	[tilespmem:s17+$0x10130] =	vst.add.f32.msk $0xffff, v7  }
0x3db: {  	[tilespmem:s17+$0x10140] =	vst.add.f32.msk $0xffff, v8  }
0x3dc: {  	[tilespmem:s17+$0x10150] =	vst.add.f32.msk $0xffff, v9  }
0x3dd: {  	[tilespmem:s17+$0x10160] =	vst.add.f32.msk $0xffff, v10  }
0x3de: {  	[tilespmem:s17+$0x10170] =	vst.add.f32.msk $0xffff, v11  }
0x3df: {  	[tilespmem:s17+$0x10500] =	vst.add.f32.msk $0xffff, v12  }
0x3e0: {  	[tilespmem:s17+$0x10510] =	vst.add.f32.msk $0xffff, v13  }
0x3e1: {  	[tilespmem:s17+$0x10520] =	vst.add.f32.msk $0xffff, v14  }
0x3e2: {  	[tilespmem:s17+$0x10530] =	vst.add.f32.msk $0xffff, v15  }
0x3e3: {  	[tilespmem:s17+$0x10540] =	vst.add.f32.msk $0xffff, v16  }
0x3e4: {  	[tilespmem:s17+$0x10550] =	vst.add.f32.msk $0xffff, v17  }
0x3e5: {  	[tilespmem:s17+$0x10560] =	vst.add.f32.msk $0xffff, v18  }
0x3e6: {  	[tilespmem:s17+$0x10570] =	vst.add.f32.msk $0xffff, v19  }
0x3e7: {  	[tilespmem:s17+$0x10900] =	vst.add.f32.msk $0xffff, v20  }
0x3e8: {  	[tilespmem:s17+$0x10910] =	vst.add.f32.msk $0xffff, v21  }
0x3e9: {  	[tilespmem:s17+$0x10920] =	vst.add.f32.msk $0xffff, v22  }
0x3ea: {  	[tilespmem:s17+$0x10930] =	vst.add.f32.msk $0xffff, v23  }
0x3eb: {  	[tilespmem:s17+$0x10940] =	vst.add.f32.msk $0xffff, v24  }
0x3ec: {  	[tilespmem:s17+$0x10950] =	vst.add.f32.msk $0xffff, v25  }
0x3ed: {  	[tilespmem:s17+$0x10960] =	vst.add.f32.msk $0xffff, v26  }
0x3ee: {  	[tilespmem:s17+$0x10970] =	vst.add.f32.msk $0xffff, v27  }
0x3ef: {  	[tilespmem:s17+$0x10D00] =	vst.add.f32.msk $0xffff, v28  }
.Ltmp3:
0x3f0: {  	[tilespmem:s17+$0x10D10] =	vst.add.f32.msk $0xffff, v29;
	(pc) =	sbr.rel @p0 .LBB2_8-.Ltmp3, $4  }
0x3f1: {  	[tilespmem:s17+$0x10D20] =	vst.add.f32.msk $0xffff, v30  }
0x3f2: {  	[tilespmem:s17+$0x10D30] =	vst.add.f32.msk $0xffff, v31  }
0x3f3: {  	s14 =	sadd.s32 $0x80, s14;
	[tilespmem:s17+$0x10D40] =	vst.add.f32.msk $0xffff, v32  }
0x3f4: {  	s4 =	sand.u32 $0x7000, s22;
	s22 =	sadd.s32 $0x200, s22;
	s23 =	sand.u32 $0x380, s14;
	[tilespmem:s17+$0x10D50] =	vst.add.f32.msk $0xffff, v33  }
0x3f5: {  	s14 =	sor.u32 s23, s4;
	[tilespmem:s17+$0x10D60] =	vst.add.f32.msk $0xffff, v3  }
0x3f6: {  	v3 =	vld [tilespmem:s14+$0xD70]  }
0x3f7: {  	v4 =	vld [tilespmem:s14+$0x100]  }
0x3f8: {  	v5 =	vld [tilespmem:s14+$0x110]  }
0x3f9: {  	v6 =	vld [tilespmem:s14+$0x120]  }
0x3fa: {  	v7 =	vld [tilespmem:s14+$0x130]  }
0x3fb: {  	v8 =	vld [tilespmem:s14+$0x150]  }
0x3fc: {  	v9 =	vld [tilespmem:s14+$0x160]  }
0x3fd: {  	v10 =	vld [tilespmem:s14+$0x170]  }
0x3fe: {  	v11 =	vld [tilespmem:s14+$0x500]  }
0x3ff: {  	v12 =	vld [tilespmem:s14+$0x510]  }
0x400: {  	v13 =	vld [tilespmem:s14+$0x520]  }
0x401: {  	v14 =	vld [tilespmem:s14+$0x530]  }
0x402: {  	v15 =	vld [tilespmem:s14+$0x540]  }
0x403: {  	v16 =	vld [tilespmem:s14+$0x550]  }
0x404: {  	v17 =	vld [tilespmem:s14+$0x560]  }
0x405: {  	v18 =	vld [tilespmem:s14+$0x570]  }
0x406: {  	v19 =	vld [tilespmem:s14+$0x900]  }
0x407: {  	v20 =	vld [tilespmem:s14+$0x910]  }
0x408: {  	v21 =	vld [tilespmem:s14+$0x920]  }
0x409: {  	v22 =	vld [tilespmem:s14+$0x930]  }
0x40a: {  	v23 =	vld [tilespmem:s14+$0x940]  }
0x40b: {  	v24 =	vld [tilespmem:s14+$0x950]  }
0x40c: {  	v25 =	vld [tilespmem:s14+$0x960]  }
0x40d: {  	v26 =	vld [tilespmem:s14+$0x970]  }
0x40e: {  	v27 =	vld [tilespmem:s14+$0xD00]  }
0x40f: {  	v28 =	vld [tilespmem:s14+$0xD10]  }
0x410: {  	v29 =	vld [tilespmem:s14+$0xD20]  }
0x411: {  	v30 =	vld [tilespmem:s14+$0xD30]  }
0x412: {  	v31 =	vld [tilespmem:s14+$0xD40]  }
0x413: {  	v32 =	vld [tilespmem:s14+$0xD50]  }
0x414: {  	v33 =	vld [tilespmem:s14+$0xD60]  }
0x415: {  	[tilespmem:s14+$0x10D70] =	vst.add.f32.msk $0xffff, v3  }
0x416: {  	v3 =	vld [tilespmem:s14+$0x140]  }
0x417: {  	[tilespmem:s14+$0x10100] =	vst.add.f32.msk $0xffff, v4  }
0x418: {  	[tilespmem:s14+$0x10110] =	vst.add.f32.msk $0xffff, v5  }
0x419: {  	[tilespmem:s14+$0x10120] =	vst.add.f32.msk $0xffff, v6  }
0x41a: {  	[tilespmem:s14+$0x10130] =	vst.add.f32.msk $0xffff, v7  }
0x41b: {  	[tilespmem:s14+$0x10150] =	vst.add.f32.msk $0xffff, v8  }
0x41c: {  	[tilespmem:s14+$0x10160] =	vst.add.f32.msk $0xffff, v9  }
0x41d: {  	[tilespmem:s14+$0x10170] =	vst.add.f32.msk $0xffff, v10  }
0x41e: {  	[tilespmem:s14+$0x10500] =	vst.add.f32.msk $0xffff, v11  }
0x41f: {  	[tilespmem:s14+$0x10510] =	vst.add.f32.msk $0xffff, v12  }
0x420: {  	[tilespmem:s14+$0x10520] =	vst.add.f32.msk $0xffff, v13  }
0x421: {  	[tilespmem:s14+$0x10530] =	vst.add.f32.msk $0xffff, v14  }
0x422: {  	[tilespmem:s14+$0x10540] =	vst.add.f32.msk $0xffff, v15  }
0x423: {  	[tilespmem:s14+$0x10550] =	vst.add.f32.msk $0xffff, v16  }
0x424: {  	[tilespmem:s14+$0x10560] =	vst.add.f32.msk $0xffff, v17  }
0x425: {  	[tilespmem:s14+$0x10570] =	vst.add.f32.msk $0xffff, v18  }
0x426: {  	[tilespmem:s14+$0x10900] =	vst.add.f32.msk $0xffff, v19  }
0x427: {  	[tilespmem:s14+$0x10910] =	vst.add.f32.msk $0xffff, v20  }
0x428: {  	[tilespmem:s14+$0x10920] =	vst.add.f32.msk $0xffff, v21  }
0x429: {  	[tilespmem:s14+$0x10930] =	vst.add.f32.msk $0xffff, v22  }
0x42a: {  	[tilespmem:s14+$0x10940] =	vst.add.f32.msk $0xffff, v23  }
0x42b: {  	[tilespmem:s14+$0x10950] =	vst.add.f32.msk $0xffff, v24  }
0x42c: {  	[tilespmem:s14+$0x10960] =	vst.add.f32.msk $0xffff, v25  }
0x42d: {  	[tilespmem:s14+$0x10970] =	vst.add.f32.msk $0xffff, v26  }
0x42e: {  	[tilespmem:s14+$0x10D00] =	vst.add.f32.msk $0xffff, v27  }
0x42f: {  	[tilespmem:s14+$0x10D10] =	vst.add.f32.msk $0xffff, v28  }
0x430: {  	[tilespmem:s14+$0x10D20] =	vst.add.f32.msk $0xffff, v29  }
0x431: {  	[tilespmem:s14+$0x10D30] =	vst.add.f32.msk $0xffff, v30  }
0x432: {  	[tilespmem:s14+$0x10D40] =	vst.add.f32.msk $0xffff, v31  }
0x433: {  	[tilespmem:s14+$0x10D50] =	vst.add.f32.msk $0xffff, v32  }
0x434: {  	[tilespmem:s14+$0x10D60] =	vst.add.f32.msk $0xffff, v33  }
0x435: {  	s22 =	rddreg [dreg:$0xb];
	[tilespmem:s14+$0x10140] =	vst.add.f32.msk $0xffff, v3  }
0x436: {  	[hbm4b:s22+s3] =	stream.linear.scatter [tilespmem:s21], [sflag:$0x6], $0x8000, $0x38;
	[tilespmem:$0x18100] =	vst v63  }
0x437: {  	_ =	swait.ge [sflag:s15], $0x8000  }
0x438: {  	[sflag:s15] =	ssyncset.done $0x0  }
0x439: {  	[sflag:s15] =	ssyncadd.s32 $0xFFFF8000  }
0x43a: {  	_ =	swait.ge [sflag:s16], $0x8000  }
0x43b: {  	s13 =	sadd.s32 $0x1, s13;
	s23 =	rddreg [dreg:$0xc]  }
0x43c: {  	p0 =	sne.s32 s13, s23  }
.Ltmp4:
0x43d: {  	_ = 	snop;
	(pc) =	sbr.rel @p0 .LBB2_1-.Ltmp4, $3  }
0x43e: {  	_ =	sdelay $0x1  }
0x43f: {  	[sflag:s16] =	ssyncset.done $0x0  }
0x440: {  	[sflag:s16] =	ssyncadd.s32 $0xFFFF8000  }
0x441: {  	_ =	sfence.sel $0x180000  }
0x442: {  	[bflag:$0x0] =	sbarrier.arrive $0xFFFF  }
0x443: {  	_ =	strace $0x90000047  }
0x444: {  	s0 =	stileid.u32;
	[bflag:$0x2] =	sbarrier.arrive $0xFFFF  }
0x445: {  	p0 =	sne.s32 s0, $0x0;
	s0 =	rddreg [dreg:$0x4]  }
0x446: {  	s0 =	sadd.s32 @!p0 $0x100000, s0  }
0x447: {  	[sflag:s0] =	ssyncadd.tile.s32 @!p0 $0x1;
	_ =	shalt  }
.Lfunc_end2:
_tile_overlayer_lowered:
.L_overlay_start_2:
0x448: {  	(tag) =	ssettag $0x2  }
0x449: {  	s0 =	rddreg [dreg:$0x0];
	s2 =	stileid.u32  }
0x44a: {  	s1 =	rddreg [dreg:$0x1];
	p0 =	sne.s32 s2, $0x0  }
0x44b: {  	s3 =	rddreg [dreg:$0x2];
	[bflag:$0x3] =	sbarrier.arrive $0xFFFF;
	s2 =	simm.s32 @!p0 $0x1C07  }
0x44c: {  	[timem:s3], [sflag:s2] =	dma.local @!p0 [hbm:s0], s1  }
0x44d: {  	s0 =	simm.s32 @!p0 $0x7  }
0x44e: {  	_ =	swait.ge @!p0 [sflag:s0], s1  }
0x44f: {  	s1 =	ssub.s32 @!p0 $0x0, s1;
	[sflag:s0] =	ssyncset.done @!p0 $0x0  }
0x450: {  	[sflag:s0] =	ssyncadd.s32 @!p0 s1  }
0x451: {  	[bflag:$0x3] =	sbarrier.arrive $0xFFFF  }
0x452: {  	_ =	shalt  }

</sc_bundles>
